<compile_context>
chip_gen: v7x
topology: tpu7x:2x2x1
jax: 0.10.2.dev20260603
libtpu: 0.0.44.dev20260713+nightly
codegen_flags: <defaults>
</compile_context>

<pallas_src>
import functools

import numpy as np
import jax
import jax.numpy as jnp
from jax import lax
from jax.experimental import pallas as pl
from jax.experimental.pallas import tpu as pltpu
from jax.experimental.pallas import tpu_sc as plsc

B = 4096
N_CAT = 26
N_CONT = 13
VOCAB = 100000
EMB = 64
TOTAL = N_CONT + N_CAT * EMB
HIDDEN = 512
NOISE_P = 0.1

NC, NS = 2, 16
NW = NC * NS
D_E = N_CAT * EMB
VPW = D_E // NW
LANES = 16

BM = 256


_noise_cache = {}


def _rotl32(x, r):
    return ((x << np.uint32(r)) | (x >> np.uint32(32 - r))).astype(np.uint32)


def _threefry2x32(k1, k2, x0, x1):
    x0 = x0.astype(np.uint32).copy()
    x1 = x1.astype(np.uint32).copy()
    ks0, ks1 = np.uint32(k1), np.uint32(k2)
    ks = [ks0, ks1, np.uint32(ks0 ^ ks1 ^ np.uint32(0x1BD11BDA))]
    rotations = [(13, 15, 26, 6), (17, 29, 16, 24)]
    x0 = (x0 + ks0).astype(np.uint32)
    x1 = (x1 + ks1).astype(np.uint32)
    for i in range(5):
        for r in rotations[i % 2]:
            x0 = (x0 + x1).astype(np.uint32)
            x1 = (_rotl32(x1, r) ^ x0).astype(np.uint32)
        x0 = (x0 + ks[(i + 1) % 3]).astype(np.uint32)
        x1 = (x1 + ks[(i + 2) % 3] + np.uint32(i + 1)).astype(np.uint32)
    return x0, x1


def _np_random_bits(key, shape):
    n = int(np.prod(shape))
    idx = np.arange(n, dtype=np.uint64)
    b1, b2 = _threefry2x32(key[0], key[1],
                           (idx >> np.uint64(32)).astype(np.uint32),
                           (idx & np.uint64(0xFFFFFFFF)).astype(np.uint32))
    return (b1 ^ b2).reshape(shape)


def _np_split(key, num=2):
    b1, b2 = _threefry2x32(key[0], key[1], np.zeros(num, np.uint32),
                           np.arange(num, dtype=np.uint32))
    return list(zip(b1, b2))


def _noise_constants():
    if not _noise_cache:
        kmask, kperm = _np_split((np.uint32(0), np.uint32(42)))
        bits = _np_random_bits(kmask, (B, TOTAL))
        u = ((bits >> np.uint32(9)) | np.uint32(0x3F800000)).view(np.float32)
        u = np.maximum(np.float32(0.0), u - np.float32(1.0))
        mask_np = u < np.float32(NOISE_P)
        perm = np.arange(B, dtype=np.int32)
        cur = kperm
        for _ in range(2):
            cur, sub = _np_split(cur)
            sort_keys = _np_random_bits(sub, (B,))
            assert len(np.unique(sort_keys)) == B
            perm = perm[np.argsort(sort_keys, kind="stable")]
        _noise_cache["mask_f"] = mask_np.astype(np.float32)
        _noise_cache["mask_eT_u8"] = np.ascontiguousarray(
            mask_np[:, N_CONT:].T).astype(np.uint8)
        _noise_cache["mask_c_f"] = np.ascontiguousarray(
            mask_np[:, :N_CONT]).astype(np.float32)
        _noise_cache["perm"] = perm
    return _noise_cache


H0 = 50048
H1 = VOCAB - H0


def _sc_sweep_body(table_t, idx0, idx1, out0, out1, vha, vhb,
                   l0a, l0b, l1a, l1b, tmp, o0v, o1v, s0, s1, osem):
    cid = lax.axis_index("c")
    sid = lax.axis_index("s")
    wid = sid * NC + cid
    base = wid * VPW
    last = base + VPW - 1
    f_first = base // EMB
    f_last = last // EMB

    pltpu.async_copy(table_t.at[base].at[pl.ds(0, H0)], vha, s0)

    def partition(idxref, feat, la, lb):
        pltpu.sync_copy(idxref.at[feat], tmp)

        def pc(k, carry):
            na, nb = carry
            ids = tmp[pl.ds(k * LANES, LANES)]
            pos = lax.iota(jnp.int32, LANES) + k * LANES
            packed = jnp.bitwise_or(jnp.left_shift(pos, 17), ids)
            m = ids < H0
            plsc.store_compressed(la.at[pl.ds(na, LANES)], packed, mask=m)
            plsc.store_compressed(lb.at[pl.ds(nb, LANES)], packed, mask=~m)
            inc = jnp.max(plsc.all_reduce_population_count(m))
            return na + inc, nb + (LANES - inc)

        return lax.fori_loop(0, B // LANES, pc, (0, 0), unroll=4)

    def gather_list(lref, n, vh, sub, ov):
        def gc(k, carry):
            o = k * LANES
            p = lref[pl.ds(o, LANES)]
            m = (lax.iota(jnp.int32, LANES) + o) < n
            ids = jnp.bitwise_and(p, 0x1FFFF) - sub
            pos = lax.shift_right_logical(p, 17)
            g = plsc.load_gather(vh, [ids], mask=m)
            plsc.store_scatter(ov, [pos], g, mask=m)
            return carry

        lax.fori_loop(0, (n + LANES - 1) // LANES, gc, 0)

    def feature(f, carry):
        n0a, n0b = partition(idx0, f, l0a, l0b)
        n1a, n1b = partition(idx1, f, l1a, l1b)
        lo_c = jnp.maximum(base, f * EMB)
        hi_c = jnp.minimum(base + VPW, (f + 1) * EMB)

        def sweep(c, carry2):
            pltpu.make_async_copy(
                table_t.at[c].at[pl.ds(0, H0)], vha, s0).wait()
            pltpu.async_copy(table_t.at[c].at[pl.ds(H0, H1)], vhb, s1)

            @pl.when(c > base)
            def _drain_outs():
                pltpu.make_async_copy(out0.at[c], o0v, osem).wait()
                pltpu.make_async_copy(out1.at[c], o1v, osem).wait()

            gather_list(l0a, n0a, vha, 0, o0v)
            gather_list(l1a, n1a, vha, 0, o1v)
            pltpu.make_async_copy(
                table_t.at[c].at[pl.ds(H0, H1)], vhb, s1).wait()
            cn = jnp.minimum(c + 1, last)
            pltpu.async_copy(table_t.at[cn].at[pl.ds(0, H0)], vha, s0)
            gather_list(l0b, n0b, vhb, H0, o0v)
            gather_list(l1b, n1b, vhb, H0, o1v)
            pltpu.async_copy(o0v, out0.at[c], osem)
            pltpu.async_copy(o1v, out1.at[c], osem)
            return carry2

        lax.fori_loop(lo_c, hi_c, sweep, 0)
        return carry

    lax.fori_loop(f_first, f_last + 1, feature, 0)
    pltpu.make_async_copy(table_t.at[last].at[pl.ds(0, H0)], vha, s0).wait()
    pltpu.make_async_copy(out0.at[last], o0v, osem).wait()
    pltpu.make_async_copy(out1.at[last], o1v, osem).wait()


@functools.cache
def _make_sc_sweep():
    return pl.kernel(
        _sc_sweep_body,
        out_type=(
            jax.ShapeDtypeStruct((D_E, B), jnp.float32),
            jax.ShapeDtypeStruct((D_E, B), jnp.float32),
        ),
        mesh=plsc.VectorSubcoreMesh(core_axis_name="c", subcore_axis_name="s",
                                    num_cores=NC, num_subcores=NS),
        scratch_types=[
            pltpu.VMEM((H0,), jnp.float32),
            pltpu.VMEM((H1,), jnp.float32),
            pltpu.VMEM((B + LANES,), jnp.int32),
            pltpu.VMEM((B + LANES,), jnp.int32),
            pltpu.VMEM((B + LANES,), jnp.int32),
            pltpu.VMEM((B + LANES,), jnp.int32),
            pltpu.VMEM((B,), jnp.int32),
            pltpu.VMEM((B,), jnp.float32),
            pltpu.VMEM((B,), jnp.float32),
            pltpu.SemaphoreType.DMA,
            pltpu.SemaphoreType.DMA,
            pltpu.SemaphoreType.DMA,
        ],
        compiler_params=pltpu.CompilerParams(use_tc_tiling_on_sc=True,
                                             needs_layout_passes=False),
    )


def _tc_body(e0t, e1t, met, cont, cperm, mc, w_e, w_c, bias, z):
    x_et = jnp.where(met[...] != 0, e1t[...], e0t[...])
    x_c = jnp.where(mc[...] != 0.0, cperm[...], cont[...])
    acc = jax.lax.dot_general(
        x_et, w_e[...], (((0,), (0,)), ((), ())),
        preferred_element_type=jnp.float32)
    acc = acc + jnp.dot(x_c, w_c[...], preferred_element_type=jnp.float32)
    z[...] = jnp.maximum(acc + bias[...], 0.0)


def _tc_forward(e0t, e1t, met, cont, cperm, mc, w_e, w_c, bias):
    return pl.pallas_call(
        _tc_body,
        grid=(B // BM,),
        in_specs=[
            pl.BlockSpec((D_E, BM), lambda m: (0, m)),
            pl.BlockSpec((D_E, BM), lambda m: (0, m)),
            pl.BlockSpec((D_E, BM), lambda m: (0, m)),
            pl.BlockSpec((BM, N_CONT), lambda m: (m, 0)),
            pl.BlockSpec((BM, N_CONT), lambda m: (m, 0)),
            pl.BlockSpec((BM, N_CONT), lambda m: (m, 0)),
            pl.BlockSpec((D_E, HIDDEN), lambda m: (0, 0)),
            pl.BlockSpec((N_CONT, HIDDEN), lambda m: (0, 0)),
            pl.BlockSpec((1, HIDDEN), lambda m: (0, 0)),
        ],
        out_specs=pl.BlockSpec((BM, HIDDEN), lambda m: (m, 0)),
        out_shape=jax.ShapeDtypeStruct((B, HIDDEN), jnp.float32),
    )(e0t, e1t, met, cont, cperm, mc, w_e, w_c, bias)


def kernel(continuous, categorical, emb_tables, W, b):
    nz = _noise_constants()
    perm = nz["perm"]

    cat = categorical.astype(jnp.int32)
    idx0 = cat.T
    idx1 = cat[perm, :].T

    table_t = emb_tables.transpose(0, 2, 1).reshape(D_E, VOCAB)
    e0t, e1t = _make_sc_sweep()(table_t, idx0, idx1)

    z = _tc_forward(
        e0t, e1t, jnp.asarray(nz["mask_eT_u8"]),
        continuous, continuous[perm, :], jnp.asarray(nz["mask_c_f"]),
        W[N_CONT:, :], W[:N_CONT, :], b.reshape(1, HIDDEN),
    )
    return z, jnp.asarray(nz["mask_f"])

# --- scband reference (transcript-rebuilt; emitter-appended) ---
"""Pipeline reference for scband-denoising-auto-encoder-featurizer-72541997630135 (READ-ONLY COPY).

The authoritative reference and input builder live on the scoring server;
editing this copy changes nothing except your own understanding.
"""

import jax, jax.numpy as jnp
import numpy as np

B = 4096
N_CAT = 26
N_CONT = 13
VOCAB = 100000
EMB_DIM = 64
TOTAL_DIM = N_CONT + N_CAT * EMB_DIM  # 1677
HIDDEN = 512
NOISE_P = 0.1


def setup_inputs(seed: int = 0) -> dict:
    key = jax.random.key(seed)
    k1, k2, k3, k4 = jax.random.split(key, 4)
    continuous = jax.random.normal(k1, (B, N_CONT), dtype=jnp.float32)
    categorical = jax.random.randint(k2, (B, N_CAT), 0, VOCAB)
    emb_tables = jax.random.normal(k3, (N_CAT, VOCAB, EMB_DIM), dtype=jnp.float32) * 0.01
    W = jax.random.normal(k4, (TOTAL_DIM, HIDDEN), dtype=jnp.float32) * 0.02
    b = jnp.zeros((HIDDEN,), dtype=jnp.float32)
    return {"continuous": continuous, "categorical": categorical,
            "emb_tables": emb_tables, "W": W, "b": b}


def reference(continuous, categorical, emb_tables, W, b):
    # _embed_input: all categorical features use nn.Embedding (cardinality > max_onehot)
    embeds = [jnp.take(emb_tables[i], categorical[:, i], axis=0) for i in range(N_CAT)]
    x_embed = jnp.concatenate(embeds, axis=1)  # [B, N_CAT*EMB_DIM]
    # OrderedDict order: binary(None), categorical(None), continuous, embedding
    x = jnp.concatenate([continuous, x_embed], axis=1)  # [B, TOTAL_DIM]
    # SwapNoiseCorrupter under torch.no_grad(): with prob p, swap element with
    # same feature from a random other row in the batch
    nkey = jax.random.key(42)
    kmask, kperm = jax.random.split(nkey)
    mask = jax.random.bernoulli(kmask, p=NOISE_P, shape=x.shape)
    perm = jax.random.permutation(kperm, x.shape[0])
    x_corrupt = jnp.where(mask, x[perm], x)
    x_corrupt = jax.lax.stop_gradient(x_corrupt)  # torch.no_grad semantics
    mask_f = mask.astype(jnp.float32)
    # encoder: simple linear + relu MLP on dict(continuous=x)
    z = jnp.maximum(x_corrupt @ W + b, 0.0)
    return (z, mask_f)

if __name__ == "__main__":
    import jax
    _d = setup_inputs()
    print(jax.jit(kernel)(*tuple(_d.values())))

</pallas_src>

<mosaic_0001>
#map = affine_map<(d0, d1) -> (0, 0)>
module attributes {stable_mosaic.version = 14 : i64} {
  func.func @_sc_sweep_body(%arg0: i32, %arg1: i32, %arg2: memref<1664x100000xf32, #tpu.memory_space<hbm>>, %arg3: memref<26x4096xi32, #tpu.memory_space<hbm>>, %arg4: memref<26x4096xi32, #tpu.memory_space<hbm>>, %arg5: memref<1664x4096xf32, #tpu.memory_space<hbm>>, %arg6: memref<1664x4096xf32, #tpu.memory_space<hbm>>, %arg7: memref<50048xf32, #tpu.memory_space<vmem>>, %arg8: memref<49952xf32, #tpu.memory_space<vmem>>, %arg9: memref<4112xi32, #tpu.memory_space<vmem>>, %arg10: memref<4112xi32, #tpu.memory_space<vmem>>, %arg11: memref<4112xi32, #tpu.memory_space<vmem>>, %arg12: memref<4112xi32, #tpu.memory_space<vmem>>, %arg13: memref<4096xi32, #tpu.memory_space<vmem>>, %arg14: memref<4096xf32, #tpu.memory_space<vmem>>, %arg15: memref<4096xf32, #tpu.memory_space<vmem>>, %arg16: memref<!tpu.dma_semaphore, #tpu.memory_space<semaphore_mem>>, %arg17: memref<!tpu.dma_semaphore, #tpu.memory_space<semaphore_mem>>, %arg18: memref<!tpu.dma_semaphore, #tpu.memory_space<semaphore_mem>>) attributes {dimension_semantics = [#tpu.dimension_semantics<core_parallel>, #tpu.dimension_semantics<subcore_parallel>], iteration_bounds = array<i64: 2, 16>, scalar_prefetch = 0 : i64, scratch_operands = 12 : i64, tpu.core_type = #tpu.core_type<sc_vector_subcore>, window_params = [{transform_indices = #map}, {transform_indices = #map}, {transform_indices = #map}, {transform_indices = #map}, {transform_indices = #map}]} {
    %mul3A = arith.constant 2 : i32
    %mul3A_0 = arith.muli %arg1, %mul3A : i32
    %add3A = arith.addi %mul3A_0, %arg0 : i32
    %mul3A_1 = arith.constant 52 : i32
    %mul3A_2 = arith.muli %add3A, %mul3A_1 : i32
    %add3A_3 = arith.constant 52 : i32
    %add3A_4 = arith.addi %mul3A_2, %add3A_3 : i32
    %sub3A = arith.constant 1 : i32
    %sub3A_5 = arith.subi %add3A_4, %sub3A : i32
    %jit3A = arith.constant 64 : i32
    %div3A = arith.divsi %mul3A_2, %jit3A : i32
    %sign3A = arith.constant 0 : i32
    %sign3A_6 = arith.cmpi sgt, %mul3A_2, %sign3A : i32
    %sign3A_7 = arith.extui %sign3A_6 : i1 to i32
    %sign3A_8 = arith.constant 0 : i32
    %sign3A_9 = arith.cmpi slt, %mul3A_2, %sign3A_8 : i32
    %sign3A_10 = arith.extui %sign3A_9 : i1 to i32
    %sign3A_11 = arith.subi %sign3A_7, %sign3A_10 : i32
    %sign3A_12 = arith.constant 0 : i32
    %sign3A_13 = arith.cmpi sgt, %jit3A, %sign3A_12 : i32
    %sign3A_14 = arith.extui %sign3A_13 : i1 to i32
    %sign3A_15 = arith.constant 0 : i32
    %sign3A_16 = arith.cmpi slt, %jit3A, %sign3A_15 : i32
    %sign3A_17 = arith.extui %sign3A_16 : i1 to i32
    %sign3A_18 = arith.subi %sign3A_14, %sign3A_17 : i32
    %ne3A = arith.cmpi ne, %sign3A_11, %sign3A_18 : i32
    %rem3A = arith.remsi %mul3A_2, %jit3A : i32
    %ne3A_19 = arith.constant 0 : i32
    %ne3A_20 = arith.cmpi ne, %rem3A, %ne3A_19 : i32
    %and3A = arith.andi %ne3A, %ne3A_20 : i1
    %sub3A_21 = arith.constant 1 : i32
    %sub3A_22 = arith.subi %div3A, %sub3A_21 : i32
    %select_n3A = arith.select %and3A, %sub3A_22, %div3A : i32
    %jit3A_23 = arith.constant 64 : i32
    %div3A_24 = arith.divsi %sub3A_5, %jit3A_23 : i32
    %sign3A_25 = arith.constant 0 : i32
    %sign3A_26 = arith.cmpi sgt, %sub3A_5, %sign3A_25 : i32
    %sign3A_27 = arith.extui %sign3A_26 : i1 to i32
    %sign3A_28 = arith.constant 0 : i32
    %sign3A_29 = arith.cmpi slt, %sub3A_5, %sign3A_28 : i32
    %sign3A_30 = arith.extui %sign3A_29 : i1 to i32
    %sign3A_31 = arith.subi %sign3A_27, %sign3A_30 : i32
    %sign3A_32 = arith.constant 0 : i32
    %sign3A_33 = arith.cmpi sgt, %jit3A_23, %sign3A_32 : i32
    %sign3A_34 = arith.extui %sign3A_33 : i1 to i32
    %sign3A_35 = arith.constant 0 : i32
    %sign3A_36 = arith.cmpi slt, %jit3A_23, %sign3A_35 : i32
    %sign3A_37 = arith.extui %sign3A_36 : i1 to i32
    %sign3A_38 = arith.subi %sign3A_34, %sign3A_37 : i32
    %ne3A_39 = arith.cmpi ne, %sign3A_31, %sign3A_38 : i32
    %rem3A_40 = arith.remsi %sub3A_5, %jit3A_23 : i32
    %ne3A_41 = arith.constant 0 : i32
    %ne3A_42 = arith.cmpi ne, %rem3A_40, %ne3A_41 : i32
    %and3A_43 = arith.andi %ne3A_39, %ne3A_42 : i1
    %sub3A_44 = arith.constant 1 : i32
    %sub3A_45 = arith.subi %div3A_24, %sub3A_44 : i32
    %select_n3A_46 = arith.select %and3A_43, %sub3A_45, %div3A_24 : i32
    %dma_start3A = arith.constant 0 : i32
    %dma_start3A_47 = tpu.memref_slice %arg2[%mul3A_2, %dma_start3A] : memref<1664x100000xf32, #tpu.memory_space<hbm>> -> memref<1x100000xf32, #tpu.memory_space<hbm>>
    %dma_start3A_48 = tpu.memref_squeeze %dma_start3A_47 : memref<1x100000xf32, #tpu.memory_space<hbm>> -> memref<100000xf32, #tpu.memory_space<hbm>>
    %dma_start3A_49 = arith.constant 0 : i32
    %dma_start3A_50 = tpu.memref_slice %dma_start3A_48[%dma_start3A_49] : memref<100000xf32, #tpu.memory_space<hbm>> -> memref<50048xf32, #tpu.memory_space<hbm>>
    %dma_start3A_51 = arith.constant 0 : i32
    %dma_start3A_52 = tpu.memref_slice %arg2[%mul3A_2, %dma_start3A_51] : memref<1664x100000xf32, #tpu.memory_space<hbm>> -> memref<1x100000xf32, #tpu.memory_space<hbm>>
    %dma_start3A_53 = tpu.memref_squeeze %dma_start3A_52 : memref<1x100000xf32, #tpu.memory_space<hbm>> -> memref<100000xf32, #tpu.memory_space<hbm>>
    %dma_start3A_54 = arith.constant 0 : i32
    %dma_start3A_55 = tpu.memref_slice %dma_start3A_53[%dma_start3A_54] : memref<100000xf32, #tpu.memory_space<hbm>> -> memref<50048xf32, #tpu.memory_space<hbm>>
    tpu.enqueue_dma source(%dma_start3A_55 : memref<50048xf32, #tpu.memory_space<hbm>>) target(%arg7 : memref<50048xf32, #tpu.memory_space<vmem>>) target_semaphore(%arg16 : memref<!tpu.dma_semaphore, #tpu.memory_space<semaphore_mem>>)
    %add3A_56 = arith.constant 1 : i32
    %add3A_57 = arith.addi %select_n3A_46, %add3A_56 : i32
    %while3A = arith.constant 0 : i32
    %while3A_58 = arith.subi %add3A_57, %select_n3A : i32
    %while3A_59 = arith.addi %select_n3A, %while3A_58 : i32
    %while3A_60 = arith.constant 1 : i32
    %while3A_61 = arith.divsi %while3A_58, %while3A_60 : i32
    %while3A_62 = arith.muli %while3A_61, %while3A_60 : i32
    %while3A_63 = arith.addi %select_n3A, %while3A_62 : i32
    %while3A_64 = arith.constant 1 : i32
    scf.for %while3A_87 = %select_n3A to %while3A_63 step %while3A_64  : i32 {
      "tpu.region"() ({
        %run_scoped3A = tpu.sem_alloc : memref<!tpu.dma_semaphore, #tpu.memory_space<semaphore_mem>>
        %dma_start3A_120 = arith.constant 0 : i32
        %dma_start3A_121 = tpu.memref_slice %arg3[%while3A_87, %dma_start3A_120] : memref<26x4096xi32, #tpu.memory_space<hbm>> -> memref<1x4096xi32, #tpu.memory_space<hbm>>
        %dma_start3A_122 = tpu.memref_squeeze %dma_start3A_121 : memref<1x4096xi32, #tpu.memory_space<hbm>> -> memref<4096xi32, #tpu.memory_space<hbm>>
        %dma_start3A_123 = arith.constant 0 : i32
        %dma_start3A_124 = tpu.memref_slice %arg3[%while3A_87, %dma_start3A_123] : memref<26x4096xi32, #tpu.memory_space<hbm>> -> memref<1x4096xi32, #tpu.memory_space<hbm>>
        %dma_start3A_125 = tpu.memref_squeeze %dma_start3A_124 : memref<1x4096xi32, #tpu.memory_space<hbm>> -> memref<4096xi32, #tpu.memory_space<hbm>>
        tpu.enqueue_dma source(%dma_start3A_125 : memref<4096xi32, #tpu.memory_space<hbm>>) target(%arg13 : memref<4096xi32, #tpu.memory_space<vmem>>) target_semaphore(%run_scoped3A : memref<!tpu.dma_semaphore, #tpu.memory_space<semaphore_mem>>)
        %dma_wait3A_126 = arith.constant 0 : i32
        %dma_wait3A_127 = tpu.memref_slice %arg3[%while3A_87, %dma_wait3A_126] : memref<26x4096xi32, #tpu.memory_space<hbm>> -> memref<1x4096xi32, #tpu.memory_space<hbm>>
        %dma_wait3A_128 = tpu.memref_squeeze %dma_wait3A_127 : memref<1x4096xi32, #tpu.memory_space<hbm>> -> memref<4096xi32, #tpu.memory_space<hbm>>
        %dma_wait3A_129 = arith.constant 0 : i32
        %dma_wait3A_130 = tpu.memref_slice %arg3[%while3A_87, %dma_wait3A_129] : memref<26x4096xi32, #tpu.memory_space<hbm>> -> memref<1x4096xi32, #tpu.memory_space<hbm>>
        %dma_wait3A_131 = tpu.memref_squeeze %dma_wait3A_130 : memref<1x4096xi32, #tpu.memory_space<hbm>> -> memref<4096xi32, #tpu.memory_space<hbm>>
        tpu.wait_dma2 semaphore(%run_scoped3A : memref<!tpu.dma_semaphore, #tpu.memory_space<semaphore_mem>>) src(%dma_wait3A_131 : memref<4096xi32, #tpu.memory_space<hbm>>) dst(%arg13 : memref<4096xi32, #tpu.memory_space<vmem>>)
        tpu.yield
      }) : () -> ()
      %scan3A = arith.constant 0 : i32
      %scan3A_88 = arith.constant 0 : i32
      %scan3A_89 = arith.constant 0 : i32
      %scan3A_90 = arith.constant 256 : i32
      %scan3A_91 = arith.addi %scan3A_89, %scan3A_90 : i32
      %scan3A_92 = arith.constant 4 : i32
      %scan3A_93:2 = scf.for %scan3A_120 = %scan3A_89 to %scan3A_91 step %scan3A_92 iter_args(%scan3A_121 = %scan3A, %scan3A_122 = %scan3A_88) -> (i32, i32)  : i32 {
        %mul3A_123 = arith.constant 16 : i32
        %mul3A_124 = arith.muli %scan3A_120, %mul3A_123 : i32
        %get3A = arith.index_cast %mul3A_124 : i32 to index
        %get3A_125 = tpu.vector_load %arg13[%get3A] {strides = array<i32>} : memref<4096xi32, #tpu.memory_space<vmem>>, vector<16xi32>,
        %iota3A = tpu.iota {dimensions = array<i32: 0>} : vector<16xi32>
        %mul3A_126 = arith.constant 16 : i32
        %mul3A_127 = arith.muli %scan3A_120, %mul3A_126 : i32
        %add3A_128 = vector.broadcast %mul3A_127 : i32 to vector<16xi32>
        %add3A_129 = arith.addi %iota3A, %add3A_128 : vector<16xi32>
        %shift_left3A = arith.constant 17 : i32
        %shift_left3A_130 = vector.broadcast %shift_left3A : i32 to vector<16xi32>
        %shift_left3A_131 = arith.shli %add3A_129, %shift_left3A_130 : vector<16xi32>
        %or3A = arith.ori %shift_left3A_131, %get3A_125 : vector<16xi32>
        %lt3A = arith.constant 50048 : i32
        %lt3A_132 = vector.broadcast %lt3A : i32 to vector<16xi32>
        %lt3A_133 = arith.cmpi slt, %get3A_125, %lt3A_132 : vector<16xi32>
        %swap3A = arith.index_cast %scan3A_121 : i32 to index
        %swap3A_134 = tpu.vector_load %arg9[%swap3A] masked %lt3A_133 {strides = array<i32>} : memref<4112xi32, #tpu.memory_space<vmem>>, vector<16xi32>, vector<16xi1>
        tpu.vector_store %arg9[%swap3A], %or3A masked %lt3A_133 {strides = array<i32>} : memref<4112xi32, #tpu.memory_space<vmem>>, vector<16xi32>, vector<16xi1>
        %not3A = arith.constant dense<true> : vector<16xi1>
        %not3A_135 = arith.xori %lt3A_133, %not3A : vector<16xi1>
        %swap3A_136 = arith.index_cast %scan3A_122 : i32 to index
        %swap3A_137 = tpu.vector_load %arg10[%swap3A_136] masked %not3A_135 {strides = array<i32>} : memref<4112xi32, #tpu.memory_space<vmem>>, vector<16xi32>, vector<16xi1>
        tpu.vector_store %arg10[%swap3A_136], %or3A masked %not3A_135 {strides = array<i32>} : memref<4112xi32, #tpu.memory_space<vmem>>, vector<16xi32>, vector<16xi1>
        %all_reduce_population_count3A = tpu.all_reduce %lt3A_133 {dim = 0 : i64, kind = #tpu.reduction_kind<sum>} : vector<16xi1> -> vector<16xi32>
        %reduce_max3A = arith.constant true
        %reduce_max3A_138 = vector.broadcast %reduce_max3A : i1 to vector<16xi1>
        %reduce_max3A_139 = arith.constant -2147483648 : i32
        %reduce_max3A_140 = vector.broadcast %reduce_max3A_139 : i32 to vector<16xi32>
        %reduce_max3A_141 = arith.xori %all_reduce_population_count3A, %reduce_max3A_140 : vector<16xi32>
        %reduce_max3A_142 = tpu.scan <max>, %reduce_max3A_141 masked %reduce_max3A_138 : vector<16xi32>, vector<16xi1> -> vector<16xi32>
        %reduce_max3A_143 = arith.xori %reduce_max3A_142, %reduce_max3A_140 : vector<16xi32>
        %reduce_max3A_144 = vector.extract %reduce_max3A_143[15] : i32 from vector<16xi32>
        %add3A_145 = arith.addi %scan3A_121, %reduce_max3A_144 : i32
        %sub3A_146 = arith.constant 16 : i32
        %sub3A_147 = arith.subi %sub3A_146, %reduce_max3A_144 : i32
        %add3A_148 = arith.addi %scan3A_122, %sub3A_147 : i32
        %scan3A_149 = arith.constant 1 : i32
        %scan3A_150 = arith.addi %scan3A_120, %scan3A_149 : i32
        %mul3A_151 = arith.constant 16 : i32
        %mul3A_152 = arith.muli %scan3A_150, %mul3A_151 : i32
        %get3A_153 = arith.index_cast %mul3A_152 : i32 to index
        %get3A_154 = tpu.vector_load %arg13[%get3A_153] {strides = array<i32>} : memref<4096xi32, #tpu.memory_space<vmem>>, vector<16xi32>,
        %iota3A_155 = tpu.iota {dimensions = array<i32: 0>} : vector<16xi32>
        %mul3A_156 = arith.constant 16 : i32
        %mul3A_157 = arith.muli %scan3A_150, %mul3A_156 : i32
        %add3A_158 = vector.broadcast %mul3A_157 : i32 to vector<16xi32>
        %add3A_159 = arith.addi %iota3A_155, %add3A_158 : vector<16xi32>
        %shift_left3A_160 = arith.constant 17 : i32
        %shift_left3A_161 = vector.broadcast %shift_left3A_160 : i32 to vector<16xi32>
        %shift_left3A_162 = arith.shli %add3A_159, %shift_left3A_161 : vector<16xi32>
        %or3A_163 = arith.ori %shift_left3A_162, %get3A_154 : vector<16xi32>
        %lt3A_164 = arith.constant 50048 : i32
        %lt3A_165 = vector.broadcast %lt3A_164 : i32 to vector<16xi32>
        %lt3A_166 = arith.cmpi slt, %get3A_154, %lt3A_165 : vector<16xi32>
        %swap3A_167 = arith.index_cast %add3A_145 : i32 to index
        %swap3A_168 = tpu.vector_load %arg9[%swap3A_167] masked %lt3A_166 {strides = array<i32>} : memref<4112xi32, #tpu.memory_space<vmem>>, vector<16xi32>, vector<16xi1>
        tpu.vector_store %arg9[%swap3A_167], %or3A_163 masked %lt3A_166 {strides = array<i32>} : memref<4112xi32, #tpu.memory_space<vmem>>, vector<16xi32>, vector<16xi1>
        %not3A_169 = arith.constant dense<true> : vector<16xi1>
        %not3A_170 = arith.xori %lt3A_166, %not3A_169 : vector<16xi1>
        %swap3A_171 = arith.index_cast %add3A_148 : i32 to index
        %swap3A_172 = tpu.vector_load %arg10[%swap3A_171] masked %not3A_170 {strides = array<i32>} : memref<4112xi32, #tpu.memory_space<vmem>>, vector<16xi32>, vector<16xi1>
        tpu.vector_store %arg10[%swap3A_171], %or3A_163 masked %not3A_170 {strides = array<i32>} : memref<4112xi32, #tpu.memory_space<vmem>>, vector<16xi32>, vector<16xi1>
        %all_reduce_population_count3A_173 = tpu.all_reduce %lt3A_166 {dim = 0 : i64, kind = #tpu.reduction_kind<sum>} : vector<16xi1> -> vector<16xi32>
        %reduce_max3A_174 = arith.constant true
        %reduce_max3A_175 = vector.broadcast %reduce_max3A_174 : i1 to vector<16xi1>
        %reduce_max3A_176 = arith.constant -2147483648 : i32
        %reduce_max3A_177 = vector.broadcast %reduce_max3A_176 : i32 to vector<16xi32>
        %reduce_max3A_178 = arith.xori %all_reduce_population_count3A_173, %reduce_max3A_177 : vector<16xi32>
        %reduce_max3A_179 = tpu.scan <max>, %reduce_max3A_178 masked %reduce_max3A_175 : vector<16xi32>, vector<16xi1> -> vector<16xi32>
        %reduce_max3A_180 = arith.xori %reduce_max3A_179, %reduce_max3A_177 : vector<16xi32>
        %reduce_max3A_181 = vector.extract %reduce_max3A_180[15] : i32 from vector<16xi32>
        %add3A_182 = arith.addi %add3A_145, %reduce_max3A_181 : i32
        %sub3A_183 = arith.constant 16 : i32
        %sub3A_184 = arith.subi %sub3A_183, %reduce_max3A_181 : i32
        %add3A_185 = arith.addi %add3A_148, %sub3A_184 : i32
        %scan3A_186 = arith.constant 2 : i32
        %scan3A_187 = arith.addi %scan3A_120, %scan3A_186 : i32
        %mul3A_188 = arith.constant 16 : i32
        %mul3A_189 = arith.muli %scan3A_187, %mul3A_188 : i32
        %get3A_190 = arith.index_cast %mul3A_189 : i32 to index
        %get3A_191 = tpu.vector_load %arg13[%get3A_190] {strides = array<i32>} : memref<4096xi32, #tpu.memory_space<vmem>>, vector<16xi32>,
        %iota3A_192 = tpu.iota {dimensions = array<i32: 0>} : vector<16xi32>
        %mul3A_193 = arith.constant 16 : i32
        %mul3A_194 = arith.muli %scan3A_187, %mul3A_193 : i32
        %add3A_195 = vector.broadcast %mul3A_194 : i32 to vector<16xi32>
        %add3A_196 = arith.addi %iota3A_192, %add3A_195 : vector<16xi32>
        %shift_left3A_197 = arith.constant 17 : i32
        %shift_left3A_198 = vector.broadcast %shift_left3A_197 : i32 to vector<16xi32>
        %shift_left3A_199 = arith.shli %add3A_196, %shift_left3A_198 : vector<16xi32>
        %or3A_200 = arith.ori %shift_left3A_199, %get3A_191 : vector<16xi32>
        %lt3A_201 = arith.constant 50048 : i32
        %lt3A_202 = vector.broadcast %lt3A_201 : i32 to vector<16xi32>
        %lt3A_203 = arith.cmpi slt, %get3A_191, %lt3A_202 : vector<16xi32>
        %swap3A_204 = arith.index_cast %add3A_182 : i32 to index
        %swap3A_205 = tpu.vector_load %arg9[%swap3A_204] masked %lt3A_203 {strides = array<i32>} : memref<4112xi32, #tpu.memory_space<vmem>>, vector<16xi32>, vector<16xi1>
        tpu.vector_store %arg9[%swap3A_204], %or3A_200 masked %lt3A_203 {strides = array<i32>} : memref<4112xi32, #tpu.memory_space<vmem>>, vector<16xi32>, vector<16xi1>
        %not3A_206 = arith.constant dense<true> : vector<16xi1>
        %not3A_207 = arith.xori %lt3A_203, %not3A_206 : vector<16xi1>
        %swap3A_208 = arith.index_cast %add3A_185 : i32 to index
        %swap3A_209 = tpu.vector_load %arg10[%swap3A_208] masked %not3A_207 {strides = array<i32>} : memref<4112xi32, #tpu.memory_space<vmem>>, vector<16xi32>, vector<16xi1>
        tpu.vector_store %arg10[%swap3A_208], %or3A_200 masked %not3A_207 {strides = array<i32>} : memref<4112xi32, #tpu.memory_space<vmem>>, vector<16xi32>, vector<16xi1>
        %all_reduce_population_count3A_210 = tpu.all_reduce %lt3A_203 {dim = 0 : i64, kind = #tpu.reduction_kind<sum>} : vector<16xi1> -> vector<16xi32>
        %reduce_max3A_211 = arith.constant true
        %reduce_max3A_212 = vector.broadcast %reduce_max3A_211 : i1 to vector<16xi1>
        %reduce_max3A_213 = arith.constant -2147483648 : i32
        %reduce_max3A_214 = vector.broadcast %reduce_max3A_213 : i32 to vector<16xi32>
        %reduce_max3A_215 = arith.xori %all_reduce_population_count3A_210, %reduce_max3A_214 : vector<16xi32>
        %reduce_max3A_216 = tpu.scan <max>, %reduce_max3A_215 masked %reduce_max3A_212 : vector<16xi32>, vector<16xi1> -> vector<16xi32>
        %reduce_max3A_217 = arith.xori %reduce_max3A_216, %reduce_max3A_214 : vector<16xi32>
        %reduce_max3A_218 = vector.extract %reduce_max3A_217[15] : i32 from vector<16xi32>
        %add3A_219 = arith.addi %add3A_182, %reduce_max3A_218 : i32
        %sub3A_220 = arith.constant 16 : i32
        %sub3A_221 = arith.subi %sub3A_220, %reduce_max3A_218 : i32
        %add3A_222 = arith.addi %add3A_185, %sub3A_221 : i32
        %scan3A_223 = arith.constant 3 : i32
        %scan3A_224 = arith.addi %scan3A_120, %scan3A_223 : i32
        %mul3A_225 = arith.constant 16 : i32
        %mul3A_226 = arith.muli %scan3A_224, %mul3A_225 : i32
        %get3A_227 = arith.index_cast %mul3A_226 : i32 to index
        %get3A_228 = tpu.vector_load %arg13[%get3A_227] {strides = array<i32>} : memref<4096xi32, #tpu.memory_space<vmem>>, vector<16xi32>,
        %iota3A_229 = tpu.iota {dimensions = array<i32: 0>} : vector<16xi32>
        %mul3A_230 = arith.constant 16 : i32
        %mul3A_231 = arith.muli %scan3A_224, %mul3A_230 : i32
        %add3A_232 = vector.broadcast %mul3A_231 : i32 to vector<16xi32>
        %add3A_233 = arith.addi %iota3A_229, %add3A_232 : vector<16xi32>
        %shift_left3A_234 = arith.constant 17 : i32
        %shift_left3A_235 = vector.broadcast %shift_left3A_234 : i32 to vector<16xi32>
        %shift_left3A_236 = arith.shli %add3A_233, %shift_left3A_235 : vector<16xi32>
        %or3A_237 = arith.ori %shift_left3A_236, %get3A_228 : vector<16xi32>
        %lt3A_238 = arith.constant 50048 : i32
        %lt3A_239 = vector.broadcast %lt3A_238 : i32 to vector<16xi32>
        %lt3A_240 = arith.cmpi slt, %get3A_228, %lt3A_239 : vector<16xi32>
        %swap3A_241 = arith.index_cast %add3A_219 : i32 to index
        %swap3A_242 = tpu.vector_load %arg9[%swap3A_241] masked %lt3A_240 {strides = array<i32>} : memref<4112xi32, #tpu.memory_space<vmem>>, vector<16xi32>, vector<16xi1>
        tpu.vector_store %arg9[%swap3A_241], %or3A_237 masked %lt3A_240 {strides = array<i32>} : memref<4112xi32, #tpu.memory_space<vmem>>, vector<16xi32>, vector<16xi1>
        %not3A_243 = arith.constant dense<true> : vector<16xi1>
        %not3A_244 = arith.xori %lt3A_240, %not3A_243 : vector<16xi1>
        %swap3A_245 = arith.index_cast %add3A_222 : i32 to index
        %swap3A_246 = tpu.vector_load %arg10[%swap3A_245] masked %not3A_244 {strides = array<i32>} : memref<4112xi32, #tpu.memory_space<vmem>>, vector<16xi32>, vector<16xi1>
        tpu.vector_store %arg10[%swap3A_245], %or3A_237 masked %not3A_244 {strides = array<i32>} : memref<4112xi32, #tpu.memory_space<vmem>>, vector<16xi32>, vector<16xi1>
        %all_reduce_population_count3A_247 = tpu.all_reduce %lt3A_240 {dim = 0 : i64, kind = #tpu.reduction_kind<sum>} : vector<16xi1> -> vector<16xi32>
        %reduce_max3A_248 = arith.constant true
        %reduce_max3A_249 = vector.broadcast %reduce_max3A_248 : i1 to vector<16xi1>
        %reduce_max3A_250 = arith.constant -2147483648 : i32
        %reduce_max3A_251 = vector.broadcast %reduce_max3A_250 : i32 to vector<16xi32>
        %reduce_max3A_252 = arith.xori %all_reduce_population_count3A_247, %reduce_max3A_251 : vector<16xi32>
        %reduce_max3A_253 = tpu.scan <max>, %reduce_max3A_252 masked %reduce_max3A_249 : vector<16xi32>, vector<16xi1> -> vector<16xi32>
        %reduce_max3A_254 = arith.xori %reduce_max3A_253, %reduce_max3A_251 : vector<16xi32>
        %reduce_max3A_255 = vector.extract %reduce_max3A_254[15] : i32 from vector<16xi32>
        %add3A_256 = arith.addi %add3A_219, %reduce_max3A_255 : i32
        %sub3A_257 = arith.constant 16 : i32
        %sub3A_258 = arith.subi %sub3A_257, %reduce_max3A_255 : i32
        %add3A_259 = arith.addi %add3A_222, %sub3A_258 : i32
        scf.yield %add3A_256, %add3A_259 : i32, i32
      }
      %scan3A_94 = arith.constant 256 : i32
      "tpu.region"() ({
        %run_scoped3A = tpu.sem_alloc : memref<!tpu.dma_semaphore, #tpu.memory_space<semaphore_mem>>
        %dma_start3A_120 = arith.constant 0 : i32
        %dma_start3A_121 = tpu.memref_slice %arg4[%while3A_87, %dma_start3A_120] : memref<26x4096xi32, #tpu.memory_space<hbm>> -> memref<1x4096xi32, #tpu.memory_space<hbm>>
        %dma_start3A_122 = tpu.memref_squeeze %dma_start3A_121 : memref<1x4096xi32, #tpu.memory_space<hbm>> -> memref<4096xi32, #tpu.memory_space<hbm>>
        %dma_start3A_123 = arith.constant 0 : i32
        %dma_start3A_124 = tpu.memref_slice %arg4[%while3A_87, %dma_start3A_123] : memref<26x4096xi32, #tpu.memory_space<hbm>> -> memref<1x4096xi32, #tpu.memory_space<hbm>>
        %dma_start3A_125 = tpu.memref_squeeze %dma_start3A_124 : memref<1x4096xi32, #tpu.memory_space<hbm>> -> memref<4096xi32, #tpu.memory_space<hbm>>
        tpu.enqueue_dma source(%dma_start3A_125 : memref<4096xi32, #tpu.memory_space<hbm>>) target(%arg13 : memref<4096xi32, #tpu.memory_space<vmem>>) target_semaphore(%run_scoped3A : memref<!tpu.dma_semaphore, #tpu.memory_space<semaphore_mem>>)
        %dma_wait3A_126 = arith.constant 0 : i32
        %dma_wait3A_127 = tpu.memref_slice %arg4[%while3A_87, %dma_wait3A_126] : memref<26x4096xi32, #tpu.memory_space<hbm>> -> memref<1x4096xi32, #tpu.memory_space<hbm>>
        %dma_wait3A_128 = tpu.memref_squeeze %dma_wait3A_127 : memref<1x4096xi32, #tpu.memory_space<hbm>> -> memref<4096xi32, #tpu.memory_space<hbm>>
        %dma_wait3A_129 = arith.constant 0 : i32
        %dma_wait3A_130 = tpu.memref_slice %arg4[%while3A_87, %dma_wait3A_129] : memref<26x4096xi32, #tpu.memory_space<hbm>> -> memref<1x4096xi32, #tpu.memory_space<hbm>>
        %dma_wait3A_131 = tpu.memref_squeeze %dma_wait3A_130 : memref<1x4096xi32, #tpu.memory_space<hbm>> -> memref<4096xi32, #tpu.memory_space<hbm>>
        tpu.wait_dma2 semaphore(%run_scoped3A : memref<!tpu.dma_semaphore, #tpu.memory_space<semaphore_mem>>) src(%dma_wait3A_131 : memref<4096xi32, #tpu.memory_space<hbm>>) dst(%arg13 : memref<4096xi32, #tpu.memory_space<vmem>>)
        tpu.yield
      }) : () -> ()
      %scan3A_95 = arith.constant 0 : i32
      %scan3A_96 = arith.constant 0 : i32
      %scan3A_97 = arith.constant 0 : i32
      %scan3A_98 = arith.constant 256 : i32
      %scan3A_99 = arith.addi %scan3A_97, %scan3A_98 : i32
      %scan3A_100 = arith.constant 4 : i32
      %scan3A_101:2 = scf.for %scan3A_120 = %scan3A_97 to %scan3A_99 step %scan3A_100 iter_args(%scan3A_121 = %scan3A_95, %scan3A_122 = %scan3A_96) -> (i32, i32)  : i32 {
        %mul3A_123 = arith.constant 16 : i32
        %mul3A_124 = arith.muli %scan3A_120, %mul3A_123 : i32
        %get3A = arith.index_cast %mul3A_124 : i32 to index
        %get3A_125 = tpu.vector_load %arg13[%get3A] {strides = array<i32>} : memref<4096xi32, #tpu.memory_space<vmem>>, vector<16xi32>,
        %iota3A = tpu.iota {dimensions = array<i32: 0>} : vector<16xi32>
        %mul3A_126 = arith.constant 16 : i32
        %mul3A_127 = arith.muli %scan3A_120, %mul3A_126 : i32
        %add3A_128 = vector.broadcast %mul3A_127 : i32 to vector<16xi32>
        %add3A_129 = arith.addi %iota3A, %add3A_128 : vector<16xi32>
        %shift_left3A = arith.constant 17 : i32
        %shift_left3A_130 = vector.broadcast %shift_left3A : i32 to vector<16xi32>
        %shift_left3A_131 = arith.shli %add3A_129, %shift_left3A_130 : vector<16xi32>
        %or3A = arith.ori %shift_left3A_131, %get3A_125 : vector<16xi32>
        %lt3A = arith.constant 50048 : i32
        %lt3A_132 = vector.broadcast %lt3A : i32 to vector<16xi32>
        %lt3A_133 = arith.cmpi slt, %get3A_125, %lt3A_132 : vector<16xi32>
        %swap3A = arith.index_cast %scan3A_121 : i32 to index
        %swap3A_134 = tpu.vector_load %arg11[%swap3A] masked %lt3A_133 {strides = array<i32>} : memref<4112xi32, #tpu.memory_space<vmem>>, vector<16xi32>, vector<16xi1>
        tpu.vector_store %arg11[%swap3A], %or3A masked %lt3A_133 {strides = array<i32>} : memref<4112xi32, #tpu.memory_space<vmem>>, vector<16xi32>, vector<16xi1>
        %not3A = arith.constant dense<true> : vector<16xi1>
        %not3A_135 = arith.xori %lt3A_133, %not3A : vector<16xi1>
        %swap3A_136 = arith.index_cast %scan3A_122 : i32 to index
        %swap3A_137 = tpu.vector_load %arg12[%swap3A_136] masked %not3A_135 {strides = array<i32>} : memref<4112xi32, #tpu.memory_space<vmem>>, vector<16xi32>, vector<16xi1>
        tpu.vector_store %arg12[%swap3A_136], %or3A masked %not3A_135 {strides = array<i32>} : memref<4112xi32, #tpu.memory_space<vmem>>, vector<16xi32>, vector<16xi1>
        %all_reduce_population_count3A = tpu.all_reduce %lt3A_133 {dim = 0 : i64, kind = #tpu.reduction_kind<sum>} : vector<16xi1> -> vector<16xi32>
        %reduce_max3A = arith.constant true
        %reduce_max3A_138 = vector.broadcast %reduce_max3A : i1 to vector<16xi1>
        %reduce_max3A_139 = arith.constant -2147483648 : i32
        %reduce_max3A_140 = vector.broadcast %reduce_max3A_139 : i32 to vector<16xi32>
        %reduce_max3A_141 = arith.xori %all_reduce_population_count3A, %reduce_max3A_140 : vector<16xi32>
        %reduce_max3A_142 = tpu.scan <max>, %reduce_max3A_141 masked %reduce_max3A_138 : vector<16xi32>, vector<16xi1> -> vector<16xi32>
        %reduce_max3A_143 = arith.xori %reduce_max3A_142, %reduce_max3A_140 : vector<16xi32>
        %reduce_max3A_144 = vector.extract %reduce_max3A_143[15] : i32 from vector<16xi32>
        %add3A_145 = arith.addi %scan3A_121, %reduce_max3A_144 : i32
        %sub3A_146 = arith.constant 16 : i32
        %sub3A_147 = arith.subi %sub3A_146, %reduce_max3A_144 : i32
        %add3A_148 = arith.addi %scan3A_122, %sub3A_147 : i32
        %scan3A_149 = arith.constant 1 : i32
        %scan3A_150 = arith.addi %scan3A_120, %scan3A_149 : i32
        %mul3A_151 = arith.constant 16 : i32
        %mul3A_152 = arith.muli %scan3A_150, %mul3A_151 : i32
        %get3A_153 = arith.index_cast %mul3A_152 : i32 to index
        %get3A_154 = tpu.vector_load %arg13[%get3A_153] {strides = array<i32>} : memref<4096xi32, #tpu.memory_space<vmem>>, vector<16xi32>,
        %iota3A_155 = tpu.iota {dimensions = array<i32: 0>} : vector<16xi32>
        %mul3A_156 = arith.constant 16 : i32
        %mul3A_157 = arith.muli %scan3A_150, %mul3A_156 : i32
        %add3A_158 = vector.broadcast %mul3A_157 : i32 to vector<16xi32>
        %add3A_159 = arith.addi %iota3A_155, %add3A_158 : vector<16xi32>
        %shift_left3A_160 = arith.constant 17 : i32
        %shift_left3A_161 = vector.broadcast %shift_left3A_160 : i32 to vector<16xi32>
        %shift_left3A_162 = arith.shli %add3A_159, %shift_left3A_161 : vector<16xi32>
        %or3A_163 = arith.ori %shift_left3A_162, %get3A_154 : vector<16xi32>
        %lt3A_164 = arith.constant 50048 : i32
        %lt3A_165 = vector.broadcast %lt3A_164 : i32 to vector<16xi32>
        %lt3A_166 = arith.cmpi slt, %get3A_154, %lt3A_165 : vector<16xi32>
        %swap3A_167 = arith.index_cast %add3A_145 : i32 to index
        %swap3A_168 = tpu.vector_load %arg11[%swap3A_167] masked %lt3A_166 {strides = array<i32>} : memref<4112xi32, #tpu.memory_space<vmem>>, vector<16xi32>, vector<16xi1>
        tpu.vector_store %arg11[%swap3A_167], %or3A_163 masked %lt3A_166 {strides = array<i32>} : memref<4112xi32, #tpu.memory_space<vmem>>, vector<16xi32>, vector<16xi1>
        %not3A_169 = arith.constant dense<true> : vector<16xi1>
        %not3A_170 = arith.xori %lt3A_166, %not3A_169 : vector<16xi1>
        %swap3A_171 = arith.index_cast %add3A_148 : i32 to index
        %swap3A_172 = tpu.vector_load %arg12[%swap3A_171] masked %not3A_170 {strides = array<i32>} : memref<4112xi32, #tpu.memory_space<vmem>>, vector<16xi32>, vector<16xi1>
        tpu.vector_store %arg12[%swap3A_171], %or3A_163 masked %not3A_170 {strides = array<i32>} : memref<4112xi32, #tpu.memory_space<vmem>>, vector<16xi32>, vector<16xi1>
        %all_reduce_population_count3A_173 = tpu.all_reduce %lt3A_166 {dim = 0 : i64, kind = #tpu.reduction_kind<sum>} : vector<16xi1> -> vector<16xi32>
        %reduce_max3A_174 = arith.constant true
        %reduce_max3A_175 = vector.broadcast %reduce_max3A_174 : i1 to vector<16xi1>
        %reduce_max3A_176 = arith.constant -2147483648 : i32
        %reduce_max3A_177 = vector.broadcast %reduce_max3A_176 : i32 to vector<16xi32>
        %reduce_max3A_178 = arith.xori %all_reduce_population_count3A_173, %reduce_max3A_177 : vector<16xi32>
        %reduce_max3A_179 = tpu.scan <max>, %reduce_max3A_178 masked %reduce_max3A_175 : vector<16xi32>, vector<16xi1> -> vector<16xi32>
        %reduce_max3A_180 = arith.xori %reduce_max3A_179, %reduce_max3A_177 : vector<16xi32>
        %reduce_max3A_181 = vector.extract %reduce_max3A_180[15] : i32 from vector<16xi32>
        %add3A_182 = arith.addi %add3A_145, %reduce_max3A_181 : i32
        %sub3A_183 = arith.constant 16 : i32
        %sub3A_184 = arith.subi %sub3A_183, %reduce_max3A_181 : i32
        %add3A_185 = arith.addi %add3A_148, %sub3A_184 : i32
        %scan3A_186 = arith.constant 2 : i32
        %scan3A_187 = arith.addi %scan3A_120, %scan3A_186 : i32
        %mul3A_188 = arith.constant 16 : i32
        %mul3A_189 = arith.muli %scan3A_187, %mul3A_188 : i32
        %get3A_190 = arith.index_cast %mul3A_189 : i32 to index
        %get3A_191 = tpu.vector_load %arg13[%get3A_190] {strides = array<i32>} : memref<4096xi32, #tpu.memory_space<vmem>>, vector<16xi32>,
        %iota3A_192 = tpu.iota {dimensions = array<i32: 0>} : vector<16xi32>
        %mul3A_193 = arith.constant 16 : i32
        %mul3A_194 = arith.muli %scan3A_187, %mul3A_193 : i32
        %add3A_195 = vector.broadcast %mul3A_194 : i32 to vector<16xi32>
        %add3A_196 = arith.addi %iota3A_192, %add3A_195 : vector<16xi32>
        %shift_left3A_197 = arith.constant 17 : i32
        %shift_left3A_198 = vector.broadcast %shift_left3A_197 : i32 to vector<16xi32>
        %shift_left3A_199 = arith.shli %add3A_196, %shift_left3A_198 : vector<16xi32>
        %or3A_200 = arith.ori %shift_left3A_199, %get3A_191 : vector<16xi32>
        %lt3A_201 = arith.constant 50048 : i32
        %lt3A_202 = vector.broadcast %lt3A_201 : i32 to vector<16xi32>
        %lt3A_203 = arith.cmpi slt, %get3A_191, %lt3A_202 : vector<16xi32>
        %swap3A_204 = arith.index_cast %add3A_182 : i32 to index
        %swap3A_205 = tpu.vector_load %arg11[%swap3A_204] masked %lt3A_203 {strides = array<i32>} : memref<4112xi32, #tpu.memory_space<vmem>>, vector<16xi32>, vector<16xi1>
        tpu.vector_store %arg11[%swap3A_204], %or3A_200 masked %lt3A_203 {strides = array<i32>} : memref<4112xi32, #tpu.memory_space<vmem>>, vector<16xi32>, vector<16xi1>
        %not3A_206 = arith.constant dense<true> : vector<16xi1>
        %not3A_207 = arith.xori %lt3A_203, %not3A_206 : vector<16xi1>
        %swap3A_208 = arith.index_cast %add3A_185 : i32 to index
        %swap3A_209 = tpu.vector_load %arg12[%swap3A_208] masked %not3A_207 {strides = array<i32>} : memref<4112xi32, #tpu.memory_space<vmem>>, vector<16xi32>, vector<16xi1>
        tpu.vector_store %arg12[%swap3A_208], %or3A_200 masked %not3A_207 {strides = array<i32>} : memref<4112xi32, #tpu.memory_space<vmem>>, vector<16xi32>, vector<16xi1>
        %all_reduce_population_count3A_210 = tpu.all_reduce %lt3A_203 {dim = 0 : i64, kind = #tpu.reduction_kind<sum>} : vector<16xi1> -> vector<16xi32>
        %reduce_max3A_211 = arith.constant true
        %reduce_max3A_212 = vector.broadcast %reduce_max3A_211 : i1 to vector<16xi1>
        %reduce_max3A_213 = arith.constant -2147483648 : i32
        %reduce_max3A_214 = vector.broadcast %reduce_max3A_213 : i32 to vector<16xi32>
        %reduce_max3A_215 = arith.xori %all_reduce_population_count3A_210, %reduce_max3A_214 : vector<16xi32>
        %reduce_max3A_216 = tpu.scan <max>, %reduce_max3A_215 masked %reduce_max3A_212 : vector<16xi32>, vector<16xi1> -> vector<16xi32>
        %reduce_max3A_217 = arith.xori %reduce_max3A_216, %reduce_max3A_214 : vector<16xi32>
        %reduce_max3A_218 = vector.extract %reduce_max3A_217[15] : i32 from vector<16xi32>
        %add3A_219 = arith.addi %add3A_182, %reduce_max3A_218 : i32
        %sub3A_220 = arith.constant 16 : i32
        %sub3A_221 = arith.subi %sub3A_220, %reduce_max3A_218 : i32
        %add3A_222 = arith.addi %add3A_185, %sub3A_221 : i32
        %scan3A_223 = arith.constant 3 : i32
        %scan3A_224 = arith.addi %scan3A_120, %scan3A_223 : i32
        %mul3A_225 = arith.constant 16 : i32
        %mul3A_226 = arith.muli %scan3A_224, %mul3A_225 : i32
        %get3A_227 = arith.index_cast %mul3A_226 : i32 to index
        %get3A_228 = tpu.vector_load %arg13[%get3A_227] {strides = array<i32>} : memref<4096xi32, #tpu.memory_space<vmem>>, vector<16xi32>,
        %iota3A_229 = tpu.iota {dimensions = array<i32: 0>} : vector<16xi32>
        %mul3A_230 = arith.constant 16 : i32
        %mul3A_231 = arith.muli %scan3A_224, %mul3A_230 : i32
        %add3A_232 = vector.broadcast %mul3A_231 : i32 to vector<16xi32>
        %add3A_233 = arith.addi %iota3A_229, %add3A_232 : vector<16xi32>
        %shift_left3A_234 = arith.constant 17 : i32
        %shift_left3A_235 = vector.broadcast %shift_left3A_234 : i32 to vector<16xi32>
        %shift_left3A_236 = arith.shli %add3A_233, %shift_left3A_235 : vector<16xi32>
        %or3A_237 = arith.ori %shift_left3A_236, %get3A_228 : vector<16xi32>
        %lt3A_238 = arith.constant 50048 : i32
        %lt3A_239 = vector.broadcast %lt3A_238 : i32 to vector<16xi32>
        %lt3A_240 = arith.cmpi slt, %get3A_228, %lt3A_239 : vector<16xi32>
        %swap3A_241 = arith.index_cast %add3A_219 : i32 to index
        %swap3A_242 = tpu.vector_load %arg11[%swap3A_241] masked %lt3A_240 {strides = array<i32>} : memref<4112xi32, #tpu.memory_space<vmem>>, vector<16xi32>, vector<16xi1>
        tpu.vector_store %arg11[%swap3A_241], %or3A_237 masked %lt3A_240 {strides = array<i32>} : memref<4112xi32, #tpu.memory_space<vmem>>, vector<16xi32>, vector<16xi1>
        %not3A_243 = arith.constant dense<true> : vector<16xi1>
        %not3A_244 = arith.xori %lt3A_240, %not3A_243 : vector<16xi1>
        %swap3A_245 = arith.index_cast %add3A_222 : i32 to index
        %swap3A_246 = tpu.vector_load %arg12[%swap3A_245] masked %not3A_244 {strides = array<i32>} : memref<4112xi32, #tpu.memory_space<vmem>>, vector<16xi32>, vector<16xi1>
        tpu.vector_store %arg12[%swap3A_245], %or3A_237 masked %not3A_244 {strides = array<i32>} : memref<4112xi32, #tpu.memory_space<vmem>>, vector<16xi32>, vector<16xi1>
        %all_reduce_population_count3A_247 = tpu.all_reduce %lt3A_240 {dim = 0 : i64, kind = #tpu.reduction_kind<sum>} : vector<16xi1> -> vector<16xi32>
        %reduce_max3A_248 = arith.constant true
        %reduce_max3A_249 = vector.broadcast %reduce_max3A_248 : i1 to vector<16xi1>
        %reduce_max3A_250 = arith.constant -2147483648 : i32
        %reduce_max3A_251 = vector.broadcast %reduce_max3A_250 : i32 to vector<16xi32>
        %reduce_max3A_252 = arith.xori %all_reduce_population_count3A_247, %reduce_max3A_251 : vector<16xi32>
        %reduce_max3A_253 = tpu.scan <max>, %reduce_max3A_252 masked %reduce_max3A_249 : vector<16xi32>, vector<16xi1> -> vector<16xi32>
        %reduce_max3A_254 = arith.xori %reduce_max3A_253, %reduce_max3A_251 : vector<16xi32>
        %reduce_max3A_255 = vector.extract %reduce_max3A_254[15] : i32 from vector<16xi32>
        %add3A_256 = arith.addi %add3A_219, %reduce_max3A_255 : i32
        %sub3A_257 = arith.constant 16 : i32
        %sub3A_258 = arith.subi %sub3A_257, %reduce_max3A_255 : i32
        %add3A_259 = arith.addi %add3A_222, %sub3A_258 : i32
        scf.yield %add3A_256, %add3A_259 : i32, i32
      }
      %scan3A_102 = arith.constant 256 : i32
      %mul3A_103 = arith.constant 64 : i32
      %mul3A_104 = arith.muli %while3A_87, %mul3A_103 : i32
      %max3A = arith.maxsi %mul3A_2, %mul3A_104 : i32
      %add3A_105 = arith.constant 52 : i32
      %add3A_106 = arith.addi %mul3A_2, %add3A_105 : i32
      %add3A_107 = arith.constant 1 : i32
      %add3A_108 = arith.addi %while3A_87, %add3A_107 : i32
      %mul3A_109 = arith.constant 64 : i32
      %mul3A_110 = arith.muli %add3A_108, %mul3A_109 : i32
      %min3A = arith.minsi %add3A_106, %mul3A_110 : i32
      %while3A_111 = arith.constant 0 : i32
      %while3A_112 = arith.subi %min3A, %max3A : i32
      %while3A_113 = arith.addi %max3A, %while3A_112 : i32
      %while3A_114 = arith.constant 1 : i32
      %while3A_115 = arith.divsi %while3A_112, %while3A_114 : i32
      %while3A_116 = arith.muli %while3A_115, %while3A_114 : i32
      %while3A_117 = arith.addi %max3A, %while3A_116 : i32
      %while3A_118 = arith.constant 1 : i32
      scf.for %while3A_120 = %max3A to %while3A_117 step %while3A_118  : i32 {
        %dma_wait3A_121 = arith.constant 0 : i32
        %dma_wait3A_122 = tpu.memref_slice %arg2[%while3A_120, %dma_wait3A_121] : memref<1664x100000xf32, #tpu.memory_space<hbm>> -> memref<1x100000xf32, #tpu.memory_space<hbm>>
        %dma_wait3A_123 = tpu.memref_squeeze %dma_wait3A_122 : memref<1x100000xf32, #tpu.memory_space<hbm>> -> memref<100000xf32, #tpu.memory_space<hbm>>
        %dma_wait3A_124 = arith.constant 0 : i32
        %dma_wait3A_125 = tpu.memref_slice %dma_wait3A_123[%dma_wait3A_124] : memref<100000xf32, #tpu.memory_space<hbm>> -> memref<50048xf32, #tpu.memory_space<hbm>>
        %dma_wait3A_126 = arith.constant 0 : i32
        %dma_wait3A_127 = tpu.memref_slice %arg2[%while3A_120, %dma_wait3A_126] : memref<1664x100000xf32, #tpu.memory_space<hbm>> -> memref<1x100000xf32, #tpu.memory_space<hbm>>
        %dma_wait3A_128 = tpu.memref_squeeze %dma_wait3A_127 : memref<1x100000xf32, #tpu.memory_space<hbm>> -> memref<100000xf32, #tpu.memory_space<hbm>>
        %dma_wait3A_129 = arith.constant 0 : i32
        %dma_wait3A_130 = tpu.memref_slice %dma_wait3A_128[%dma_wait3A_129] : memref<100000xf32, #tpu.memory_space<hbm>> -> memref<50048xf32, #tpu.memory_space<hbm>>
        tpu.wait_dma2 semaphore(%arg16 : memref<!tpu.dma_semaphore, #tpu.memory_space<semaphore_mem>>) src(%dma_wait3A_130 : memref<50048xf32, #tpu.memory_space<hbm>>) dst(%arg7 : memref<50048xf32, #tpu.memory_space<vmem>>)
        %dma_start3A_131 = arith.constant 0 : i32
        %dma_start3A_132 = tpu.memref_slice %arg2[%while3A_120, %dma_start3A_131] : memref<1664x100000xf32, #tpu.memory_space<hbm>> -> memref<1x100000xf32, #tpu.memory_space<hbm>>
        %dma_start3A_133 = tpu.memref_squeeze %dma_start3A_132 : memref<1x100000xf32, #tpu.memory_space<hbm>> -> memref<100000xf32, #tpu.memory_space<hbm>>
        %dma_start3A_134 = arith.constant 50048 : i32
        %dma_start3A_135 = tpu.memref_slice %dma_start3A_133[%dma_start3A_134] : memref<100000xf32, #tpu.memory_space<hbm>> -> memref<49952xf32, #tpu.memory_space<hbm>>
        %dma_start3A_136 = arith.constant 0 : i32
        %dma_start3A_137 = tpu.memref_slice %arg2[%while3A_120, %dma_start3A_136] : memref<1664x100000xf32, #tpu.memory_space<hbm>> -> memref<1x100000xf32, #tpu.memory_space<hbm>>
        %dma_start3A_138 = tpu.memref_squeeze %dma_start3A_137 : memref<1x100000xf32, #tpu.memory_space<hbm>> -> memref<100000xf32, #tpu.memory_space<hbm>>
        %dma_start3A_139 = arith.constant 50048 : i32
        %dma_start3A_140 = tpu.memref_slice %dma_start3A_138[%dma_start3A_139] : memref<100000xf32, #tpu.memory_space<hbm>> -> memref<49952xf32, #tpu.memory_space<hbm>>
        tpu.enqueue_dma source(%dma_start3A_140 : memref<49952xf32, #tpu.memory_space<hbm>>) target(%arg8 : memref<49952xf32, #tpu.memory_space<vmem>>) target_semaphore(%arg17 : memref<!tpu.dma_semaphore, #tpu.memory_space<semaphore_mem>>)
        %gt3A = arith.cmpi sgt, %while3A_120, %mul3A_2 : i32
        %convert_element_type3A = arith.extui %gt3A : i1 to i32
        %cond3A = arith.constant 0 : i32
        %cond3A_141 = arith.cmpi ne, %convert_element_type3A, %cond3A : i32
        scf.if %cond3A_141 {
          %dma_wait3A_329 = arith.constant 0 : i32
          %dma_wait3A_330 = tpu.memref_slice %arg5[%while3A_120, %dma_wait3A_329] : memref<1664x4096xf32, #tpu.memory_space<hbm>> -> memref<1x4096xf32, #tpu.memory_space<hbm>>
          %dma_wait3A_331 = tpu.memref_squeeze %dma_wait3A_330 : memref<1x4096xf32, #tpu.memory_space<hbm>> -> memref<4096xf32, #tpu.memory_space<hbm>>
          %dma_wait3A_332 = arith.constant 0 : i32
          %dma_wait3A_333 = tpu.memref_slice %arg5[%while3A_120, %dma_wait3A_332] : memref<1664x4096xf32, #tpu.memory_space<hbm>> -> memref<1x4096xf32, #tpu.memory_space<hbm>>
          %dma_wait3A_334 = tpu.memref_squeeze %dma_wait3A_333 : memref<1x4096xf32, #tpu.memory_space<hbm>> -> memref<4096xf32, #tpu.memory_space<hbm>>
          tpu.wait_dma2 semaphore(%arg18 : memref<!tpu.dma_semaphore, #tpu.memory_space<semaphore_mem>>) src(%dma_wait3A_334 : memref<4096xf32, #tpu.memory_space<hbm>>) dst(%arg14 : memref<4096xf32, #tpu.memory_space<vmem>>)
          %dma_wait3A_335 = arith.constant 0 : i32
          %dma_wait3A_336 = tpu.memref_slice %arg6[%while3A_120, %dma_wait3A_335] : memref<1664x4096xf32, #tpu.memory_space<hbm>> -> memref<1x4096xf32, #tpu.memory_space<hbm>>
          %dma_wait3A_337 = tpu.memref_squeeze %dma_wait3A_336 : memref<1x4096xf32, #tpu.memory_space<hbm>> -> memref<4096xf32, #tpu.memory_space<hbm>>
          %dma_wait3A_338 = arith.constant 0 : i32
          %dma_wait3A_339 = tpu.memref_slice %arg6[%while3A_120, %dma_wait3A_338] : memref<1664x4096xf32, #tpu.memory_space<hbm>> -> memref<1x4096xf32, #tpu.memory_space<hbm>>
          %dma_wait3A_340 = tpu.memref_squeeze %dma_wait3A_339 : memref<1x4096xf32, #tpu.memory_space<hbm>> -> memref<4096xf32, #tpu.memory_space<hbm>>
          tpu.wait_dma2 semaphore(%arg18 : memref<!tpu.dma_semaphore, #tpu.memory_space<semaphore_mem>>) src(%dma_wait3A_340 : memref<4096xf32, #tpu.memory_space<hbm>>) dst(%arg15 : memref<4096xf32, #tpu.memory_space<vmem>>)
        } else {
        }
        %add3A_142 = arith.constant 16 : i32
        %add3A_143 = arith.addi %scan3A_93#0, %add3A_142 : i32
        %sub3A_144 = arith.constant 1 : i32
        %sub3A_145 = arith.subi %add3A_143, %sub3A_144 : i32
        %jit3A_146 = arith.constant 16 : i32
        %div3A_147 = arith.divsi %sub3A_145, %jit3A_146 : i32
        %sign3A_148 = arith.constant 0 : i32
        %sign3A_149 = arith.cmpi sgt, %sub3A_145, %sign3A_148 : i32
        %sign3A_150 = arith.extui %sign3A_149 : i1 to i32
        %sign3A_151 = arith.constant 0 : i32
        %sign3A_152 = arith.cmpi slt, %sub3A_145, %sign3A_151 : i32
        %sign3A_153 = arith.extui %sign3A_152 : i1 to i32
        %sign3A_154 = arith.subi %sign3A_150, %sign3A_153 : i32
        %sign3A_155 = arith.constant 0 : i32
        %sign3A_156 = arith.cmpi sgt, %jit3A_146, %sign3A_155 : i32
        %sign3A_157 = arith.extui %sign3A_156 : i1 to i32
        %sign3A_158 = arith.constant 0 : i32
        %sign3A_159 = arith.cmpi slt, %jit3A_146, %sign3A_158 : i32
        %sign3A_160 = arith.extui %sign3A_159 : i1 to i32
        %sign3A_161 = arith.subi %sign3A_157, %sign3A_160 : i32
        %ne3A_162 = arith.cmpi ne, %sign3A_154, %sign3A_161 : i32
        %rem3A_163 = arith.remsi %sub3A_145, %jit3A_146 : i32
        %ne3A_164 = arith.constant 0 : i32
        %ne3A_165 = arith.cmpi ne, %rem3A_163, %ne3A_164 : i32
        %and3A_166 = arith.andi %ne3A_162, %ne3A_165 : i1
        %sub3A_167 = arith.constant 1 : i32
        %sub3A_168 = arith.subi %div3A_147, %sub3A_167 : i32
        %select_n3A_169 = arith.select %and3A_166, %sub3A_168, %div3A_147 : i32
        %while3A_170 = arith.constant 0 : i32
        %while3A_171 = arith.constant 0 : i32
        %while3A_172 = arith.subi %select_n3A_169, %while3A_171 : i32
        %while3A_173 = arith.addi %while3A_171, %while3A_172 : i32
        %while3A_174 = arith.constant 1 : i32
        %while3A_175 = arith.divsi %while3A_172, %while3A_174 : i32
        %while3A_176 = arith.muli %while3A_175, %while3A_174 : i32
        %while3A_177 = arith.addi %while3A_171, %while3A_176 : i32
        %while3A_178 = arith.constant 1 : i32
        scf.for %while3A_329 = %while3A_171 to %while3A_177 step %while3A_178  : i32 {
          %mul3A_330 = arith.constant 16 : i32
          %mul3A_331 = arith.muli %while3A_329, %mul3A_330 : i32
          %get3A = arith.index_cast %mul3A_331 : i32 to index
          %get3A_332 = tpu.vector_load %arg9[%get3A] {strides = array<i32>} : memref<4112xi32, #tpu.memory_space<vmem>>, vector<16xi32>,
          %iota3A = tpu.iota {dimensions = array<i32: 0>} : vector<16xi32>
          %add3A_333 = vector.broadcast %mul3A_331 : i32 to vector<16xi32>
          %add3A_334 = arith.addi %iota3A, %add3A_333 : vector<16xi32>
          %lt3A = vector.broadcast %scan3A_93#0 : i32 to vector<16xi32>
          %lt3A_335 = arith.cmpi slt, %add3A_334, %lt3A : vector<16xi32>
          %and3A_336 = arith.constant 131071 : i32
          %and3A_337 = vector.broadcast %and3A_336 : i32 to vector<16xi32>
          %and3A_338 = arith.andi %get3A_332, %and3A_337 : vector<16xi32>
          %sub3A_339 = arith.constant 0 : i32
          %sub3A_340 = vector.broadcast %sub3A_339 : i32 to vector<16xi32>
          %sub3A_341 = arith.subi %and3A_338, %sub3A_340 : vector<16xi32>
          %shift_right_logical3A = arith.constant 17 : i32
          %shift_right_logical3A_342 = vector.broadcast %shift_right_logical3A : i32 to vector<16xi32>
          %shift_right_logical3A_343 = arith.shrui %get3A_332, %shift_right_logical3A_342 : vector<16xi32>
          %gather3A = tpu.vector_load_idx %arg7[%sub3A_341] masked %lt3A_335 : memref<50048xf32, #tpu.memory_space<vmem>>[vector<16xi32>], vector<16xf32>, vector<16xi1>
          tpu.vector_store_idx %arg14[%shift_right_logical3A_343], %gather3A masked %lt3A_335 : memref<4096xf32, #tpu.memory_space<vmem>>[vector<16xi32>], vector<16xf32>, vector<16xi1>
        }
        %while3A_179 = arith.constant 1 : i32
        scf.for %while3A_329 = %while3A_177 to %while3A_173 step %while3A_179  : i32 {
          %mul3A_330 = arith.constant 16 : i32
          %mul3A_331 = arith.muli %while3A_329, %mul3A_330 : i32
          %get3A = arith.index_cast %mul3A_331 : i32 to index
          %get3A_332 = tpu.vector_load %arg9[%get3A] {strides = array<i32>} : memref<4112xi32, #tpu.memory_space<vmem>>, vector<16xi32>,
          %iota3A = tpu.iota {dimensions = array<i32: 0>} : vector<16xi32>
          %add3A_333 = vector.broadcast %mul3A_331 : i32 to vector<16xi32>
          %add3A_334 = arith.addi %iota3A, %add3A_333 : vector<16xi32>
          %lt3A = vector.broadcast %scan3A_93#0 : i32 to vector<16xi32>
          %lt3A_335 = arith.cmpi slt, %add3A_334, %lt3A : vector<16xi32>
          %and3A_336 = arith.constant 131071 : i32
          %and3A_337 = vector.broadcast %and3A_336 : i32 to vector<16xi32>
          %and3A_338 = arith.andi %get3A_332, %and3A_337 : vector<16xi32>
          %sub3A_339 = arith.constant 0 : i32
          %sub3A_340 = vector.broadcast %sub3A_339 : i32 to vector<16xi32>
          %sub3A_341 = arith.subi %and3A_338, %sub3A_340 : vector<16xi32>
          %shift_right_logical3A = arith.constant 17 : i32
          %shift_right_logical3A_342 = vector.broadcast %shift_right_logical3A : i32 to vector<16xi32>
          %shift_right_logical3A_343 = arith.shrui %get3A_332, %shift_right_logical3A_342 : vector<16xi32>
          %gather3A = tpu.vector_load_idx %arg7[%sub3A_341] masked %lt3A_335 : memref<50048xf32, #tpu.memory_space<vmem>>[vector<16xi32>], vector<16xf32>, vector<16xi1>
          tpu.vector_store_idx %arg14[%shift_right_logical3A_343], %gather3A masked %lt3A_335 : memref<4096xf32, #tpu.memory_space<vmem>>[vector<16xi32>], vector<16xf32>, vector<16xi1>
        }
        %add3A_180 = arith.constant 16 : i32
        %add3A_181 = arith.addi %scan3A_101#0, %add3A_180 : i32
        %sub3A_182 = arith.constant 1 : i32
        %sub3A_183 = arith.subi %add3A_181, %sub3A_182 : i32
        %jit3A_184 = arith.constant 16 : i32
        %div3A_185 = arith.divsi %sub3A_183, %jit3A_184 : i32
        %sign3A_186 = arith.constant 0 : i32
        %sign3A_187 = arith.cmpi sgt, %sub3A_183, %sign3A_186 : i32
        %sign3A_188 = arith.extui %sign3A_187 : i1 to i32
        %sign3A_189 = arith.constant 0 : i32
        %sign3A_190 = arith.cmpi slt, %sub3A_183, %sign3A_189 : i32
        %sign3A_191 = arith.extui %sign3A_190 : i1 to i32
        %sign3A_192 = arith.subi %sign3A_188, %sign3A_191 : i32
        %sign3A_193 = arith.constant 0 : i32
        %sign3A_194 = arith.cmpi sgt, %jit3A_184, %sign3A_193 : i32
        %sign3A_195 = arith.extui %sign3A_194 : i1 to i32
        %sign3A_196 = arith.constant 0 : i32
        %sign3A_197 = arith.cmpi slt, %jit3A_184, %sign3A_196 : i32
        %sign3A_198 = arith.extui %sign3A_197 : i1 to i32
        %sign3A_199 = arith.subi %sign3A_195, %sign3A_198 : i32
        %ne3A_200 = arith.cmpi ne, %sign3A_192, %sign3A_199 : i32
        %rem3A_201 = arith.remsi %sub3A_183, %jit3A_184 : i32
        %ne3A_202 = arith.constant 0 : i32
        %ne3A_203 = arith.cmpi ne, %rem3A_201, %ne3A_202 : i32
        %and3A_204 = arith.andi %ne3A_200, %ne3A_203 : i1
        %sub3A_205 = arith.constant 1 : i32
        %sub3A_206 = arith.subi %div3A_185, %sub3A_205 : i32
        %select_n3A_207 = arith.select %and3A_204, %sub3A_206, %div3A_185 : i32
        %while3A_208 = arith.constant 0 : i32
        %while3A_209 = arith.constant 0 : i32
        %while3A_210 = arith.subi %select_n3A_207, %while3A_209 : i32
        %while3A_211 = arith.addi %while3A_209, %while3A_210 : i32
        %while3A_212 = arith.constant 1 : i32
        %while3A_213 = arith.divsi %while3A_210, %while3A_212 : i32
        %while3A_214 = arith.muli %while3A_213, %while3A_212 : i32
        %while3A_215 = arith.addi %while3A_209, %while3A_214 : i32
        %while3A_216 = arith.constant 1 : i32
        scf.for %while3A_329 = %while3A_209 to %while3A_215 step %while3A_216  : i32 {
          %mul3A_330 = arith.constant 16 : i32
          %mul3A_331 = arith.muli %while3A_329, %mul3A_330 : i32
          %get3A = arith.index_cast %mul3A_331 : i32 to index
          %get3A_332 = tpu.vector_load %arg11[%get3A] {strides = array<i32>} : memref<4112xi32, #tpu.memory_space<vmem>>, vector<16xi32>,
          %iota3A = tpu.iota {dimensions = array<i32: 0>} : vector<16xi32>
          %add3A_333 = vector.broadcast %mul3A_331 : i32 to vector<16xi32>
          %add3A_334 = arith.addi %iota3A, %add3A_333 : vector<16xi32>
          %lt3A = vector.broadcast %scan3A_101#0 : i32 to vector<16xi32>
          %lt3A_335 = arith.cmpi slt, %add3A_334, %lt3A : vector<16xi32>
          %and3A_336 = arith.constant 131071 : i32
          %and3A_337 = vector.broadcast %and3A_336 : i32 to vector<16xi32>
          %and3A_338 = arith.andi %get3A_332, %and3A_337 : vector<16xi32>
          %sub3A_339 = arith.constant 0 : i32
          %sub3A_340 = vector.broadcast %sub3A_339 : i32 to vector<16xi32>
          %sub3A_341 = arith.subi %and3A_338, %sub3A_340 : vector<16xi32>
          %shift_right_logical3A = arith.constant 17 : i32
          %shift_right_logical3A_342 = vector.broadcast %shift_right_logical3A : i32 to vector<16xi32>
          %shift_right_logical3A_343 = arith.shrui %get3A_332, %shift_right_logical3A_342 : vector<16xi32>
          %gather3A = tpu.vector_load_idx %arg7[%sub3A_341] masked %lt3A_335 : memref<50048xf32, #tpu.memory_space<vmem>>[vector<16xi32>], vector<16xf32>, vector<16xi1>
          tpu.vector_store_idx %arg15[%shift_right_logical3A_343], %gather3A masked %lt3A_335 : memref<4096xf32, #tpu.memory_space<vmem>>[vector<16xi32>], vector<16xf32>, vector<16xi1>
        }
        %while3A_217 = arith.constant 1 : i32
        scf.for %while3A_329 = %while3A_215 to %while3A_211 step %while3A_217  : i32 {
          %mul3A_330 = arith.constant 16 : i32
          %mul3A_331 = arith.muli %while3A_329, %mul3A_330 : i32
          %get3A = arith.index_cast %mul3A_331 : i32 to index
          %get3A_332 = tpu.vector_load %arg11[%get3A] {strides = array<i32>} : memref<4112xi32, #tpu.memory_space<vmem>>, vector<16xi32>,
          %iota3A = tpu.iota {dimensions = array<i32: 0>} : vector<16xi32>
          %add3A_333 = vector.broadcast %mul3A_331 : i32 to vector<16xi32>
          %add3A_334 = arith.addi %iota3A, %add3A_333 : vector<16xi32>
          %lt3A = vector.broadcast %scan3A_101#0 : i32 to vector<16xi32>
          %lt3A_335 = arith.cmpi slt, %add3A_334, %lt3A : vector<16xi32>
          %and3A_336 = arith.constant 131071 : i32
          %and3A_337 = vector.broadcast %and3A_336 : i32 to vector<16xi32>
          %and3A_338 = arith.andi %get3A_332, %and3A_337 : vector<16xi32>
          %sub3A_339 = arith.constant 0 : i32
          %sub3A_340 = vector.broadcast %sub3A_339 : i32 to vector<16xi32>
          %sub3A_341 = arith.subi %and3A_338, %sub3A_340 : vector<16xi32>
          %shift_right_logical3A = arith.constant 17 : i32
          %shift_right_logical3A_342 = vector.broadcast %shift_right_logical3A : i32 to vector<16xi32>
          %shift_right_logical3A_343 = arith.shrui %get3A_332, %shift_right_logical3A_342 : vector<16xi32>
          %gather3A = tpu.vector_load_idx %arg7[%sub3A_341] masked %lt3A_335 : memref<50048xf32, #tpu.memory_space<vmem>>[vector<16xi32>], vector<16xf32>, vector<16xi1>
          tpu.vector_store_idx %arg15[%shift_right_logical3A_343], %gather3A masked %lt3A_335 : memref<4096xf32, #tpu.memory_space<vmem>>[vector<16xi32>], vector<16xf32>, vector<16xi1>
        }
        %dma_wait3A_218 = arith.constant 0 : i32
        %dma_wait3A_219 = tpu.memref_slice %arg2[%while3A_120, %dma_wait3A_218] : memref<1664x100000xf32, #tpu.memory_space<hbm>> -> memref<1x100000xf32, #tpu.memory_space<hbm>>
        %dma_wait3A_220 = tpu.memref_squeeze %dma_wait3A_219 : memref<1x100000xf32, #tpu.memory_space<hbm>> -> memref<100000xf32, #tpu.memory_space<hbm>>
        %dma_wait3A_221 = arith.constant 50048 : i32
        %dma_wait3A_222 = tpu.memref_slice %dma_wait3A_220[%dma_wait3A_221] : memref<100000xf32, #tpu.memory_space<hbm>> -> memref<49952xf32, #tpu.memory_space<hbm>>
        %dma_wait3A_223 = arith.constant 0 : i32
        %dma_wait3A_224 = tpu.memref_slice %arg2[%while3A_120, %dma_wait3A_223] : memref<1664x100000xf32, #tpu.memory_space<hbm>> -> memref<1x100000xf32, #tpu.memory_space<hbm>>
        %dma_wait3A_225 = tpu.memref_squeeze %dma_wait3A_224 : memref<1x100000xf32, #tpu.memory_space<hbm>> -> memref<100000xf32, #tpu.memory_space<hbm>>
        %dma_wait3A_226 = arith.constant 50048 : i32
        %dma_wait3A_227 = tpu.memref_slice %dma_wait3A_225[%dma_wait3A_226] : memref<100000xf32, #tpu.memory_space<hbm>> -> memref<49952xf32, #tpu.memory_space<hbm>>
        tpu.wait_dma2 semaphore(%arg17 : memref<!tpu.dma_semaphore, #tpu.memory_space<semaphore_mem>>) src(%dma_wait3A_227 : memref<49952xf32, #tpu.memory_space<hbm>>) dst(%arg8 : memref<49952xf32, #tpu.memory_space<vmem>>)
        %add3A_228 = arith.constant 1 : i32
        %add3A_229 = arith.addi %while3A_120, %add3A_228 : i32
        %min3A_230 = arith.minsi %add3A_229, %sub3A_5 : i32
        %dma_start3A_231 = arith.constant 0 : i32
        %dma_start3A_232 = tpu.memref_slice %arg2[%min3A_230, %dma_start3A_231] : memref<1664x100000xf32, #tpu.memory_space<hbm>> -> memref<1x100000xf32, #tpu.memory_space<hbm>>
        %dma_start3A_233 = tpu.memref_squeeze %dma_start3A_232 : memref<1x100000xf32, #tpu.memory_space<hbm>> -> memref<100000xf32, #tpu.memory_space<hbm>>
        %dma_start3A_234 = arith.constant 0 : i32
        %dma_start3A_235 = tpu.memref_slice %dma_start3A_233[%dma_start3A_234] : memref<100000xf32, #tpu.memory_space<hbm>> -> memref<50048xf32, #tpu.memory_space<hbm>>
        %dma_start3A_236 = arith.constant 0 : i32
        %dma_start3A_237 = tpu.memref_slice %arg2[%min3A_230, %dma_start3A_236] : memref<1664x100000xf32, #tpu.memory_space<hbm>> -> memref<1x100000xf32, #tpu.memory_space<hbm>>
        %dma_start3A_238 = tpu.memref_squeeze %dma_start3A_237 : memref<1x100000xf32, #tpu.memory_space<hbm>> -> memref<100000xf32, #tpu.memory_space<hbm>>
        %dma_start3A_239 = arith.constant 0 : i32
        %dma_start3A_240 = tpu.memref_slice %dma_start3A_238[%dma_start3A_239] : memref<100000xf32, #tpu.memory_space<hbm>> -> memref<50048xf32, #tpu.memory_space<hbm>>
        tpu.enqueue_dma source(%dma_start3A_240 : memref<50048xf32, #tpu.memory_space<hbm>>) target(%arg7 : memref<50048xf32, #tpu.memory_space<vmem>>) target_semaphore(%arg16 : memref<!tpu.dma_semaphore, #tpu.memory_space<semaphore_mem>>)
        %add3A_241 = arith.constant 16 : i32
        %add3A_242 = arith.addi %scan3A_93#1, %add3A_241 : i32
        %sub3A_243 = arith.constant 1 : i32
        %sub3A_244 = arith.subi %add3A_242, %sub3A_243 : i32
        %jit3A_245 = arith.constant 16 : i32
        %div3A_246 = arith.divsi %sub3A_244, %jit3A_245 : i32
        %sign3A_247 = arith.constant 0 : i32
        %sign3A_248 = arith.cmpi sgt, %sub3A_244, %sign3A_247 : i32
        %sign3A_249 = arith.extui %sign3A_248 : i1 to i32
        %sign3A_250 = arith.constant 0 : i32
        %sign3A_251 = arith.cmpi slt, %sub3A_244, %sign3A_250 : i32
        %sign3A_252 = arith.extui %sign3A_251 : i1 to i32
        %sign3A_253 = arith.subi %sign3A_249, %sign3A_252 : i32
        %sign3A_254 = arith.constant 0 : i32
        %sign3A_255 = arith.cmpi sgt, %jit3A_245, %sign3A_254 : i32
        %sign3A_256 = arith.extui %sign3A_255 : i1 to i32
        %sign3A_257 = arith.constant 0 : i32
        %sign3A_258 = arith.cmpi slt, %jit3A_245, %sign3A_257 : i32
        %sign3A_259 = arith.extui %sign3A_258 : i1 to i32
        %sign3A_260 = arith.subi %sign3A_256, %sign3A_259 : i32
        %ne3A_261 = arith.cmpi ne, %sign3A_253, %sign3A_260 : i32
        %rem3A_262 = arith.remsi %sub3A_244, %jit3A_245 : i32
        %ne3A_263 = arith.constant 0 : i32
        %ne3A_264 = arith.cmpi ne, %rem3A_262, %ne3A_263 : i32
        %and3A_265 = arith.andi %ne3A_261, %ne3A_264 : i1
        %sub3A_266 = arith.constant 1 : i32
        %sub3A_267 = arith.subi %div3A_246, %sub3A_266 : i32
        %select_n3A_268 = arith.select %and3A_265, %sub3A_267, %div3A_246 : i32
        %while3A_269 = arith.constant 0 : i32
        %while3A_270 = arith.constant 0 : i32
        %while3A_271 = arith.subi %select_n3A_268, %while3A_270 : i32
        %while3A_272 = arith.addi %while3A_270, %while3A_271 : i32
        %while3A_273 = arith.constant 1 : i32
        %while3A_274 = arith.divsi %while3A_271, %while3A_273 : i32
        %while3A_275 = arith.muli %while3A_274, %while3A_273 : i32
        %while3A_276 = arith.addi %while3A_270, %while3A_275 : i32
        %while3A_277 = arith.constant 1 : i32
        scf.for %while3A_329 = %while3A_270 to %while3A_276 step %while3A_277  : i32 {
          %mul3A_330 = arith.constant 16 : i32
          %mul3A_331 = arith.muli %while3A_329, %mul3A_330 : i32
          %get3A = arith.index_cast %mul3A_331 : i32 to index
          %get3A_332 = tpu.vector_load %arg10[%get3A] {strides = array<i32>} : memref<4112xi32, #tpu.memory_space<vmem>>, vector<16xi32>,
          %iota3A = tpu.iota {dimensions = array<i32: 0>} : vector<16xi32>
          %add3A_333 = vector.broadcast %mul3A_331 : i32 to vector<16xi32>
          %add3A_334 = arith.addi %iota3A, %add3A_333 : vector<16xi32>
          %lt3A = vector.broadcast %scan3A_93#1 : i32 to vector<16xi32>
          %lt3A_335 = arith.cmpi slt, %add3A_334, %lt3A : vector<16xi32>
          %and3A_336 = arith.constant 131071 : i32
          %and3A_337 = vector.broadcast %and3A_336 : i32 to vector<16xi32>
          %and3A_338 = arith.andi %get3A_332, %and3A_337 : vector<16xi32>
          %sub3A_339 = arith.constant 50048 : i32
          %sub3A_340 = vector.broadcast %sub3A_339 : i32 to vector<16xi32>
          %sub3A_341 = arith.subi %and3A_338, %sub3A_340 : vector<16xi32>
          %shift_right_logical3A = arith.constant 17 : i32
          %shift_right_logical3A_342 = vector.broadcast %shift_right_logical3A : i32 to vector<16xi32>
          %shift_right_logical3A_343 = arith.shrui %get3A_332, %shift_right_logical3A_342 : vector<16xi32>
          %gather3A = tpu.vector_load_idx %arg8[%sub3A_341] masked %lt3A_335 : memref<49952xf32, #tpu.memory_space<vmem>>[vector<16xi32>], vector<16xf32>, vector<16xi1>
          tpu.vector_store_idx %arg14[%shift_right_logical3A_343], %gather3A masked %lt3A_335 : memref<4096xf32, #tpu.memory_space<vmem>>[vector<16xi32>], vector<16xf32>, vector<16xi1>
        }
        %while3A_278 = arith.constant 1 : i32
        scf.for %while3A_329 = %while3A_276 to %while3A_272 step %while3A_278  : i32 {
          %mul3A_330 = arith.constant 16 : i32
          %mul3A_331 = arith.muli %while3A_329, %mul3A_330 : i32
          %get3A = arith.index_cast %mul3A_331 : i32 to index
          %get3A_332 = tpu.vector_load %arg10[%get3A] {strides = array<i32>} : memref<4112xi32, #tpu.memory_space<vmem>>, vector<16xi32>,
          %iota3A = tpu.iota {dimensions = array<i32: 0>} : vector<16xi32>
          %add3A_333 = vector.broadcast %mul3A_331 : i32 to vector<16xi32>
          %add3A_334 = arith.addi %iota3A, %add3A_333 : vector<16xi32>
          %lt3A = vector.broadcast %scan3A_93#1 : i32 to vector<16xi32>
          %lt3A_335 = arith.cmpi slt, %add3A_334, %lt3A : vector<16xi32>
          %and3A_336 = arith.constant 131071 : i32
          %and3A_337 = vector.broadcast %and3A_336 : i32 to vector<16xi32>
          %and3A_338 = arith.andi %get3A_332, %and3A_337 : vector<16xi32>
          %sub3A_339 = arith.constant 50048 : i32
          %sub3A_340 = vector.broadcast %sub3A_339 : i32 to vector<16xi32>
          %sub3A_341 = arith.subi %and3A_338, %sub3A_340 : vector<16xi32>
          %shift_right_logical3A = arith.constant 17 : i32
          %shift_right_logical3A_342 = vector.broadcast %shift_right_logical3A : i32 to vector<16xi32>
          %shift_right_logical3A_343 = arith.shrui %get3A_332, %shift_right_logical3A_342 : vector<16xi32>
          %gather3A = tpu.vector_load_idx %arg8[%sub3A_341] masked %lt3A_335 : memref<49952xf32, #tpu.memory_space<vmem>>[vector<16xi32>], vector<16xf32>, vector<16xi1>
          tpu.vector_store_idx %arg14[%shift_right_logical3A_343], %gather3A masked %lt3A_335 : memref<4096xf32, #tpu.memory_space<vmem>>[vector<16xi32>], vector<16xf32>, vector<16xi1>
        }
        %add3A_279 = arith.constant 16 : i32
        %add3A_280 = arith.addi %scan3A_101#1, %add3A_279 : i32
        %sub3A_281 = arith.constant 1 : i32
        %sub3A_282 = arith.subi %add3A_280, %sub3A_281 : i32
        %jit3A_283 = arith.constant 16 : i32
        %div3A_284 = arith.divsi %sub3A_282, %jit3A_283 : i32
        %sign3A_285 = arith.constant 0 : i32
        %sign3A_286 = arith.cmpi sgt, %sub3A_282, %sign3A_285 : i32
        %sign3A_287 = arith.extui %sign3A_286 : i1 to i32
        %sign3A_288 = arith.constant 0 : i32
        %sign3A_289 = arith.cmpi slt, %sub3A_282, %sign3A_288 : i32
        %sign3A_290 = arith.extui %sign3A_289 : i1 to i32
        %sign3A_291 = arith.subi %sign3A_287, %sign3A_290 : i32
        %sign3A_292 = arith.constant 0 : i32
        %sign3A_293 = arith.cmpi sgt, %jit3A_283, %sign3A_292 : i32
        %sign3A_294 = arith.extui %sign3A_293 : i1 to i32
        %sign3A_295 = arith.constant 0 : i32
        %sign3A_296 = arith.cmpi slt, %jit3A_283, %sign3A_295 : i32
        %sign3A_297 = arith.extui %sign3A_296 : i1 to i32
        %sign3A_298 = arith.subi %sign3A_294, %sign3A_297 : i32
        %ne3A_299 = arith.cmpi ne, %sign3A_291, %sign3A_298 : i32
        %rem3A_300 = arith.remsi %sub3A_282, %jit3A_283 : i32
        %ne3A_301 = arith.constant 0 : i32
        %ne3A_302 = arith.cmpi ne, %rem3A_300, %ne3A_301 : i32
        %and3A_303 = arith.andi %ne3A_299, %ne3A_302 : i1
        %sub3A_304 = arith.constant 1 : i32
        %sub3A_305 = arith.subi %div3A_284, %sub3A_304 : i32
        %select_n3A_306 = arith.select %and3A_303, %sub3A_305, %div3A_284 : i32
        %while3A_307 = arith.constant 0 : i32
        %while3A_308 = arith.constant 0 : i32
        %while3A_309 = arith.subi %select_n3A_306, %while3A_308 : i32
        %while3A_310 = arith.addi %while3A_308, %while3A_309 : i32
        %while3A_311 = arith.constant 1 : i32
        %while3A_312 = arith.divsi %while3A_309, %while3A_311 : i32
        %while3A_313 = arith.muli %while3A_312, %while3A_311 : i32
        %while3A_314 = arith.addi %while3A_308, %while3A_313 : i32
        %while3A_315 = arith.constant 1 : i32
        scf.for %while3A_329 = %while3A_308 to %while3A_314 step %while3A_315  : i32 {
          %mul3A_330 = arith.constant 16 : i32
          %mul3A_331 = arith.muli %while3A_329, %mul3A_330 : i32
          %get3A = arith.index_cast %mul3A_331 : i32 to index
          %get3A_332 = tpu.vector_load %arg12[%get3A] {strides = array<i32>} : memref<4112xi32, #tpu.memory_space<vmem>>, vector<16xi32>,
          %iota3A = tpu.iota {dimensions = array<i32: 0>} : vector<16xi32>
          %add3A_333 = vector.broadcast %mul3A_331 : i32 to vector<16xi32>
          %add3A_334 = arith.addi %iota3A, %add3A_333 : vector<16xi32>
          %lt3A = vector.broadcast %scan3A_101#1 : i32 to vector<16xi32>
          %lt3A_335 = arith.cmpi slt, %add3A_334, %lt3A : vector<16xi32>
          %and3A_336 = arith.constant 131071 : i32
          %and3A_337 = vector.broadcast %and3A_336 : i32 to vector<16xi32>
          %and3A_338 = arith.andi %get3A_332, %and3A_337 : vector<16xi32>
          %sub3A_339 = arith.constant 50048 : i32
          %sub3A_340 = vector.broadcast %sub3A_339 : i32 to vector<16xi32>
          %sub3A_341 = arith.subi %and3A_338, %sub3A_340 : vector<16xi32>
          %shift_right_logical3A = arith.constant 17 : i32
          %shift_right_logical3A_342 = vector.broadcast %shift_right_logical3A : i32 to vector<16xi32>
          %shift_right_logical3A_343 = arith.shrui %get3A_332, %shift_right_logical3A_342 : vector<16xi32>
          %gather3A = tpu.vector_load_idx %arg8[%sub3A_341] masked %lt3A_335 : memref<49952xf32, #tpu.memory_space<vmem>>[vector<16xi32>], vector<16xf32>, vector<16xi1>
          tpu.vector_store_idx %arg15[%shift_right_logical3A_343], %gather3A masked %lt3A_335 : memref<4096xf32, #tpu.memory_space<vmem>>[vector<16xi32>], vector<16xf32>, vector<16xi1>
        }
        %while3A_316 = arith.constant 1 : i32
        scf.for %while3A_329 = %while3A_314 to %while3A_310 step %while3A_316  : i32 {
          %mul3A_330 = arith.constant 16 : i32
          %mul3A_331 = arith.muli %while3A_329, %mul3A_330 : i32
          %get3A = arith.index_cast %mul3A_331 : i32 to index
          %get3A_332 = tpu.vector_load %arg12[%get3A] {strides = array<i32>} : memref<4112xi32, #tpu.memory_space<vmem>>, vector<16xi32>,
          %iota3A = tpu.iota {dimensions = array<i32: 0>} : vector<16xi32>
          %add3A_333 = vector.broadcast %mul3A_331 : i32 to vector<16xi32>
          %add3A_334 = arith.addi %iota3A, %add3A_333 : vector<16xi32>
          %lt3A = vector.broadcast %scan3A_101#1 : i32 to vector<16xi32>
          %lt3A_335 = arith.cmpi slt, %add3A_334, %lt3A : vector<16xi32>
          %and3A_336 = arith.constant 131071 : i32
          %and3A_337 = vector.broadcast %and3A_336 : i32 to vector<16xi32>
          %and3A_338 = arith.andi %get3A_332, %and3A_337 : vector<16xi32>
          %sub3A_339 = arith.constant 50048 : i32
          %sub3A_340 = vector.broadcast %sub3A_339 : i32 to vector<16xi32>
          %sub3A_341 = arith.subi %and3A_338, %sub3A_340 : vector<16xi32>
          %shift_right_logical3A = arith.constant 17 : i32
          %shift_right_logical3A_342 = vector.broadcast %shift_right_logical3A : i32 to vector<16xi32>
          %shift_right_logical3A_343 = arith.shrui %get3A_332, %shift_right_logical3A_342 : vector<16xi32>
          %gather3A = tpu.vector_load_idx %arg8[%sub3A_341] masked %lt3A_335 : memref<49952xf32, #tpu.memory_space<vmem>>[vector<16xi32>], vector<16xf32>, vector<16xi1>
          tpu.vector_store_idx %arg15[%shift_right_logical3A_343], %gather3A masked %lt3A_335 : memref<4096xf32, #tpu.memory_space<vmem>>[vector<16xi32>], vector<16xf32>, vector<16xi1>
        }
        %dma_start3A_317 = arith.constant 0 : i32
        %dma_start3A_318 = tpu.memref_slice %arg5[%while3A_120, %dma_start3A_317] : memref<1664x4096xf32, #tpu.memory_space<hbm>> -> memref<1x4096xf32, #tpu.memory_space<hbm>>
        %dma_start3A_319 = tpu.memref_squeeze %dma_start3A_318 : memref<1x4096xf32, #tpu.memory_space<hbm>> -> memref<4096xf32, #tpu.memory_space<hbm>>
        %dma_start3A_320 = arith.constant 0 : i32
        %dma_start3A_321 = tpu.memref_slice %arg5[%while3A_120, %dma_start3A_320] : memref<1664x4096xf32, #tpu.memory_space<hbm>> -> memref<1x4096xf32, #tpu.memory_space<hbm>>
        %dma_start3A_322 = tpu.memref_squeeze %dma_start3A_321 : memref<1x4096xf32, #tpu.memory_space<hbm>> -> memref<4096xf32, #tpu.memory_space<hbm>>
        tpu.enqueue_dma source(%arg14 : memref<4096xf32, #tpu.memory_space<vmem>>) target(%dma_start3A_322 : memref<4096xf32, #tpu.memory_space<hbm>>) target_semaphore(%arg18 : memref<!tpu.dma_semaphore, #tpu.memory_space<semaphore_mem>>)
        %dma_start3A_323 = arith.constant 0 : i32
        %dma_start3A_324 = tpu.memref_slice %arg6[%while3A_120, %dma_start3A_323] : memref<1664x4096xf32, #tpu.memory_space<hbm>> -> memref<1x4096xf32, #tpu.memory_space<hbm>>
        %dma_start3A_325 = tpu.memref_squeeze %dma_start3A_324 : memref<1x4096xf32, #tpu.memory_space<hbm>> -> memref<4096xf32, #tpu.memory_space<hbm>>
        %dma_start3A_326 = arith.constant 0 : i32
        %dma_start3A_327 = tpu.memref_slice %arg6[%while3A_120, %dma_start3A_326] : memref<1664x4096xf32, #tpu.memory_space<hbm>> -> memref<1x4096xf32, #tpu.memory_space<hbm>>
        %dma_start3A_328 = tpu.memref_squeeze %dma_start3A_327 : memref<1x4096xf32, #tpu.memory_space<hbm>> -> memref<4096xf32, #tpu.memory_space<hbm>>
        tpu.enqueue_dma source(%arg15 : memref<4096xf32, #tpu.memory_space<vmem>>) target(%dma_start3A_328 : memref<4096xf32, #tpu.memory_space<hbm>>) target_semaphore(%arg18 : memref<!tpu.dma_semaphore, #tpu.memory_space<semaphore_mem>>)
      }
      %while3A_119 = arith.constant 1 : i32
      scf.for %while3A_120 = %while3A_117 to %while3A_113 step %while3A_119  : i32 {
        %dma_wait3A_121 = arith.constant 0 : i32
        %dma_wait3A_122 = tpu.memref_slice %arg2[%while3A_120, %dma_wait3A_121] : memref<1664x100000xf32, #tpu.memory_space<hbm>> -> memref<1x100000xf32, #tpu.memory_space<hbm>>
        %dma_wait3A_123 = tpu.memref_squeeze %dma_wait3A_122 : memref<1x100000xf32, #tpu.memory_space<hbm>> -> memref<100000xf32, #tpu.memory_space<hbm>>
        %dma_wait3A_124 = arith.constant 0 : i32
        %dma_wait3A_125 = tpu.memref_slice %dma_wait3A_123[%dma_wait3A_124] : memref<100000xf32, #tpu.memory_space<hbm>> -> memref<50048xf32, #tpu.memory_space<hbm>>
        %dma_wait3A_126 = arith.constant 0 : i32
        %dma_wait3A_127 = tpu.memref_slice %arg2[%while3A_120, %dma_wait3A_126] : memref<1664x100000xf32, #tpu.memory_space<hbm>> -> memref<1x100000xf32, #tpu.memory_space<hbm>>
        %dma_wait3A_128 = tpu.memref_squeeze %dma_wait3A_127 : memref<1x100000xf32, #tpu.memory_space<hbm>> -> memref<100000xf32, #tpu.memory_space<hbm>>
        %dma_wait3A_129 = arith.constant 0 : i32
        %dma_wait3A_130 = tpu.memref_slice %dma_wait3A_128[%dma_wait3A_129] : memref<100000xf32, #tpu.memory_space<hbm>> -> memref<50048xf32, #tpu.memory_space<hbm>>
        tpu.wait_dma2 semaphore(%arg16 : memref<!tpu.dma_semaphore, #tpu.memory_space<semaphore_mem>>) src(%dma_wait3A_130 : memref<50048xf32, #tpu.memory_space<hbm>>) dst(%arg7 : memref<50048xf32, #tpu.memory_space<vmem>>)
        %dma_start3A_131 = arith.constant 0 : i32
        %dma_start3A_132 = tpu.memref_slice %arg2[%while3A_120, %dma_start3A_131] : memref<1664x100000xf32, #tpu.memory_space<hbm>> -> memref<1x100000xf32, #tpu.memory_space<hbm>>
        %dma_start3A_133 = tpu.memref_squeeze %dma_start3A_132 : memref<1x100000xf32, #tpu.memory_space<hbm>> -> memref<100000xf32, #tpu.memory_space<hbm>>
        %dma_start3A_134 = arith.constant 50048 : i32
        %dma_start3A_135 = tpu.memref_slice %dma_start3A_133[%dma_start3A_134] : memref<100000xf32, #tpu.memory_space<hbm>> -> memref<49952xf32, #tpu.memory_space<hbm>>
        %dma_start3A_136 = arith.constant 0 : i32
        %dma_start3A_137 = tpu.memref_slice %arg2[%while3A_120, %dma_start3A_136] : memref<1664x100000xf32, #tpu.memory_space<hbm>> -> memref<1x100000xf32, #tpu.memory_space<hbm>>
        %dma_start3A_138 = tpu.memref_squeeze %dma_start3A_137 : memref<1x100000xf32, #tpu.memory_space<hbm>> -> memref<100000xf32, #tpu.memory_space<hbm>>
        %dma_start3A_139 = arith.constant 50048 : i32
        %dma_start3A_140 = tpu.memref_slice %dma_start3A_138[%dma_start3A_139] : memref<100000xf32, #tpu.memory_space<hbm>> -> memref<49952xf32, #tpu.memory_space<hbm>>
        tpu.enqueue_dma source(%dma_start3A_140 : memref<49952xf32, #tpu.memory_space<hbm>>) target(%arg8 : memref<49952xf32, #tpu.memory_space<vmem>>) target_semaphore(%arg17 : memref<!tpu.dma_semaphore, #tpu.memory_space<semaphore_mem>>)
        %gt3A = arith.cmpi sgt, %while3A_120, %mul3A_2 : i32
        %convert_element_type3A = arith.extui %gt3A : i1 to i32
        %cond3A = arith.constant 0 : i32
        %cond3A_141 = arith.cmpi ne, %convert_element_type3A, %cond3A : i32
        scf.if %cond3A_141 {
          %dma_wait3A_329 = arith.constant 0 : i32
          %dma_wait3A_330 = tpu.memref_slice %arg5[%while3A_120, %dma_wait3A_329] : memref<1664x4096xf32, #tpu.memory_space<hbm>> -> memref<1x4096xf32, #tpu.memory_space<hbm>>
          %dma_wait3A_331 = tpu.memref_squeeze %dma_wait3A_330 : memref<1x4096xf32, #tpu.memory_space<hbm>> -> memref<4096xf32, #tpu.memory_space<hbm>>
          %dma_wait3A_332 = arith.constant 0 : i32
          %dma_wait3A_333 = tpu.memref_slice %arg5[%while3A_120, %dma_wait3A_332] : memref<1664x4096xf32, #tpu.memory_space<hbm>> -> memref<1x4096xf32, #tpu.memory_space<hbm>>
          %dma_wait3A_334 = tpu.memref_squeeze %dma_wait3A_333 : memref<1x4096xf32, #tpu.memory_space<hbm>> -> memref<4096xf32, #tpu.memory_space<hbm>>
          tpu.wait_dma2 semaphore(%arg18 : memref<!tpu.dma_semaphore, #tpu.memory_space<semaphore_mem>>) src(%dma_wait3A_334 : memref<4096xf32, #tpu.memory_space<hbm>>) dst(%arg14 : memref<4096xf32, #tpu.memory_space<vmem>>)
          %dma_wait3A_335 = arith.constant 0 : i32
          %dma_wait3A_336 = tpu.memref_slice %arg6[%while3A_120, %dma_wait3A_335] : memref<1664x4096xf32, #tpu.memory_space<hbm>> -> memref<1x4096xf32, #tpu.memory_space<hbm>>
          %dma_wait3A_337 = tpu.memref_squeeze %dma_wait3A_336 : memref<1x4096xf32, #tpu.memory_space<hbm>> -> memref<4096xf32, #tpu.memory_space<hbm>>
          %dma_wait3A_338 = arith.constant 0 : i32
          %dma_wait3A_339 = tpu.memref_slice %arg6[%while3A_120, %dma_wait3A_338] : memref<1664x4096xf32, #tpu.memory_space<hbm>> -> memref<1x4096xf32, #tpu.memory_space<hbm>>
          %dma_wait3A_340 = tpu.memref_squeeze %dma_wait3A_339 : memref<1x4096xf32, #tpu.memory_space<hbm>> -> memref<4096xf32, #tpu.memory_space<hbm>>
          tpu.wait_dma2 semaphore(%arg18 : memref<!tpu.dma_semaphore, #tpu.memory_space<semaphore_mem>>) src(%dma_wait3A_340 : memref<4096xf32, #tpu.memory_space<hbm>>) dst(%arg15 : memref<4096xf32, #tpu.memory_space<vmem>>)
        } else {
        }
        %add3A_142 = arith.constant 16 : i32
        %add3A_143 = arith.addi %scan3A_93#0, %add3A_142 : i32
        %sub3A_144 = arith.constant 1 : i32
        %sub3A_145 = arith.subi %add3A_143, %sub3A_144 : i32
        %jit3A_146 = arith.constant 16 : i32
        %div3A_147 = arith.divsi %sub3A_145, %jit3A_146 : i32
        %sign3A_148 = arith.constant 0 : i32
        %sign3A_149 = arith.cmpi sgt, %sub3A_145, %sign3A_148 : i32
        %sign3A_150 = arith.extui %sign3A_149 : i1 to i32
        %sign3A_151 = arith.constant 0 : i32
        %sign3A_152 = arith.cmpi slt, %sub3A_145, %sign3A_151 : i32
        %sign3A_153 = arith.extui %sign3A_152 : i1 to i32
        %sign3A_154 = arith.subi %sign3A_150, %sign3A_153 : i32
        %sign3A_155 = arith.constant 0 : i32
        %sign3A_156 = arith.cmpi sgt, %jit3A_146, %sign3A_155 : i32
        %sign3A_157 = arith.extui %sign3A_156 : i1 to i32
        %sign3A_158 = arith.constant 0 : i32
        %sign3A_159 = arith.cmpi slt, %jit3A_146, %sign3A_158 : i32
        %sign3A_160 = arith.extui %sign3A_159 : i1 to i32
        %sign3A_161 = arith.subi %sign3A_157, %sign3A_160 : i32
        %ne3A_162 = arith.cmpi ne, %sign3A_154, %sign3A_161 : i32
        %rem3A_163 = arith.remsi %sub3A_145, %jit3A_146 : i32
        %ne3A_164 = arith.constant 0 : i32
        %ne3A_165 = arith.cmpi ne, %rem3A_163, %ne3A_164 : i32
        %and3A_166 = arith.andi %ne3A_162, %ne3A_165 : i1
        %sub3A_167 = arith.constant 1 : i32
        %sub3A_168 = arith.subi %div3A_147, %sub3A_167 : i32
        %select_n3A_169 = arith.select %and3A_166, %sub3A_168, %div3A_147 : i32
        %while3A_170 = arith.constant 0 : i32
        %while3A_171 = arith.constant 0 : i32
        %while3A_172 = arith.subi %select_n3A_169, %while3A_171 : i32
        %while3A_173 = arith.addi %while3A_171, %while3A_172 : i32
        %while3A_174 = arith.constant 1 : i32
        %while3A_175 = arith.divsi %while3A_172, %while3A_174 : i32
        %while3A_176 = arith.muli %while3A_175, %while3A_174 : i32
        %while3A_177 = arith.addi %while3A_171, %while3A_176 : i32
        %while3A_178 = arith.constant 1 : i32
        scf.for %while3A_329 = %while3A_171 to %while3A_177 step %while3A_178  : i32 {
          %mul3A_330 = arith.constant 16 : i32
          %mul3A_331 = arith.muli %while3A_329, %mul3A_330 : i32
          %get3A = arith.index_cast %mul3A_331 : i32 to index
          %get3A_332 = tpu.vector_load %arg9[%get3A] {strides = array<i32>} : memref<4112xi32, #tpu.memory_space<vmem>>, vector<16xi32>,
          %iota3A = tpu.iota {dimensions = array<i32: 0>} : vector<16xi32>
          %add3A_333 = vector.broadcast %mul3A_331 : i32 to vector<16xi32>
          %add3A_334 = arith.addi %iota3A, %add3A_333 : vector<16xi32>
          %lt3A = vector.broadcast %scan3A_93#0 : i32 to vector<16xi32>
          %lt3A_335 = arith.cmpi slt, %add3A_334, %lt3A : vector<16xi32>
          %and3A_336 = arith.constant 131071 : i32
          %and3A_337 = vector.broadcast %and3A_336 : i32 to vector<16xi32>
          %and3A_338 = arith.andi %get3A_332, %and3A_337 : vector<16xi32>
          %sub3A_339 = arith.constant 0 : i32
          %sub3A_340 = vector.broadcast %sub3A_339 : i32 to vector<16xi32>
          %sub3A_341 = arith.subi %and3A_338, %sub3A_340 : vector<16xi32>
          %shift_right_logical3A = arith.constant 17 : i32
          %shift_right_logical3A_342 = vector.broadcast %shift_right_logical3A : i32 to vector<16xi32>
          %shift_right_logical3A_343 = arith.shrui %get3A_332, %shift_right_logical3A_342 : vector<16xi32>
          %gather3A = tpu.vector_load_idx %arg7[%sub3A_341] masked %lt3A_335 : memref<50048xf32, #tpu.memory_space<vmem>>[vector<16xi32>], vector<16xf32>, vector<16xi1>
          tpu.vector_store_idx %arg14[%shift_right_logical3A_343], %gather3A masked %lt3A_335 : memref<4096xf32, #tpu.memory_space<vmem>>[vector<16xi32>], vector<16xf32>, vector<16xi1>
        }
        %while3A_179 = arith.constant 1 : i32
        scf.for %while3A_329 = %while3A_177 to %while3A_173 step %while3A_179  : i32 {
          %mul3A_330 = arith.constant 16 : i32
          %mul3A_331 = arith.muli %while3A_329, %mul3A_330 : i32
          %get3A = arith.index_cast %mul3A_331 : i32 to index
          %get3A_332 = tpu.vector_load %arg9[%get3A] {strides = array<i32>} : memref<4112xi32, #tpu.memory_space<vmem>>, vector<16xi32>,
          %iota3A = tpu.iota {dimensions = array<i32: 0>} : vector<16xi32>
          %add3A_333 = vector.broadcast %mul3A_331 : i32 to vector<16xi32>
          %add3A_334 = arith.addi %iota3A, %add3A_333 : vector<16xi32>
          %lt3A = vector.broadcast %scan3A_93#0 : i32 to vector<16xi32>
          %lt3A_335 = arith.cmpi slt, %add3A_334, %lt3A : vector<16xi32>
          %and3A_336 = arith.constant 131071 : i32
          %and3A_337 = vector.broadcast %and3A_336 : i32 to vector<16xi32>
          %and3A_338 = arith.andi %get3A_332, %and3A_337 : vector<16xi32>
          %sub3A_339 = arith.constant 0 : i32
          %sub3A_340 = vector.broadcast %sub3A_339 : i32 to vector<16xi32>
          %sub3A_341 = arith.subi %and3A_338, %sub3A_340 : vector<16xi32>
          %shift_right_logical3A = arith.constant 17 : i32
          %shift_right_logical3A_342 = vector.broadcast %shift_right_logical3A : i32 to vector<16xi32>
          %shift_right_logical3A_343 = arith.shrui %get3A_332, %shift_right_logical3A_342 : vector<16xi32>
          %gather3A = tpu.vector_load_idx %arg7[%sub3A_341] masked %lt3A_335 : memref<50048xf32, #tpu.memory_space<vmem>>[vector<16xi32>], vector<16xf32>, vector<16xi1>
          tpu.vector_store_idx %arg14[%shift_right_logical3A_343], %gather3A masked %lt3A_335 : memref<4096xf32, #tpu.memory_space<vmem>>[vector<16xi32>], vector<16xf32>, vector<16xi1>
        }
        %add3A_180 = arith.constant 16 : i32
        %add3A_181 = arith.addi %scan3A_101#0, %add3A_180 : i32
        %sub3A_182 = arith.constant 1 : i32
        %sub3A_183 = arith.subi %add3A_181, %sub3A_182 : i32
        %jit3A_184 = arith.constant 16 : i32
        %div3A_185 = arith.divsi %sub3A_183, %jit3A_184 : i32
        %sign3A_186 = arith.constant 0 : i32
        %sign3A_187 = arith.cmpi sgt, %sub3A_183, %sign3A_186 : i32
        %sign3A_188 = arith.extui %sign3A_187 : i1 to i32
        %sign3A_189 = arith.constant 0 : i32
        %sign3A_190 = arith.cmpi slt, %sub3A_183, %sign3A_189 : i32
        %sign3A_191 = arith.extui %sign3A_190 : i1 to i32
        %sign3A_192 = arith.subi %sign3A_188, %sign3A_191 : i32
        %sign3A_193 = arith.constant 0 : i32
        %sign3A_194 = arith.cmpi sgt, %jit3A_184, %sign3A_193 : i32
        %sign3A_195 = arith.extui %sign3A_194 : i1 to i32
        %sign3A_196 = arith.constant 0 : i32
        %sign3A_197 = arith.cmpi slt, %jit3A_184, %sign3A_196 : i32
        %sign3A_198 = arith.extui %sign3A_197 : i1 to i32
        %sign3A_199 = arith.subi %sign3A_195, %sign3A_198 : i32
        %ne3A_200 = arith.cmpi ne, %sign3A_192, %sign3A_199 : i32
        %rem3A_201 = arith.remsi %sub3A_183, %jit3A_184 : i32
        %ne3A_202 = arith.constant 0 : i32
        %ne3A_203 = arith.cmpi ne, %rem3A_201, %ne3A_202 : i32
        %and3A_204 = arith.andi %ne3A_200, %ne3A_203 : i1
        %sub3A_205 = arith.constant 1 : i32
        %sub3A_206 = arith.subi %div3A_185, %sub3A_205 : i32
        %select_n3A_207 = arith.select %and3A_204, %sub3A_206, %div3A_185 : i32
        %while3A_208 = arith.constant 0 : i32
        %while3A_209 = arith.constant 0 : i32
        %while3A_210 = arith.subi %select_n3A_207, %while3A_209 : i32
        %while3A_211 = arith.addi %while3A_209, %while3A_210 : i32
        %while3A_212 = arith.constant 1 : i32
        %while3A_213 = arith.divsi %while3A_210, %while3A_212 : i32
        %while3A_214 = arith.muli %while3A_213, %while3A_212 : i32
        %while3A_215 = arith.addi %while3A_209, %while3A_214 : i32
        %while3A_216 = arith.constant 1 : i32
        scf.for %while3A_329 = %while3A_209 to %while3A_215 step %while3A_216  : i32 {
          %mul3A_330 = arith.constant 16 : i32
          %mul3A_331 = arith.muli %while3A_329, %mul3A_330 : i32
          %get3A = arith.index_cast %mul3A_331 : i32 to index
          %get3A_332 = tpu.vector_load %arg11[%get3A] {strides = array<i32>} : memref<4112xi32, #tpu.memory_space<vmem>>, vector<16xi32>,
          %iota3A = tpu.iota {dimensions = array<i32: 0>} : vector<16xi32>
          %add3A_333 = vector.broadcast %mul3A_331 : i32 to vector<16xi32>
          %add3A_334 = arith.addi %iota3A, %add3A_333 : vector<16xi32>
          %lt3A = vector.broadcast %scan3A_101#0 : i32 to vector<16xi32>
          %lt3A_335 = arith.cmpi slt, %add3A_334, %lt3A : vector<16xi32>
          %and3A_336 = arith.constant 131071 : i32
          %and3A_337 = vector.broadcast %and3A_336 : i32 to vector<16xi32>
          %and3A_338 = arith.andi %get3A_332, %and3A_337 : vector<16xi32>
          %sub3A_339 = arith.constant 0 : i32
          %sub3A_340 = vector.broadcast %sub3A_339 : i32 to vector<16xi32>
          %sub3A_341 = arith.subi %and3A_338, %sub3A_340 : vector<16xi32>
          %shift_right_logical3A = arith.constant 17 : i32
          %shift_right_logical3A_342 = vector.broadcast %shift_right_logical3A : i32 to vector<16xi32>
          %shift_right_logical3A_343 = arith.shrui %get3A_332, %shift_right_logical3A_342 : vector<16xi32>
          %gather3A = tpu.vector_load_idx %arg7[%sub3A_341] masked %lt3A_335 : memref<50048xf32, #tpu.memory_space<vmem>>[vector<16xi32>], vector<16xf32>, vector<16xi1>
          tpu.vector_store_idx %arg15[%shift_right_logical3A_343], %gather3A masked %lt3A_335 : memref<4096xf32, #tpu.memory_space<vmem>>[vector<16xi32>], vector<16xf32>, vector<16xi1>
        }
        %while3A_217 = arith.constant 1 : i32
        scf.for %while3A_329 = %while3A_215 to %while3A_211 step %while3A_217  : i32 {
          %mul3A_330 = arith.constant 16 : i32
          %mul3A_331 = arith.muli %while3A_329, %mul3A_330 : i32
          %get3A = arith.index_cast %mul3A_331 : i32 to index
          %get3A_332 = tpu.vector_load %arg11[%get3A] {strides = array<i32>} : memref<4112xi32, #tpu.memory_space<vmem>>, vector<16xi32>,
          %iota3A = tpu.iota {dimensions = array<i32: 0>} : vector<16xi32>
          %add3A_333 = vector.broadcast %mul3A_331 : i32 to vector<16xi32>
          %add3A_334 = arith.addi %iota3A, %add3A_333 : vector<16xi32>
          %lt3A = vector.broadcast %scan3A_101#0 : i32 to vector<16xi32>
          %lt3A_335 = arith.cmpi slt, %add3A_334, %lt3A : vector<16xi32>
          %and3A_336 = arith.constant 131071 : i32
          %and3A_337 = vector.broadcast %and3A_336 : i32 to vector<16xi32>
          %and3A_338 = arith.andi %get3A_332, %and3A_337 : vector<16xi32>
          %sub3A_339 = arith.constant 0 : i32
          %sub3A_340 = vector.broadcast %sub3A_339 : i32 to vector<16xi32>
          %sub3A_341 = arith.subi %and3A_338, %sub3A_340 : vector<16xi32>
          %shift_right_logical3A = arith.constant 17 : i32
          %shift_right_logical3A_342 = vector.broadcast %shift_right_logical3A : i32 to vector<16xi32>
          %shift_right_logical3A_343 = arith.shrui %get3A_332, %shift_right_logical3A_342 : vector<16xi32>
          %gather3A = tpu.vector_load_idx %arg7[%sub3A_341] masked %lt3A_335 : memref<50048xf32, #tpu.memory_space<vmem>>[vector<16xi32>], vector<16xf32>, vector<16xi1>
          tpu.vector_store_idx %arg15[%shift_right_logical3A_343], %gather3A masked %lt3A_335 : memref<4096xf32, #tpu.memory_space<vmem>>[vector<16xi32>], vector<16xf32>, vector<16xi1>
        }
        %dma_wait3A_218 = arith.constant 0 : i32
        %dma_wait3A_219 = tpu.memref_slice %arg2[%while3A_120, %dma_wait3A_218] : memref<1664x100000xf32, #tpu.memory_space<hbm>> -> memref<1x100000xf32, #tpu.memory_space<hbm>>
        %dma_wait3A_220 = tpu.memref_squeeze %dma_wait3A_219 : memref<1x100000xf32, #tpu.memory_space<hbm>> -> memref<100000xf32, #tpu.memory_space<hbm>>
        %dma_wait3A_221 = arith.constant 50048 : i32
        %dma_wait3A_222 = tpu.memref_slice %dma_wait3A_220[%dma_wait3A_221] : memref<100000xf32, #tpu.memory_space<hbm>> -> memref<49952xf32, #tpu.memory_space<hbm>>
        %dma_wait3A_223 = arith.constant 0 : i32
        %dma_wait3A_224 = tpu.memref_slice %arg2[%while3A_120, %dma_wait3A_223] : memref<1664x100000xf32, #tpu.memory_space<hbm>> -> memref<1x100000xf32, #tpu.memory_space<hbm>>
        %dma_wait3A_225 = tpu.memref_squeeze %dma_wait3A_224 : memref<1x100000xf32, #tpu.memory_space<hbm>> -> memref<100000xf32, #tpu.memory_space<hbm>>
        %dma_wait3A_226 = arith.constant 50048 : i32
        %dma_wait3A_227 = tpu.memref_slice %dma_wait3A_225[%dma_wait3A_226] : memref<100000xf32, #tpu.memory_space<hbm>> -> memref<49952xf32, #tpu.memory_space<hbm>>
        tpu.wait_dma2 semaphore(%arg17 : memref<!tpu.dma_semaphore, #tpu.memory_space<semaphore_mem>>) src(%dma_wait3A_227 : memref<49952xf32, #tpu.memory_space<hbm>>) dst(%arg8 : memref<49952xf32, #tpu.memory_space<vmem>>)
        %add3A_228 = arith.constant 1 : i32
        %add3A_229 = arith.addi %while3A_120, %add3A_228 : i32
        %min3A_230 = arith.minsi %add3A_229, %sub3A_5 : i32
        %dma_start3A_231 = arith.constant 0 : i32
        %dma_start3A_232 = tpu.memref_slice %arg2[%min3A_230, %dma_start3A_231] : memref<1664x100000xf32, #tpu.memory_space<hbm>> -> memref<1x100000xf32, #tpu.memory_space<hbm>>
        %dma_start3A_233 = tpu.memref_squeeze %dma_start3A_232 : memref<1x100000xf32, #tpu.memory_space<hbm>> -> memref<100000xf32, #tpu.memory_space<hbm>>
        %dma_start3A_234 = arith.constant 0 : i32
        %dma_start3A_235 = tpu.memref_slice %dma_start3A_233[%dma_start3A_234] : memref<100000xf32, #tpu.memory_space<hbm>> -> memref<50048xf32, #tpu.memory_space<hbm>>
        %dma_start3A_236 = arith.constant 0 : i32
        %dma_start3A_237 = tpu.memref_slice %arg2[%min3A_230, %dma_start3A_236] : memref<1664x100000xf32, #tpu.memory_space<hbm>> -> memref<1x100000xf32, #tpu.memory_space<hbm>>
        %dma_start3A_238 = tpu.memref_squeeze %dma_start3A_237 : memref<1x100000xf32, #tpu.memory_space<hbm>> -> memref<100000xf32, #tpu.memory_space<hbm>>
        %dma_start3A_239 = arith.constant 0 : i32
        %dma_start3A_240 = tpu.memref_slice %dma_start3A_238[%dma_start3A_239] : memref<100000xf32, #tpu.memory_space<hbm>> -> memref<50048xf32, #tpu.memory_space<hbm>>
        tpu.enqueue_dma source(%dma_start3A_240 : memref<50048xf32, #tpu.memory_space<hbm>>) target(%arg7 : memref<50048xf32, #tpu.memory_space<vmem>>) target_semaphore(%arg16 : memref<!tpu.dma_semaphore, #tpu.memory_space<semaphore_mem>>)
        %add3A_241 = arith.constant 16 : i32
        %add3A_242 = arith.addi %scan3A_93#1, %add3A_241 : i32
        %sub3A_243 = arith.constant 1 : i32
        %sub3A_244 = arith.subi %add3A_242, %sub3A_243 : i32
        %jit3A_245 = arith.constant 16 : i32
        %div3A_246 = arith.divsi %sub3A_244, %jit3A_245 : i32
        %sign3A_247 = arith.constant 0 : i32
        %sign3A_248 = arith.cmpi sgt, %sub3A_244, %sign3A_247 : i32
        %sign3A_249 = arith.extui %sign3A_248 : i1 to i32
        %sign3A_250 = arith.constant 0 : i32
        %sign3A_251 = arith.cmpi slt, %sub3A_244, %sign3A_250 : i32
        %sign3A_252 = arith.extui %sign3A_251 : i1 to i32
        %sign3A_253 = arith.subi %sign3A_249, %sign3A_252 : i32
        %sign3A_254 = arith.constant 0 : i32
        %sign3A_255 = arith.cmpi sgt, %jit3A_245, %sign3A_254 : i32
        %sign3A_256 = arith.extui %sign3A_255 : i1 to i32
        %sign3A_257 = arith.constant 0 : i32
        %sign3A_258 = arith.cmpi slt, %jit3A_245, %sign3A_257 : i32
        %sign3A_259 = arith.extui %sign3A_258 : i1 to i32
        %sign3A_260 = arith.subi %sign3A_256, %sign3A_259 : i32
        %ne3A_261 = arith.cmpi ne, %sign3A_253, %sign3A_260 : i32
        %rem3A_262 = arith.remsi %sub3A_244, %jit3A_245 : i32
        %ne3A_263 = arith.constant 0 : i32
        %ne3A_264 = arith.cmpi ne, %rem3A_262, %ne3A_263 : i32
        %and3A_265 = arith.andi %ne3A_261, %ne3A_264 : i1
        %sub3A_266 = arith.constant 1 : i32
        %sub3A_267 = arith.subi %div3A_246, %sub3A_266 : i32
        %select_n3A_268 = arith.select %and3A_265, %sub3A_267, %div3A_246 : i32
        %while3A_269 = arith.constant 0 : i32
        %while3A_270 = arith.constant 0 : i32
        %while3A_271 = arith.subi %select_n3A_268, %while3A_270 : i32
        %while3A_272 = arith.addi %while3A_270, %while3A_271 : i32
        %while3A_273 = arith.constant 1 : i32
        %while3A_274 = arith.divsi %while3A_271, %while3A_273 : i32
        %while3A_275 = arith.muli %while3A_274, %while3A_273 : i32
        %while3A_276 = arith.addi %while3A_270, %while3A_275 : i32
        %while3A_277 = arith.constant 1 : i32
        scf.for %while3A_329 = %while3A_270 to %while3A_276 step %while3A_277  : i32 {
          %mul3A_330 = arith.constant 16 : i32
          %mul3A_331 = arith.muli %while3A_329, %mul3A_330 : i32
          %get3A = arith.index_cast %mul3A_331 : i32 to index
          %get3A_332 = tpu.vector_load %arg10[%get3A] {strides = array<i32>} : memref<4112xi32, #tpu.memory_space<vmem>>, vector<16xi32>,
          %iota3A = tpu.iota {dimensions = array<i32: 0>} : vector<16xi32>
          %add3A_333 = vector.broadcast %mul3A_331 : i32 to vector<16xi32>
          %add3A_334 = arith.addi %iota3A, %add3A_333 : vector<16xi32>
          %lt3A = vector.broadcast %scan3A_93#1 : i32 to vector<16xi32>
          %lt3A_335 = arith.cmpi slt, %add3A_334, %lt3A : vector<16xi32>
          %and3A_336 = arith.constant 131071 : i32
          %and3A_337 = vector.broadcast %and3A_336 : i32 to vector<16xi32>
          %and3A_338 = arith.andi %get3A_332, %and3A_337 : vector<16xi32>
          %sub3A_339 = arith.constant 50048 : i32
          %sub3A_340 = vector.broadcast %sub3A_339 : i32 to vector<16xi32>
          %sub3A_341 = arith.subi %and3A_338, %sub3A_340 : vector<16xi32>
          %shift_right_logical3A = arith.constant 17 : i32
          %shift_right_logical3A_342 = vector.broadcast %shift_right_logical3A : i32 to vector<16xi32>
          %shift_right_logical3A_343 = arith.shrui %get3A_332, %shift_right_logical3A_342 : vector<16xi32>
          %gather3A = tpu.vector_load_idx %arg8[%sub3A_341] masked %lt3A_335 : memref<49952xf32, #tpu.memory_space<vmem>>[vector<16xi32>], vector<16xf32>, vector<16xi1>
          tpu.vector_store_idx %arg14[%shift_right_logical3A_343], %gather3A masked %lt3A_335 : memref<4096xf32, #tpu.memory_space<vmem>>[vector<16xi32>], vector<16xf32>, vector<16xi1>
        }
        %while3A_278 = arith.constant 1 : i32
        scf.for %while3A_329 = %while3A_276 to %while3A_272 step %while3A_278  : i32 {
          %mul3A_330 = arith.constant 16 : i32
          %mul3A_331 = arith.muli %while3A_329, %mul3A_330 : i32
          %get3A = arith.index_cast %mul3A_331 : i32 to index
          %get3A_332 = tpu.vector_load %arg10[%get3A] {strides = array<i32>} : memref<4112xi32, #tpu.memory_space<vmem>>, vector<16xi32>,
          %iota3A = tpu.iota {dimensions = array<i32: 0>} : vector<16xi32>
          %add3A_333 = vector.broadcast %mul3A_331 : i32 to vector<16xi32>
          %add3A_334 = arith.addi %iota3A, %add3A_333 : vector<16xi32>
          %lt3A = vector.broadcast %scan3A_93#1 : i32 to vector<16xi32>
          %lt3A_335 = arith.cmpi slt, %add3A_334, %lt3A : vector<16xi32>
          %and3A_336 = arith.constant 131071 : i32
          %and3A_337 = vector.broadcast %and3A_336 : i32 to vector<16xi32>
          %and3A_338 = arith.andi %get3A_332, %and3A_337 : vector<16xi32>
          %sub3A_339 = arith.constant 50048 : i32
          %sub3A_340 = vector.broadcast %sub3A_339 : i32 to vector<16xi32>
          %sub3A_341 = arith.subi %and3A_338, %sub3A_340 : vector<16xi32>
          %shift_right_logical3A = arith.constant 17 : i32
          %shift_right_logical3A_342 = vector.broadcast %shift_right_logical3A : i32 to vector<16xi32>
          %shift_right_logical3A_343 = arith.shrui %get3A_332, %shift_right_logical3A_342 : vector<16xi32>
          %gather3A = tpu.vector_load_idx %arg8[%sub3A_341] masked %lt3A_335 : memref<49952xf32, #tpu.memory_space<vmem>>[vector<16xi32>], vector<16xf32>, vector<16xi1>
          tpu.vector_store_idx %arg14[%shift_right_logical3A_343], %gather3A masked %lt3A_335 : memref<4096xf32, #tpu.memory_space<vmem>>[vector<16xi32>], vector<16xf32>, vector<16xi1>
        }
        %add3A_279 = arith.constant 16 : i32
        %add3A_280 = arith.addi %scan3A_101#1, %add3A_279 : i32
        %sub3A_281 = arith.constant 1 : i32
        %sub3A_282 = arith.subi %add3A_280, %sub3A_281 : i32
        %jit3A_283 = arith.constant 16 : i32
        %div3A_284 = arith.divsi %sub3A_282, %jit3A_283 : i32
        %sign3A_285 = arith.constant 0 : i32
        %sign3A_286 = arith.cmpi sgt, %sub3A_282, %sign3A_285 : i32
        %sign3A_287 = arith.extui %sign3A_286 : i1 to i32
        %sign3A_288 = arith.constant 0 : i32
        %sign3A_289 = arith.cmpi slt, %sub3A_282, %sign3A_288 : i32
        %sign3A_290 = arith.extui %sign3A_289 : i1 to i32
        %sign3A_291 = arith.subi %sign3A_287, %sign3A_290 : i32
        %sign3A_292 = arith.constant 0 : i32
        %sign3A_293 = arith.cmpi sgt, %jit3A_283, %sign3A_292 : i32
        %sign3A_294 = arith.extui %sign3A_293 : i1 to i32
        %sign3A_295 = arith.constant 0 : i32
        %sign3A_296 = arith.cmpi slt, %jit3A_283, %sign3A_295 : i32
        %sign3A_297 = arith.extui %sign3A_296 : i1 to i32
        %sign3A_298 = arith.subi %sign3A_294, %sign3A_297 : i32
        %ne3A_299 = arith.cmpi ne, %sign3A_291, %sign3A_298 : i32
        %rem3A_300 = arith.remsi %sub3A_282, %jit3A_283 : i32
        %ne3A_301 = arith.constant 0 : i32
        %ne3A_302 = arith.cmpi ne, %rem3A_300, %ne3A_301 : i32
        %and3A_303 = arith.andi %ne3A_299, %ne3A_302 : i1
        %sub3A_304 = arith.constant 1 : i32
        %sub3A_305 = arith.subi %div3A_284, %sub3A_304 : i32
        %select_n3A_306 = arith.select %and3A_303, %sub3A_305, %div3A_284 : i32
        %while3A_307 = arith.constant 0 : i32
        %while3A_308 = arith.constant 0 : i32
        %while3A_309 = arith.subi %select_n3A_306, %while3A_308 : i32
        %while3A_310 = arith.addi %while3A_308, %while3A_309 : i32
        %while3A_311 = arith.constant 1 : i32
        %while3A_312 = arith.divsi %while3A_309, %while3A_311 : i32
        %while3A_313 = arith.muli %while3A_312, %while3A_311 : i32
        %while3A_314 = arith.addi %while3A_308, %while3A_313 : i32
        %while3A_315 = arith.constant 1 : i32
        scf.for %while3A_329 = %while3A_308 to %while3A_314 step %while3A_315  : i32 {
          %mul3A_330 = arith.constant 16 : i32
          %mul3A_331 = arith.muli %while3A_329, %mul3A_330 : i32
          %get3A = arith.index_cast %mul3A_331 : i32 to index
          %get3A_332 = tpu.vector_load %arg12[%get3A] {strides = array<i32>} : memref<4112xi32, #tpu.memory_space<vmem>>, vector<16xi32>,
          %iota3A = tpu.iota {dimensions = array<i32: 0>} : vector<16xi32>
          %add3A_333 = vector.broadcast %mul3A_331 : i32 to vector<16xi32>
          %add3A_334 = arith.addi %iota3A, %add3A_333 : vector<16xi32>
          %lt3A = vector.broadcast %scan3A_101#1 : i32 to vector<16xi32>
          %lt3A_335 = arith.cmpi slt, %add3A_334, %lt3A : vector<16xi32>
          %and3A_336 = arith.constant 131071 : i32
          %and3A_337 = vector.broadcast %and3A_336 : i32 to vector<16xi32>
          %and3A_338 = arith.andi %get3A_332, %and3A_337 : vector<16xi32>
          %sub3A_339 = arith.constant 50048 : i32
          %sub3A_340 = vector.broadcast %sub3A_339 : i32 to vector<16xi32>
          %sub3A_341 = arith.subi %and3A_338, %sub3A_340 : vector<16xi32>
          %shift_right_logical3A = arith.constant 17 : i32
          %shift_right_logical3A_342 = vector.broadcast %shift_right_logical3A : i32 to vector<16xi32>
          %shift_right_logical3A_343 = arith.shrui %get3A_332, %shift_right_logical3A_342 : vector<16xi32>
          %gather3A = tpu.vector_load_idx %arg8[%sub3A_341] masked %lt3A_335 : memref<49952xf32, #tpu.memory_space<vmem>>[vector<16xi32>], vector<16xf32>, vector<16xi1>
          tpu.vector_store_idx %arg15[%shift_right_logical3A_343], %gather3A masked %lt3A_335 : memref<4096xf32, #tpu.memory_space<vmem>>[vector<16xi32>], vector<16xf32>, vector<16xi1>
        }
        %while3A_316 = arith.constant 1 : i32
        scf.for %while3A_329 = %while3A_314 to %while3A_310 step %while3A_316  : i32 {
          %mul3A_330 = arith.constant 16 : i32
          %mul3A_331 = arith.muli %while3A_329, %mul3A_330 : i32
          %get3A = arith.index_cast %mul3A_331 : i32 to index
          %get3A_332 = tpu.vector_load %arg12[%get3A] {strides = array<i32>} : memref<4112xi32, #tpu.memory_space<vmem>>, vector<16xi32>,
          %iota3A = tpu.iota {dimensions = array<i32: 0>} : vector<16xi32>
          %add3A_333 = vector.broadcast %mul3A_331 : i32 to vector<16xi32>
          %add3A_334 = arith.addi %iota3A, %add3A_333 : vector<16xi32>
          %lt3A = vector.broadcast %scan3A_101#1 : i32 to vector<16xi32>
          %lt3A_335 = arith.cmpi slt, %add3A_334, %lt3A : vector<16xi32>
          %and3A_336 = arith.constant 131071 : i32
          %and3A_337 = vector.broadcast %and3A_336 : i32 to vector<16xi32>
          %and3A_338 = arith.andi %get3A_332, %and3A_337 : vector<16xi32>
          %sub3A_339 = arith.constant 50048 : i32
          %sub3A_340 = vector.broadcast %sub3A_339 : i32 to vector<16xi32>
          %sub3A_341 = arith.subi %and3A_338, %sub3A_340 : vector<16xi32>
          %shift_right_logical3A = arith.constant 17 : i32
          %shift_right_logical3A_342 = vector.broadcast %shift_right_logical3A : i32 to vector<16xi32>
          %shift_right_logical3A_343 = arith.shrui %get3A_332, %shift_right_logical3A_342 : vector<16xi32>
          %gather3A = tpu.vector_load_idx %arg8[%sub3A_341] masked %lt3A_335 : memref<49952xf32, #tpu.memory_space<vmem>>[vector<16xi32>], vector<16xf32>, vector<16xi1>
          tpu.vector_store_idx %arg15[%shift_right_logical3A_343], %gather3A masked %lt3A_335 : memref<4096xf32, #tpu.memory_space<vmem>>[vector<16xi32>], vector<16xf32>, vector<16xi1>
        }
        %dma_start3A_317 = arith.constant 0 : i32
        %dma_start3A_318 = tpu.memref_slice %arg5[%while3A_120, %dma_start3A_317] : memref<1664x4096xf32, #tpu.memory_space<hbm>> -> memref<1x4096xf32, #tpu.memory_space<hbm>>
        %dma_start3A_319 = tpu.memref_squeeze %dma_start3A_318 : memref<1x4096xf32, #tpu.memory_space<hbm>> -> memref<4096xf32, #tpu.memory_space<hbm>>
        %dma_start3A_320 = arith.constant 0 : i32
        %dma_start3A_321 = tpu.memref_slice %arg5[%while3A_120, %dma_start3A_320] : memref<1664x4096xf32, #tpu.memory_space<hbm>> -> memref<1x4096xf32, #tpu.memory_space<hbm>>
        %dma_start3A_322 = tpu.memref_squeeze %dma_start3A_321 : memref<1x4096xf32, #tpu.memory_space<hbm>> -> memref<4096xf32, #tpu.memory_space<hbm>>
        tpu.enqueue_dma source(%arg14 : memref<4096xf32, #tpu.memory_space<vmem>>) target(%dma_start3A_322 : memref<4096xf32, #tpu.memory_space<hbm>>) target_semaphore(%arg18 : memref<!tpu.dma_semaphore, #tpu.memory_space<semaphore_mem>>)
        %dma_start3A_323 = arith.constant 0 : i32
        %dma_start3A_324 = tpu.memref_slice %arg6[%while3A_120, %dma_start3A_323] : memref<1664x4096xf32, #tpu.memory_space<hbm>> -> memref<1x4096xf32, #tpu.memory_space<hbm>>
        %dma_start3A_325 = tpu.memref_squeeze %dma_start3A_324 : memref<1x4096xf32, #tpu.memory_space<hbm>> -> memref<4096xf32, #tpu.memory_space<hbm>>
        %dma_start3A_326 = arith.constant 0 : i32
        %dma_start3A_327 = tpu.memref_slice %arg6[%while3A_120, %dma_start3A_326] : memref<1664x4096xf32, #tpu.memory_space<hbm>> -> memref<1x4096xf32, #tpu.memory_space<hbm>>
        %dma_start3A_328 = tpu.memref_squeeze %dma_start3A_327 : memref<1x4096xf32, #tpu.memory_space<hbm>> -> memref<4096xf32, #tpu.memory_space<hbm>>
        tpu.enqueue_dma source(%arg15 : memref<4096xf32, #tpu.memory_space<vmem>>) target(%dma_start3A_328 : memref<4096xf32, #tpu.memory_space<hbm>>) target_semaphore(%arg18 : memref<!tpu.dma_semaphore, #tpu.memory_space<semaphore_mem>>)
      }
    }
    %while3A_65 = arith.constant 1 : i32
    scf.for %while3A_87 = %while3A_63 to %while3A_59 step %while3A_65  : i32 {
      "tpu.region"() ({
        %run_scoped3A = tpu.sem_alloc : memref<!tpu.dma_semaphore, #tpu.memory_space<semaphore_mem>>
        %dma_start3A_120 = arith.constant 0 : i32
        %dma_start3A_121 = tpu.memref_slice %arg3[%while3A_87, %dma_start3A_120] : memref<26x4096xi32, #tpu.memory_space<hbm>> -> memref<1x4096xi32, #tpu.memory_space<hbm>>
        %dma_start3A_122 = tpu.memref_squeeze %dma_start3A_121 : memref<1x4096xi32, #tpu.memory_space<hbm>> -> memref<4096xi32, #tpu.memory_space<hbm>>
        %dma_start3A_123 = arith.constant 0 : i32
        %dma_start3A_124 = tpu.memref_slice %arg3[%while3A_87, %dma_start3A_123] : memref<26x4096xi32, #tpu.memory_space<hbm>> -> memref<1x4096xi32, #tpu.memory_space<hbm>>
        %dma_start3A_125 = tpu.memref_squeeze %dma_start3A_124 : memref<1x4096xi32, #tpu.memory_space<hbm>> -> memref<4096xi32, #tpu.memory_space<hbm>>
        tpu.enqueue_dma source(%dma_start3A_125 : memref<4096xi32, #tpu.memory_space<hbm>>) target(%arg13 : memref<4096xi32, #tpu.memory_space<vmem>>) target_semaphore(%run_scoped3A : memref<!tpu.dma_semaphore, #tpu.memory_space<semaphore_mem>>)
        %dma_wait3A_126 = arith.constant 0 : i32
        %dma_wait3A_127 = tpu.memref_slice %arg3[%while3A_87, %dma_wait3A_126] : memref<26x4096xi32, #tpu.memory_space<hbm>> -> memref<1x4096xi32, #tpu.memory_space<hbm>>
        %dma_wait3A_128 = tpu.memref_squeeze %dma_wait3A_127 : memref<1x4096xi32, #tpu.memory_space<hbm>> -> memref<4096xi32, #tpu.memory_space<hbm>>
        %dma_wait3A_129 = arith.constant 0 : i32
        %dma_wait3A_130 = tpu.memref_slice %arg3[%while3A_87, %dma_wait3A_129] : memref<26x4096xi32, #tpu.memory_space<hbm>> -> memref<1x4096xi32, #tpu.memory_space<hbm>>
        %dma_wait3A_131 = tpu.memref_squeeze %dma_wait3A_130 : memref<1x4096xi32, #tpu.memory_space<hbm>> -> memref<4096xi32, #tpu.memory_space<hbm>>
        tpu.wait_dma2 semaphore(%run_scoped3A : memref<!tpu.dma_semaphore, #tpu.memory_space<semaphore_mem>>) src(%dma_wait3A_131 : memref<4096xi32, #tpu.memory_space<hbm>>) dst(%arg13 : memref<4096xi32, #tpu.memory_space<vmem>>)
        tpu.yield
      }) : () -> ()
      %scan3A = arith.constant 0 : i32
      %scan3A_88 = arith.constant 0 : i32
      %scan3A_89 = arith.constant 0 : i32
      %scan3A_90 = arith.constant 256 : i32
      %scan3A_91 = arith.addi %scan3A_89, %scan3A_90 : i32
      %scan3A_92 = arith.constant 4 : i32
      %scan3A_93:2 = scf.for %scan3A_120 = %scan3A_89 to %scan3A_91 step %scan3A_92 iter_args(%scan3A_121 = %scan3A, %scan3A_122 = %scan3A_88) -> (i32, i32)  : i32 {
        %mul3A_123 = arith.constant 16 : i32
        %mul3A_124 = arith.muli %scan3A_120, %mul3A_123 : i32
        %get3A = arith.index_cast %mul3A_124 : i32 to index
        %get3A_125 = tpu.vector_load %arg13[%get3A] {strides = array<i32>} : memref<4096xi32, #tpu.memory_space<vmem>>, vector<16xi32>,
        %iota3A = tpu.iota {dimensions = array<i32: 0>} : vector<16xi32>
        %mul3A_126 = arith.constant 16 : i32
        %mul3A_127 = arith.muli %scan3A_120, %mul3A_126 : i32
        %add3A_128 = vector.broadcast %mul3A_127 : i32 to vector<16xi32>
        %add3A_129 = arith.addi %iota3A, %add3A_128 : vector<16xi32>
        %shift_left3A = arith.constant 17 : i32
        %shift_left3A_130 = vector.broadcast %shift_left3A : i32 to vector<16xi32>
        %shift_left3A_131 = arith.shli %add3A_129, %shift_left3A_130 : vector<16xi32>
        %or3A = arith.ori %shift_left3A_131, %get3A_125 : vector<16xi32>
        %lt3A = arith.constant 50048 : i32
        %lt3A_132 = vector.broadcast %lt3A : i32 to vector<16xi32>
        %lt3A_133 = arith.cmpi slt, %get3A_125, %lt3A_132 : vector<16xi32>
        %swap3A = arith.index_cast %scan3A_121 : i32 to index
        %swap3A_134 = tpu.vector_load %arg9[%swap3A] masked %lt3A_133 {strides = array<i32>} : memref<4112xi32, #tpu.memory_space<vmem>>, vector<16xi32>, vector<16xi1>
        tpu.vector_store %arg9[%swap3A], %or3A masked %lt3A_133 {strides = array<i32>} : memref<4112xi32, #tpu.memory_space<vmem>>, vector<16xi32>, vector<16xi1>
        %not3A = arith.constant dense<true> : vector<16xi1>
        %not3A_135 = arith.xori %lt3A_133, %not3A : vector<16xi1>
        %swap3A_136 = arith.index_cast %scan3A_122 : i32 to index
        %swap3A_137 = tpu.vector_load %arg10[%swap3A_136] masked %not3A_135 {strides = array<i32>} : memref<4112xi32, #tpu.memory_space<vmem>>, vector<16xi32>, vector<16xi1>
        tpu.vector_store %arg10[%swap3A_136], %or3A masked %not3A_135 {strides = array<i32>} : memref<4112xi32, #tpu.memory_space<vmem>>, vector<16xi32>, vector<16xi1>
        %all_reduce_population_count3A = tpu.all_reduce %lt3A_133 {dim = 0 : i64, kind = #tpu.reduction_kind<sum>} : vector<16xi1> -> vector<16xi32>
        %reduce_max3A = arith.constant true
        %reduce_max3A_138 = vector.broadcast %reduce_max3A : i1 to vector<16xi1>
        %reduce_max3A_139 = arith.constant -2147483648 : i32
        %reduce_max3A_140 = vector.broadcast %reduce_max3A_139 : i32 to vector<16xi32>
        %reduce_max3A_141 = arith.xori %all_reduce_population_count3A, %reduce_max3A_140 : vector<16xi32>
        %reduce_max3A_142 = tpu.scan <max>, %reduce_max3A_141 masked %reduce_max3A_138 : vector<16xi32>, vector<16xi1> -> vector<16xi32>
        %reduce_max3A_143 = arith.xori %reduce_max3A_142, %reduce_max3A_140 : vector<16xi32>
        %reduce_max3A_144 = vector.extract %reduce_max3A_143[15] : i32 from vector<16xi32>
        %add3A_145 = arith.addi %scan3A_121, %reduce_max3A_144 : i32
        %sub3A_146 = arith.constant 16 : i32
        %sub3A_147 = arith.subi %sub3A_146, %reduce_max3A_144 : i32
        %add3A_148 = arith.addi %scan3A_122, %sub3A_147 : i32
        %scan3A_149 = arith.constant 1 : i32
        %scan3A_150 = arith.addi %scan3A_120, %scan3A_149 : i32
        %mul3A_151 = arith.constant 16 : i32
        %mul3A_152 = arith.muli %scan3A_150, %mul3A_151 : i32
        %get3A_153 = arith.index_cast %mul3A_152 : i32 to index
        %get3A_154 = tpu.vector_load %arg13[%get3A_153] {strides = array<i32>} : memref<4096xi32, #tpu.memory_space<vmem>>, vector<16xi32>,
        %iota3A_155 = tpu.iota {dimensions = array<i32: 0>} : vector<16xi32>
        %mul3A_156 = arith.constant 16 : i32
        %mul3A_157 = arith.muli %scan3A_150, %mul3A_156 : i32
        %add3A_158 = vector.broadcast %mul3A_157 : i32 to vector<16xi32>
        %add3A_159 = arith.addi %iota3A_155, %add3A_158 : vector<16xi32>
        %shift_left3A_160 = arith.constant 17 : i32
        %shift_left3A_161 = vector.broadcast %shift_left3A_160 : i32 to vector<16xi32>
        %shift_left3A_162 = arith.shli %add3A_159, %shift_left3A_161 : vector<16xi32>
        %or3A_163 = arith.ori %shift_left3A_162, %get3A_154 : vector<16xi32>
        %lt3A_164 = arith.constant 50048 : i32
        %lt3A_165 = vector.broadcast %lt3A_164 : i32 to vector<16xi32>
        %lt3A_166 = arith.cmpi slt, %get3A_154, %lt3A_165 : vector<16xi32>
        %swap3A_167 = arith.index_cast %add3A_145 : i32 to index
        %swap3A_168 = tpu.vector_load %arg9[%swap3A_167] masked %lt3A_166 {strides = array<i32>} : memref<4112xi32, #tpu.memory_space<vmem>>, vector<16xi32>, vector<16xi1>
        tpu.vector_store %arg9[%swap3A_167], %or3A_163 masked %lt3A_166 {strides = array<i32>} : memref<4112xi32, #tpu.memory_space<vmem>>, vector<16xi32>, vector<16xi1>
        %not3A_169 = arith.constant dense<true> : vector<16xi1>
        %not3A_170 = arith.xori %lt3A_166, %not3A_169 : vector<16xi1>
        %swap3A_171 = arith.index_cast %add3A_148 : i32 to index
        %swap3A_172 = tpu.vector_load %arg10[%swap3A_171] masked %not3A_170 {strides = array<i32>} : memref<4112xi32, #tpu.memory_space<vmem>>, vector<16xi32>, vector<16xi1>
        tpu.vector_store %arg10[%swap3A_171], %or3A_163 masked %not3A_170 {strides = array<i32>} : memref<4112xi32, #tpu.memory_space<vmem>>, vector<16xi32>, vector<16xi1>
        %all_reduce_population_count3A_173 = tpu.all_reduce %lt3A_166 {dim = 0 : i64, kind = #tpu.reduction_kind<sum>} : vector<16xi1> -> vector<16xi32>
        %reduce_max3A_174 = arith.constant true
        %reduce_max3A_175 = vector.broadcast %reduce_max3A_174 : i1 to vector<16xi1>
        %reduce_max3A_176 = arith.constant -2147483648 : i32
        %reduce_max3A_177 = vector.broadcast %reduce_max3A_176 : i32 to vector<16xi32>
        %reduce_max3A_178 = arith.xori %all_reduce_population_count3A_173, %reduce_max3A_177 : vector<16xi32>
        %reduce_max3A_179 = tpu.scan <max>, %reduce_max3A_178 masked %reduce_max3A_175 : vector<16xi32>, vector<16xi1> -> vector<16xi32>
        %reduce_max3A_180 = arith.xori %reduce_max3A_179, %reduce_max3A_177 : vector<16xi32>
        %reduce_max3A_181 = vector.extract %reduce_max3A_180[15] : i32 from vector<16xi32>
        %add3A_182 = arith.addi %add3A_145, %reduce_max3A_181 : i32
        %sub3A_183 = arith.constant 16 : i32
        %sub3A_184 = arith.subi %sub3A_183, %reduce_max3A_181 : i32
        %add3A_185 = arith.addi %add3A_148, %sub3A_184 : i32
        %scan3A_186 = arith.constant 2 : i32
        %scan3A_187 = arith.addi %scan3A_120, %scan3A_186 : i32
        %mul3A_188 = arith.constant 16 : i32
        %mul3A_189 = arith.muli %scan3A_187, %mul3A_188 : i32
        %get3A_190 = arith.index_cast %mul3A_189 : i32 to index
        %get3A_191 = tpu.vector_load %arg13[%get3A_190] {strides = array<i32>} : memref<4096xi32, #tpu.memory_space<vmem>>, vector<16xi32>,
        %iota3A_192 = tpu.iota {dimensions = array<i32: 0>} : vector<16xi32>
        %mul3A_193 = arith.constant 16 : i32
        %mul3A_194 = arith.muli %scan3A_187, %mul3A_193 : i32
        %add3A_195 = vector.broadcast %mul3A_194 : i32 to vector<16xi32>
        %add3A_196 = arith.addi %iota3A_192, %add3A_195 : vector<16xi32>
        %shift_left3A_197 = arith.constant 17 : i32
        %shift_left3A_198 = vector.broadcast %shift_left3A_197 : i32 to vector<16xi32>
        %shift_left3A_199 = arith.shli %add3A_196, %shift_left3A_198 : vector<16xi32>
        %or3A_200 = arith.ori %shift_left3A_199, %get3A_191 : vector<16xi32>
        %lt3A_201 = arith.constant 50048 : i32
        %lt3A_202 = vector.broadcast %lt3A_201 : i32 to vector<16xi32>
        %lt3A_203 = arith.cmpi slt, %get3A_191, %lt3A_202 : vector<16xi32>
        %swap3A_204 = arith.index_cast %add3A_182 : i32 to index
        %swap3A_205 = tpu.vector_load %arg9[%swap3A_204] masked %lt3A_203 {strides = array<i32>} : memref<4112xi32, #tpu.memory_space<vmem>>, vector<16xi32>, vector<16xi1>
        tpu.vector_store %arg9[%swap3A_204], %or3A_200 masked %lt3A_203 {strides = array<i32>} : memref<4112xi32, #tpu.memory_space<vmem>>, vector<16xi32>, vector<16xi1>
        %not3A_206 = arith.constant dense<true> : vector<16xi1>
        %not3A_207 = arith.xori %lt3A_203, %not3A_206 : vector<16xi1>
        %swap3A_208 = arith.index_cast %add3A_185 : i32 to index
        %swap3A_209 = tpu.vector_load %arg10[%swap3A_208] masked %not3A_207 {strides = array<i32>} : memref<4112xi32, #tpu.memory_space<vmem>>, vector<16xi32>, vector<16xi1>
        tpu.vector_store %arg10[%swap3A_208], %or3A_200 masked %not3A_207 {strides = array<i32>} : memref<4112xi32, #tpu.memory_space<vmem>>, vector<16xi32>, vector<16xi1>
        %all_reduce_population_count3A_210 = tpu.all_reduce %lt3A_203 {dim = 0 : i64, kind = #tpu.reduction_kind<sum>} : vector<16xi1> -> vector<16xi32>
        %reduce_max3A_211 = arith.constant true
        %reduce_max3A_212 = vector.broadcast %reduce_max3A_211 : i1 to vector<16xi1>
        %reduce_max3A_213 = arith.constant -2147483648 : i32
        %reduce_max3A_214 = vector.broadcast %reduce_max3A_213 : i32 to vector<16xi32>
        %reduce_max3A_215 = arith.xori %all_reduce_population_count3A_210, %reduce_max3A_214 : vector<16xi32>
        %reduce_max3A_216 = tpu.scan <max>, %reduce_max3A_215 masked %reduce_max3A_212 : vector<16xi32>, vector<16xi1> -> vector<16xi32>
        %reduce_max3A_217 = arith.xori %reduce_max3A_216, %reduce_max3A_214 : vector<16xi32>
        %reduce_max3A_218 = vector.extract %reduce_max3A_217[15] : i32 from vector<16xi32>
        %add3A_219 = arith.addi %add3A_182, %reduce_max3A_218 : i32
        %sub3A_220 = arith.constant 16 : i32
        %sub3A_221 = arith.subi %sub3A_220, %reduce_max3A_218 : i32
        %add3A_222 = arith.addi %add3A_185, %sub3A_221 : i32
        %scan3A_223 = arith.constant 3 : i32
        %scan3A_224 = arith.addi %scan3A_120, %scan3A_223 : i32
        %mul3A_225 = arith.constant 16 : i32
        %mul3A_226 = arith.muli %scan3A_224, %mul3A_225 : i32
        %get3A_227 = arith.index_cast %mul3A_226 : i32 to index
        %get3A_228 = tpu.vector_load %arg13[%get3A_227] {strides = array<i32>} : memref<4096xi32, #tpu.memory_space<vmem>>, vector<16xi32>,
        %iota3A_229 = tpu.iota {dimensions = array<i32: 0>} : vector<16xi32>
        %mul3A_230 = arith.constant 16 : i32
        %mul3A_231 = arith.muli %scan3A_224, %mul3A_230 : i32
        %add3A_232 = vector.broadcast %mul3A_231 : i32 to vector<16xi32>
        %add3A_233 = arith.addi %iota3A_229, %add3A_232 : vector<16xi32>
        %shift_left3A_234 = arith.constant 17 : i32
        %shift_left3A_235 = vector.broadcast %shift_left3A_234 : i32 to vector<16xi32>
        %shift_left3A_236 = arith.shli %add3A_233, %shift_left3A_235 : vector<16xi32>
        %or3A_237 = arith.ori %shift_left3A_236, %get3A_228 : vector<16xi32>
        %lt3A_238 = arith.constant 50048 : i32
        %lt3A_239 = vector.broadcast %lt3A_238 : i32 to vector<16xi32>
        %lt3A_240 = arith.cmpi slt, %get3A_228, %lt3A_239 : vector<16xi32>
        %swap3A_241 = arith.index_cast %add3A_219 : i32 to index
        %swap3A_242 = tpu.vector_load %arg9[%swap3A_241] masked %lt3A_240 {strides = array<i32>} : memref<4112xi32, #tpu.memory_space<vmem>>, vector<16xi32>, vector<16xi1>
        tpu.vector_store %arg9[%swap3A_241], %or3A_237 masked %lt3A_240 {strides = array<i32>} : memref<4112xi32, #tpu.memory_space<vmem>>, vector<16xi32>, vector<16xi1>
        %not3A_243 = arith.constant dense<true> : vector<16xi1>
        %not3A_244 = arith.xori %lt3A_240, %not3A_243 : vector<16xi1>
        %swap3A_245 = arith.index_cast %add3A_222 : i32 to index
        %swap3A_246 = tpu.vector_load %arg10[%swap3A_245] masked %not3A_244 {strides = array<i32>} : memref<4112xi32, #tpu.memory_space<vmem>>, vector<16xi32>, vector<16xi1>
        tpu.vector_store %arg10[%swap3A_245], %or3A_237 masked %not3A_244 {strides = array<i32>} : memref<4112xi32, #tpu.memory_space<vmem>>, vector<16xi32>, vector<16xi1>
        %all_reduce_population_count3A_247 = tpu.all_reduce %lt3A_240 {dim = 0 : i64, kind = #tpu.reduction_kind<sum>} : vector<16xi1> -> vector<16xi32>
        %reduce_max3A_248 = arith.constant true
        %reduce_max3A_249 = vector.broadcast %reduce_max3A_248 : i1 to vector<16xi1>
        %reduce_max3A_250 = arith.constant -2147483648 : i32
        %reduce_max3A_251 = vector.broadcast %reduce_max3A_250 : i32 to vector<16xi32>
        %reduce_max3A_252 = arith.xori %all_reduce_population_count3A_247, %reduce_max3A_251 : vector<16xi32>
        %reduce_max3A_253 = tpu.scan <max>, %reduce_max3A_252 masked %reduce_max3A_249 : vector<16xi32>, vector<16xi1> -> vector<16xi32>
        %reduce_max3A_254 = arith.xori %reduce_max3A_253, %reduce_max3A_251 : vector<16xi32>
        %reduce_max3A_255 = vector.extract %reduce_max3A_254[15] : i32 from vector<16xi32>
        %add3A_256 = arith.addi %add3A_219, %reduce_max3A_255 : i32
        %sub3A_257 = arith.constant 16 : i32
        %sub3A_258 = arith.subi %sub3A_257, %reduce_max3A_255 : i32
        %add3A_259 = arith.addi %add3A_222, %sub3A_258 : i32
        scf.yield %add3A_256, %add3A_259 : i32, i32
      }
      %scan3A_94 = arith.constant 256 : i32
      "tpu.region"() ({
        %run_scoped3A = tpu.sem_alloc : memref<!tpu.dma_semaphore, #tpu.memory_space<semaphore_mem>>
        %dma_start3A_120 = arith.constant 0 : i32
        %dma_start3A_121 = tpu.memref_slice %arg4[%while3A_87, %dma_start3A_120] : memref<26x4096xi32, #tpu.memory_space<hbm>> -> memref<1x4096xi32, #tpu.memory_space<hbm>>
        %dma_start3A_122 = tpu.memref_squeeze %dma_start3A_121 : memref<1x4096xi32, #tpu.memory_space<hbm>> -> memref<4096xi32, #tpu.memory_space<hbm>>
        %dma_start3A_123 = arith.constant 0 : i32
        %dma_start3A_124 = tpu.memref_slice %arg4[%while3A_87, %dma_start3A_123] : memref<26x4096xi32, #tpu.memory_space<hbm>> -> memref<1x4096xi32, #tpu.memory_space<hbm>>
        %dma_start3A_125 = tpu.memref_squeeze %dma_start3A_124 : memref<1x4096xi32, #tpu.memory_space<hbm>> -> memref<4096xi32, #tpu.memory_space<hbm>>
        tpu.enqueue_dma source(%dma_start3A_125 : memref<4096xi32, #tpu.memory_space<hbm>>) target(%arg13 : memref<4096xi32, #tpu.memory_space<vmem>>) target_semaphore(%run_scoped3A : memref<!tpu.dma_semaphore, #tpu.memory_space<semaphore_mem>>)
        %dma_wait3A_126 = arith.constant 0 : i32
        %dma_wait3A_127 = tpu.memref_slice %arg4[%while3A_87, %dma_wait3A_126] : memref<26x4096xi32, #tpu.memory_space<hbm>> -> memref<1x4096xi32, #tpu.memory_space<hbm>>
        %dma_wait3A_128 = tpu.memref_squeeze %dma_wait3A_127 : memref<1x4096xi32, #tpu.memory_space<hbm>> -> memref<4096xi32, #tpu.memory_space<hbm>>
        %dma_wait3A_129 = arith.constant 0 : i32
        %dma_wait3A_130 = tpu.memref_slice %arg4[%while3A_87, %dma_wait3A_129] : memref<26x4096xi32, #tpu.memory_space<hbm>> -> memref<1x4096xi32, #tpu.memory_space<hbm>>
        %dma_wait3A_131 = tpu.memref_squeeze %dma_wait3A_130 : memref<1x4096xi32, #tpu.memory_space<hbm>> -> memref<4096xi32, #tpu.memory_space<hbm>>
        tpu.wait_dma2 semaphore(%run_scoped3A : memref<!tpu.dma_semaphore, #tpu.memory_space<semaphore_mem>>) src(%dma_wait3A_131 : memref<4096xi32, #tpu.memory_space<hbm>>) dst(%arg13 : memref<4096xi32, #tpu.memory_space<vmem>>)
        tpu.yield
      }) : () -> ()
      %scan3A_95 = arith.constant 0 : i32
      %scan3A_96 = arith.constant 0 : i32
      %scan3A_97 = arith.constant 0 : i32
      %scan3A_98 = arith.constant 256 : i32
      %scan3A_99 = arith.addi %scan3A_97, %scan3A_98 : i32
      %scan3A_100 = arith.constant 4 : i32
      %scan3A_101:2 = scf.for %scan3A_120 = %scan3A_97 to %scan3A_99 step %scan3A_100 iter_args(%scan3A_121 = %scan3A_95, %scan3A_122 = %scan3A_96) -> (i32, i32)  : i32 {
        %mul3A_123 = arith.constant 16 : i32
        %mul3A_124 = arith.muli %scan3A_120, %mul3A_123 : i32
        %get3A = arith.index_cast %mul3A_124 : i32 to index
        %get3A_125 = tpu.vector_load %arg13[%get3A] {strides = array<i32>} : memref<4096xi32, #tpu.memory_space<vmem>>, vector<16xi32>,
        %iota3A = tpu.iota {dimensions = array<i32: 0>} : vector<16xi32>
        %mul3A_126 = arith.constant 16 : i32
        %mul3A_127 = arith.muli %scan3A_120, %mul3A_126 : i32
        %add3A_128 = vector.broadcast %mul3A_127 : i32 to vector<16xi32>
        %add3A_129 = arith.addi %iota3A, %add3A_128 : vector<16xi32>
        %shift_left3A = arith.constant 17 : i32
        %shift_left3A_130 = vector.broadcast %shift_left3A : i32 to vector<16xi32>
        %shift_left3A_131 = arith.shli %add3A_129, %shift_left3A_130 : vector<16xi32>
        %or3A = arith.ori %shift_left3A_131, %get3A_125 : vector<16xi32>
        %lt3A = arith.constant 50048 : i32
        %lt3A_132 = vector.broadcast %lt3A : i32 to vector<16xi32>
        %lt3A_133 = arith.cmpi slt, %get3A_125, %lt3A_132 : vector<16xi32>
        %swap3A = arith.index_cast %scan3A_121 : i32 to index
        %swap3A_134 = tpu.vector_load %arg11[%swap3A] masked %lt3A_133 {strides = array<i32>} : memref<4112xi32, #tpu.memory_space<vmem>>, vector<16xi32>, vector<16xi1>
        tpu.vector_store %arg11[%swap3A], %or3A masked %lt3A_133 {strides = array<i32>} : memref<4112xi32, #tpu.memory_space<vmem>>, vector<16xi32>, vector<16xi1>
        %not3A = arith.constant dense<true> : vector<16xi1>
        %not3A_135 = arith.xori %lt3A_133, %not3A : vector<16xi1>
        %swap3A_136 = arith.index_cast %scan3A_122 : i32 to index
        %swap3A_137 = tpu.vector_load %arg12[%swap3A_136] masked %not3A_135 {strides = array<i32>} : memref<4112xi32, #tpu.memory_space<vmem>>, vector<16xi32>, vector<16xi1>
        tpu.vector_store %arg12[%swap3A_136], %or3A masked %not3A_135 {strides = array<i32>} : memref<4112xi32, #tpu.memory_space<vmem>>, vector<16xi32>, vector<16xi1>
        %all_reduce_population_count3A = tpu.all_reduce %lt3A_133 {dim = 0 : i64, kind = #tpu.reduction_kind<sum>} : vector<16xi1> -> vector<16xi32>
        %reduce_max3A = arith.constant true
        %reduce_max3A_138 = vector.broadcast %reduce_max3A : i1 to vector<16xi1>
        %reduce_max3A_139 = arith.constant -2147483648 : i32
        %reduce_max3A_140 = vector.broadcast %reduce_max3A_139 : i32 to vector<16xi32>
        %reduce_max3A_141 = arith.xori %all_reduce_population_count3A, %reduce_max3A_140 : vector<16xi32>
        %reduce_max3A_142 = tpu.scan <max>, %reduce_max3A_141 masked %reduce_max3A_138 : vector<16xi32>, vector<16xi1> -> vector<16xi32>
        %reduce_max3A_143 = arith.xori %reduce_max3A_142, %reduce_max3A_140 : vector<16xi32>
        %reduce_max3A_144 = vector.extract %reduce_max3A_143[15] : i32 from vector<16xi32>
        %add3A_145 = arith.addi %scan3A_121, %reduce_max3A_144 : i32
        %sub3A_146 = arith.constant 16 : i32
        %sub3A_147 = arith.subi %sub3A_146, %reduce_max3A_144 : i32
        %add3A_148 = arith.addi %scan3A_122, %sub3A_147 : i32
        %scan3A_149 = arith.constant 1 : i32
        %scan3A_150 = arith.addi %scan3A_120, %scan3A_149 : i32
        %mul3A_151 = arith.constant 16 : i32
        %mul3A_152 = arith.muli %scan3A_150, %mul3A_151 : i32
        %get3A_153 = arith.index_cast %mul3A_152 : i32 to index
        %get3A_154 = tpu.vector_load %arg13[%get3A_153] {strides = array<i32>} : memref<4096xi32, #tpu.memory_space<vmem>>, vector<16xi32>,
        %iota3A_155 = tpu.iota {dimensions = array<i32: 0>} : vector<16xi32>
        %mul3A_156 = arith.constant 16 : i32
        %mul3A_157 = arith.muli %scan3A_150, %mul3A_156 : i32
        %add3A_158 = vector.broadcast %mul3A_157 : i32 to vector<16xi32>
        %add3A_159 = arith.addi %iota3A_155, %add3A_158 : vector<16xi32>
        %shift_left3A_160 = arith.constant 17 : i32
        %shift_left3A_161 = vector.broadcast %shift_left3A_160 : i32 to vector<16xi32>
        %shift_left3A_162 = arith.shli %add3A_159, %shift_left3A_161 : vector<16xi32>
        %or3A_163 = arith.ori %shift_left3A_162, %get3A_154 : vector<16xi32>
        %lt3A_164 = arith.constant 50048 : i32
        %lt3A_165 = vector.broadcast %lt3A_164 : i32 to vector<16xi32>
        %lt3A_166 = arith.cmpi slt, %get3A_154, %lt3A_165 : vector<16xi32>
        %swap3A_167 = arith.index_cast %add3A_145 : i32 to index
        %swap3A_168 = tpu.vector_load %arg11[%swap3A_167] masked %lt3A_166 {strides = array<i32>} : memref<4112xi32, #tpu.memory_space<vmem>>, vector<16xi32>, vector<16xi1>
        tpu.vector_store %arg11[%swap3A_167], %or3A_163 masked %lt3A_166 {strides = array<i32>} : memref<4112xi32, #tpu.memory_space<vmem>>, vector<16xi32>, vector<16xi1>
        %not3A_169 = arith.constant dense<true> : vector<16xi1>
        %not3A_170 = arith.xori %lt3A_166, %not3A_169 : vector<16xi1>
        %swap3A_171 = arith.index_cast %add3A_148 : i32 to index
        %swap3A_172 = tpu.vector_load %arg12[%swap3A_171] masked %not3A_170 {strides = array<i32>} : memref<4112xi32, #tpu.memory_space<vmem>>, vector<16xi32>, vector<16xi1>
        tpu.vector_store %arg12[%swap3A_171], %or3A_163 masked %not3A_170 {strides = array<i32>} : memref<4112xi32, #tpu.memory_space<vmem>>, vector<16xi32>, vector<16xi1>
        %all_reduce_population_count3A_173 = tpu.all_reduce %lt3A_166 {dim = 0 : i64, kind = #tpu.reduction_kind<sum>} : vector<16xi1> -> vector<16xi32>
        %reduce_max3A_174 = arith.constant true
        %reduce_max3A_175 = vector.broadcast %reduce_max3A_174 : i1 to vector<16xi1>
        %reduce_max3A_176 = arith.constant -2147483648 : i32
        %reduce_max3A_177 = vector.broadcast %reduce_max3A_176 : i32 to vector<16xi32>
        %reduce_max3A_178 = arith.xori %all_reduce_population_count3A_173, %reduce_max3A_177 : vector<16xi32>
        %reduce_max3A_179 = tpu.scan <max>, %reduce_max3A_178 masked %reduce_max3A_175 : vector<16xi32>, vector<16xi1> -> vector<16xi32>
        %reduce_max3A_180 = arith.xori %reduce_max3A_179, %reduce_max3A_177 : vector<16xi32>
        %reduce_max3A_181 = vector.extract %reduce_max3A_180[15] : i32 from vector<16xi32>
        %add3A_182 = arith.addi %add3A_145, %reduce_max3A_181 : i32
        %sub3A_183 = arith.constant 16 : i32
        %sub3A_184 = arith.subi %sub3A_183, %reduce_max3A_181 : i32
        %add3A_185 = arith.addi %add3A_148, %sub3A_184 : i32
        %scan3A_186 = arith.constant 2 : i32
        %scan3A_187 = arith.addi %scan3A_120, %scan3A_186 : i32
        %mul3A_188 = arith.constant 16 : i32
        %mul3A_189 = arith.muli %scan3A_187, %mul3A_188 : i32
        %get3A_190 = arith.index_cast %mul3A_189 : i32 to index
        %get3A_191 = tpu.vector_load %arg13[%get3A_190] {strides = array<i32>} : memref<4096xi32, #tpu.memory_space<vmem>>, vector<16xi32>,
        %iota3A_192 = tpu.iota {dimensions = array<i32: 0>} : vector<16xi32>
        %mul3A_193 = arith.constant 16 : i32
        %mul3A_194 = arith.muli %scan3A_187, %mul3A_193 : i32
        %add3A_195 = vector.broadcast %mul3A_194 : i32 to vector<16xi32>
        %add3A_196 = arith.addi %iota3A_192, %add3A_195 : vector<16xi32>
        %shift_left3A_197 = arith.constant 17 : i32
        %shift_left3A_198 = vector.broadcast %shift_left3A_197 : i32 to vector<16xi32>
        %shift_left3A_199 = arith.shli %add3A_196, %shift_left3A_198 : vector<16xi32>
        %or3A_200 = arith.ori %shift_left3A_199, %get3A_191 : vector<16xi32>
        %lt3A_201 = arith.constant 50048 : i32
        %lt3A_202 = vector.broadcast %lt3A_201 : i32 to vector<16xi32>
        %lt3A_203 = arith.cmpi slt, %get3A_191, %lt3A_202 : vector<16xi32>
        %swap3A_204 = arith.index_cast %add3A_182 : i32 to index
        %swap3A_205 = tpu.vector_load %arg11[%swap3A_204] masked %lt3A_203 {strides = array<i32>} : memref<4112xi32, #tpu.memory_space<vmem>>, vector<16xi32>, vector<16xi1>
        tpu.vector_store %arg11[%swap3A_204], %or3A_200 masked %lt3A_203 {strides = array<i32>} : memref<4112xi32, #tpu.memory_space<vmem>>, vector<16xi32>, vector<16xi1>
        %not3A_206 = arith.constant dense<true> : vector<16xi1>
        %not3A_207 = arith.xori %lt3A_203, %not3A_206 : vector<16xi1>
        %swap3A_208 = arith.index_cast %add3A_185 : i32 to index
        %swap3A_209 = tpu.vector_load %arg12[%swap3A_208] masked %not3A_207 {strides = array<i32>} : memref<4112xi32, #tpu.memory_space<vmem>>, vector<16xi32>, vector<16xi1>
        tpu.vector_store %arg12[%swap3A_208], %or3A_200 masked %not3A_207 {strides = array<i32>} : memref<4112xi32, #tpu.memory_space<vmem>>, vector<16xi32>, vector<16xi1>
        %all_reduce_population_count3A_210 = tpu.all_reduce %lt3A_203 {dim = 0 : i64, kind = #tpu.reduction_kind<sum>} : vector<16xi1> -> vector<16xi32>
        %reduce_max3A_211 = arith.constant true
        %reduce_max3A_212 = vector.broadcast %reduce_max3A_211 : i1 to vector<16xi1>
        %reduce_max3A_213 = arith.constant -2147483648 : i32
        %reduce_max3A_214 = vector.broadcast %reduce_max3A_213 : i32 to vector<16xi32>
        %reduce_max3A_215 = arith.xori %all_reduce_population_count3A_210, %reduce_max3A_214 : vector<16xi32>
        %reduce_max3A_216 = tpu.scan <max>, %reduce_max3A_215 masked %reduce_max3A_212 : vector<16xi32>, vector<16xi1> -> vector<16xi32>
        %reduce_max3A_217 = arith.xori %reduce_max3A_216, %reduce_max3A_214 : vector<16xi32>
        %reduce_max3A_218 = vector.extract %reduce_max3A_217[15] : i32 from vector<16xi32>
        %add3A_219 = arith.addi %add3A_182, %reduce_max3A_218 : i32
        %sub3A_220 = arith.constant 16 : i32
        %sub3A_221 = arith.subi %sub3A_220, %reduce_max3A_218 : i32
        %add3A_222 = arith.addi %add3A_185, %sub3A_221 : i32
        %scan3A_223 = arith.constant 3 : i32
        %scan3A_224 = arith.addi %scan3A_120, %scan3A_223 : i32
        %mul3A_225 = arith.constant 16 : i32
        %mul3A_226 = arith.muli %scan3A_224, %mul3A_225 : i32
        %get3A_227 = arith.index_cast %mul3A_226 : i32 to index
        %get3A_228 = tpu.vector_load %arg13[%get3A_227] {strides = array<i32>} : memref<4096xi32, #tpu.memory_space<vmem>>, vector<16xi32>,
        %iota3A_229 = tpu.iota {dimensions = array<i32: 0>} : vector<16xi32>
        %mul3A_230 = arith.constant 16 : i32
        %mul3A_231 = arith.muli %scan3A_224, %mul3A_230 : i32
        %add3A_232 = vector.broadcast %mul3A_231 : i32 to vector<16xi32>
        %add3A_233 = arith.addi %iota3A_229, %add3A_232 : vector<16xi32>
        %shift_left3A_234 = arith.constant 17 : i32
        %shift_left3A_235 = vector.broadcast %shift_left3A_234 : i32 to vector<16xi32>
        %shift_left3A_236 = arith.shli %add3A_233, %shift_left3A_235 : vector<16xi32>
        %or3A_237 = arith.ori %shift_left3A_236, %get3A_228 : vector<16xi32>
        %lt3A_238 = arith.constant 50048 : i32
        %lt3A_239 = vector.broadcast %lt3A_238 : i32 to vector<16xi32>
        %lt3A_240 = arith.cmpi slt, %get3A_228, %lt3A_239 : vector<16xi32>
        %swap3A_241 = arith.index_cast %add3A_219 : i32 to index
        %swap3A_242 = tpu.vector_load %arg11[%swap3A_241] masked %lt3A_240 {strides = array<i32>} : memref<4112xi32, #tpu.memory_space<vmem>>, vector<16xi32>, vector<16xi1>
        tpu.vector_store %arg11[%swap3A_241], %or3A_237 masked %lt3A_240 {strides = array<i32>} : memref<4112xi32, #tpu.memory_space<vmem>>, vector<16xi32>, vector<16xi1>
        %not3A_243 = arith.constant dense<true> : vector<16xi1>
        %not3A_244 = arith.xori %lt3A_240, %not3A_243 : vector<16xi1>
        %swap3A_245 = arith.index_cast %add3A_222 : i32 to index
        %swap3A_246 = tpu.vector_load %arg12[%swap3A_245] masked %not3A_244 {strides = array<i32>} : memref<4112xi32, #tpu.memory_space<vmem>>, vector<16xi32>, vector<16xi1>
        tpu.vector_store %arg12[%swap3A_245], %or3A_237 masked %not3A_244 {strides = array<i32>} : memref<4112xi32, #tpu.memory_space<vmem>>, vector<16xi32>, vector<16xi1>
        %all_reduce_population_count3A_247 = tpu.all_reduce %lt3A_240 {dim = 0 : i64, kind = #tpu.reduction_kind<sum>} : vector<16xi1> -> vector<16xi32>
        %reduce_max3A_248 = arith.constant true
        %reduce_max3A_249 = vector.broadcast %reduce_max3A_248 : i1 to vector<16xi1>
        %reduce_max3A_250 = arith.constant -2147483648 : i32
        %reduce_max3A_251 = vector.broadcast %reduce_max3A_250 : i32 to vector<16xi32>
        %reduce_max3A_252 = arith.xori %all_reduce_population_count3A_247, %reduce_max3A_251 : vector<16xi32>
        %reduce_max3A_253 = tpu.scan <max>, %reduce_max3A_252 masked %reduce_max3A_249 : vector<16xi32>, vector<16xi1> -> vector<16xi32>
        %reduce_max3A_254 = arith.xori %reduce_max3A_253, %reduce_max3A_251 : vector<16xi32>
        %reduce_max3A_255 = vector.extract %reduce_max3A_254[15] : i32 from vector<16xi32>
        %add3A_256 = arith.addi %add3A_219, %reduce_max3A_255 : i32
        %sub3A_257 = arith.constant 16 : i32
        %sub3A_258 = arith.subi %sub3A_257, %reduce_max3A_255 : i32
        %add3A_259 = arith.addi %add3A_222, %sub3A_258 : i32
        scf.yield %add3A_256, %add3A_259 : i32, i32
      }
      %scan3A_102 = arith.constant 256 : i32
      %mul3A_103 = arith.constant 64 : i32
      %mul3A_104 = arith.muli %while3A_87, %mul3A_103 : i32
      %max3A = arith.maxsi %mul3A_2, %mul3A_104 : i32
      %add3A_105 = arith.constant 52 : i32
      %add3A_106 = arith.addi %mul3A_2, %add3A_105 : i32
      %add3A_107 = arith.constant 1 : i32
      %add3A_108 = arith.addi %while3A_87, %add3A_107 : i32
      %mul3A_109 = arith.constant 64 : i32
      %mul3A_110 = arith.muli %add3A_108, %mul3A_109 : i32
      %min3A = arith.minsi %add3A_106, %mul3A_110 : i32
      %while3A_111 = arith.constant 0 : i32
      %while3A_112 = arith.subi %min3A, %max3A : i32
      %while3A_113 = arith.addi %max3A, %while3A_112 : i32
      %while3A_114 = arith.constant 1 : i32
      %while3A_115 = arith.divsi %while3A_112, %while3A_114 : i32
      %while3A_116 = arith.muli %while3A_115, %while3A_114 : i32
      %while3A_117 = arith.addi %max3A, %while3A_116 : i32
      %while3A_118 = arith.constant 1 : i32
      scf.for %while3A_120 = %max3A to %while3A_117 step %while3A_118  : i32 {
        %dma_wait3A_121 = arith.constant 0 : i32
        %dma_wait3A_122 = tpu.memref_slice %arg2[%while3A_120, %dma_wait3A_121] : memref<1664x100000xf32, #tpu.memory_space<hbm>> -> memref<1x100000xf32, #tpu.memory_space<hbm>>
        %dma_wait3A_123 = tpu.memref_squeeze %dma_wait3A_122 : memref<1x100000xf32, #tpu.memory_space<hbm>> -> memref<100000xf32, #tpu.memory_space<hbm>>
        %dma_wait3A_124 = arith.constant 0 : i32
        %dma_wait3A_125 = tpu.memref_slice %dma_wait3A_123[%dma_wait3A_124] : memref<100000xf32, #tpu.memory_space<hbm>> -> memref<50048xf32, #tpu.memory_space<hbm>>
        %dma_wait3A_126 = arith.constant 0 : i32
        %dma_wait3A_127 = tpu.memref_slice %arg2[%while3A_120, %dma_wait3A_126] : memref<1664x100000xf32, #tpu.memory_space<hbm>> -> memref<1x100000xf32, #tpu.memory_space<hbm>>
        %dma_wait3A_128 = tpu.memref_squeeze %dma_wait3A_127 : memref<1x100000xf32, #tpu.memory_space<hbm>> -> memref<100000xf32, #tpu.memory_space<hbm>>
        %dma_wait3A_129 = arith.constant 0 : i32
        %dma_wait3A_130 = tpu.memref_slice %dma_wait3A_128[%dma_wait3A_129] : memref<100000xf32, #tpu.memory_space<hbm>> -> memref<50048xf32, #tpu.memory_space<hbm>>
        tpu.wait_dma2 semaphore(%arg16 : memref<!tpu.dma_semaphore, #tpu.memory_space<semaphore_mem>>) src(%dma_wait3A_130 : memref<50048xf32, #tpu.memory_space<hbm>>) dst(%arg7 : memref<50048xf32, #tpu.memory_space<vmem>>)
        %dma_start3A_131 = arith.constant 0 : i32
        %dma_start3A_132 = tpu.memref_slice %arg2[%while3A_120, %dma_start3A_131] : memref<1664x100000xf32, #tpu.memory_space<hbm>> -> memref<1x100000xf32, #tpu.memory_space<hbm>>
        %dma_start3A_133 = tpu.memref_squeeze %dma_start3A_132 : memref<1x100000xf32, #tpu.memory_space<hbm>> -> memref<100000xf32, #tpu.memory_space<hbm>>
        %dma_start3A_134 = arith.constant 50048 : i32
        %dma_start3A_135 = tpu.memref_slice %dma_start3A_133[%dma_start3A_134] : memref<100000xf32, #tpu.memory_space<hbm>> -> memref<49952xf32, #tpu.memory_space<hbm>>
        %dma_start3A_136 = arith.constant 0 : i32
        %dma_start3A_137 = tpu.memref_slice %arg2[%while3A_120, %dma_start3A_136] : memref<1664x100000xf32, #tpu.memory_space<hbm>> -> memref<1x100000xf32, #tpu.memory_space<hbm>>
        %dma_start3A_138 = tpu.memref_squeeze %dma_start3A_137 : memref<1x100000xf32, #tpu.memory_space<hbm>> -> memref<100000xf32, #tpu.memory_space<hbm>>
        %dma_start3A_139 = arith.constant 50048 : i32
        %dma_start3A_140 = tpu.memref_slice %dma_start3A_138[%dma_start3A_139] : memref<100000xf32, #tpu.memory_space<hbm>> -> memref<49952xf32, #tpu.memory_space<hbm>>
        tpu.enqueue_dma source(%dma_start3A_140 : memref<49952xf32, #tpu.memory_space<hbm>>) target(%arg8 : memref<49952xf32, #tpu.memory_space<vmem>>) target_semaphore(%arg17 : memref<!tpu.dma_semaphore, #tpu.memory_space<semaphore_mem>>)
        %gt3A = arith.cmpi sgt, %while3A_120, %mul3A_2 : i32
        %convert_element_type3A = arith.extui %gt3A : i1 to i32
        %cond3A = arith.constant 0 : i32
        %cond3A_141 = arith.cmpi ne, %convert_element_type3A, %cond3A : i32
        scf.if %cond3A_141 {
          %dma_wait3A_329 = arith.constant 0 : i32
          %dma_wait3A_330 = tpu.memref_slice %arg5[%while3A_120, %dma_wait3A_329] : memref<1664x4096xf32, #tpu.memory_space<hbm>> -> memref<1x4096xf32, #tpu.memory_space<hbm>>
          %dma_wait3A_331 = tpu.memref_squeeze %dma_wait3A_330 : memref<1x4096xf32, #tpu.memory_space<hbm>> -> memref<4096xf32, #tpu.memory_space<hbm>>
          %dma_wait3A_332 = arith.constant 0 : i32
          %dma_wait3A_333 = tpu.memref_slice %arg5[%while3A_120, %dma_wait3A_332] : memref<1664x4096xf32, #tpu.memory_space<hbm>> -> memref<1x4096xf32, #tpu.memory_space<hbm>>
          %dma_wait3A_334 = tpu.memref_squeeze %dma_wait3A_333 : memref<1x4096xf32, #tpu.memory_space<hbm>> -> memref<4096xf32, #tpu.memory_space<hbm>>
          tpu.wait_dma2 semaphore(%arg18 : memref<!tpu.dma_semaphore, #tpu.memory_space<semaphore_mem>>) src(%dma_wait3A_334 : memref<4096xf32, #tpu.memory_space<hbm>>) dst(%arg14 : memref<4096xf32, #tpu.memory_space<vmem>>)
          %dma_wait3A_335 = arith.constant 0 : i32
          %dma_wait3A_336 = tpu.memref_slice %arg6[%while3A_120, %dma_wait3A_335] : memref<1664x4096xf32, #tpu.memory_space<hbm>> -> memref<1x4096xf32, #tpu.memory_space<hbm>>
          %dma_wait3A_337 = tpu.memref_squeeze %dma_wait3A_336 : memref<1x4096xf32, #tpu.memory_space<hbm>> -> memref<4096xf32, #tpu.memory_space<hbm>>
          %dma_wait3A_338 = arith.constant 0 : i32
          %dma_wait3A_339 = tpu.memref_slice %arg6[%while3A_120, %dma_wait3A_338] : memref<1664x4096xf32, #tpu.memory_space<hbm>> -> memref<1x4096xf32, #tpu.memory_space<hbm>>
          %dma_wait3A_340 = tpu.memref_squeeze %dma_wait3A_339 : memref<1x4096xf32, #tpu.memory_space<hbm>> -> memref<4096xf32, #tpu.memory_space<hbm>>
          tpu.wait_dma2 semaphore(%arg18 : memref<!tpu.dma_semaphore, #tpu.memory_space<semaphore_mem>>) src(%dma_wait3A_340 : memref<4096xf32, #tpu.memory_space<hbm>>) dst(%arg15 : memref<4096xf32, #tpu.memory_space<vmem>>)
        } else {
        }
        %add3A_142 = arith.constant 16 : i32
        %add3A_143 = arith.addi %scan3A_93#0, %add3A_142 : i32
        %sub3A_144 = arith.constant 1 : i32
        %sub3A_145 = arith.subi %add3A_143, %sub3A_144 : i32
        %jit3A_146 = arith.constant 16 : i32
        %div3A_147 = arith.divsi %sub3A_145, %jit3A_146 : i32
        %sign3A_148 = arith.constant 0 : i32
        %sign3A_149 = arith.cmpi sgt, %sub3A_145, %sign3A_148 : i32
        %sign3A_150 = arith.extui %sign3A_149 : i1 to i32
        %sign3A_151 = arith.constant 0 : i32
        %sign3A_152 = arith.cmpi slt, %sub3A_145, %sign3A_151 : i32
        %sign3A_153 = arith.extui %sign3A_152 : i1 to i32
        %sign3A_154 = arith.subi %sign3A_150, %sign3A_153 : i32
        %sign3A_155 = arith.constant 0 : i32
        %sign3A_156 = arith.cmpi sgt, %jit3A_146, %sign3A_155 : i32
        %sign3A_157 = arith.extui %sign3A_156 : i1 to i32
        %sign3A_158 = arith.constant 0 : i32
        %sign3A_159 = arith.cmpi slt, %jit3A_146, %sign3A_158 : i32
        %sign3A_160 = arith.extui %sign3A_159 : i1 to i32
        %sign3A_161 = arith.subi %sign3A_157, %sign3A_160 : i32
        %ne3A_162 = arith.cmpi ne, %sign3A_154, %sign3A_161 : i32
        %rem3A_163 = arith.remsi %sub3A_145, %jit3A_146 : i32
        %ne3A_164 = arith.constant 0 : i32
        %ne3A_165 = arith.cmpi ne, %rem3A_163, %ne3A_164 : i32
        %and3A_166 = arith.andi %ne3A_162, %ne3A_165 : i1
        %sub3A_167 = arith.constant 1 : i32
        %sub3A_168 = arith.subi %div3A_147, %sub3A_167 : i32
        %select_n3A_169 = arith.select %and3A_166, %sub3A_168, %div3A_147 : i32
        %while3A_170 = arith.constant 0 : i32
        %while3A_171 = arith.constant 0 : i32
        %while3A_172 = arith.subi %select_n3A_169, %while3A_171 : i32
        %while3A_173 = arith.addi %while3A_171, %while3A_172 : i32
        %while3A_174 = arith.constant 1 : i32
        %while3A_175 = arith.divsi %while3A_172, %while3A_174 : i32
        %while3A_176 = arith.muli %while3A_175, %while3A_174 : i32
        %while3A_177 = arith.addi %while3A_171, %while3A_176 : i32
        %while3A_178 = arith.constant 1 : i32
        scf.for %while3A_329 = %while3A_171 to %while3A_177 step %while3A_178  : i32 {
          %mul3A_330 = arith.constant 16 : i32
          %mul3A_331 = arith.muli %while3A_329, %mul3A_330 : i32
          %get3A = arith.index_cast %mul3A_331 : i32 to index
          %get3A_332 = tpu.vector_load %arg9[%get3A] {strides = array<i32>} : memref<4112xi32, #tpu.memory_space<vmem>>, vector<16xi32>,
          %iota3A = tpu.iota {dimensions = array<i32: 0>} : vector<16xi32>
          %add3A_333 = vector.broadcast %mul3A_331 : i32 to vector<16xi32>
          %add3A_334 = arith.addi %iota3A, %add3A_333 : vector<16xi32>
          %lt3A = vector.broadcast %scan3A_93#0 : i32 to vector<16xi32>
          %lt3A_335 = arith.cmpi slt, %add3A_334, %lt3A : vector<16xi32>
          %and3A_336 = arith.constant 131071 : i32
          %and3A_337 = vector.broadcast %and3A_336 : i32 to vector<16xi32>
          %and3A_338 = arith.andi %get3A_332, %and3A_337 : vector<16xi32>
          %sub3A_339 = arith.constant 0 : i32
          %sub3A_340 = vector.broadcast %sub3A_339 : i32 to vector<16xi32>
          %sub3A_341 = arith.subi %and3A_338, %sub3A_340 : vector<16xi32>
          %shift_right_logical3A = arith.constant 17 : i32
          %shift_right_logical3A_342 = vector.broadcast %shift_right_logical3A : i32 to vector<16xi32>
          %shift_right_logical3A_343 = arith.shrui %get3A_332, %shift_right_logical3A_342 : vector<16xi32>
          %gather3A = tpu.vector_load_idx %arg7[%sub3A_341] masked %lt3A_335 : memref<50048xf32, #tpu.memory_space<vmem>>[vector<16xi32>], vector<16xf32>, vector<16xi1>
          tpu.vector_store_idx %arg14[%shift_right_logical3A_343], %gather3A masked %lt3A_335 : memref<4096xf32, #tpu.memory_space<vmem>>[vector<16xi32>], vector<16xf32>, vector<16xi1>
        }
        %while3A_179 = arith.constant 1 : i32
        scf.for %while3A_329 = %while3A_177 to %while3A_173 step %while3A_179  : i32 {
          %mul3A_330 = arith.constant 16 : i32
          %mul3A_331 = arith.muli %while3A_329, %mul3A_330 : i32
          %get3A = arith.index_cast %mul3A_331 : i32 to index
          %get3A_332 = tpu.vector_load %arg9[%get3A] {strides = array<i32>} : memref<4112xi32, #tpu.memory_space<vmem>>, vector<16xi32>,
          %iota3A = tpu.iota {dimensions = array<i32: 0>} : vector<16xi32>
          %add3A_333 = vector.broadcast %mul3A_331 : i32 to vector<16xi32>
          %add3A_334 = arith.addi %iota3A, %add3A_333 : vector<16xi32>
          %lt3A = vector.broadcast %scan3A_93#0 : i32 to vector<16xi32>
          %lt3A_335 = arith.cmpi slt, %add3A_334, %lt3A : vector<16xi32>
          %and3A_336 = arith.constant 131071 : i32
          %and3A_337 = vector.broadcast %and3A_336 : i32 to vector<16xi32>
          %and3A_338 = arith.andi %get3A_332, %and3A_337 : vector<16xi32>
          %sub3A_339 = arith.constant 0 : i32
          %sub3A_340 = vector.broadcast %sub3A_339 : i32 to vector<16xi32>
          %sub3A_341 = arith.subi %and3A_338, %sub3A_340 : vector<16xi32>
          %shift_right_logical3A = arith.constant 17 : i32
          %shift_right_logical3A_342 = vector.broadcast %shift_right_logical3A : i32 to vector<16xi32>
          %shift_right_logical3A_343 = arith.shrui %get3A_332, %shift_right_logical3A_342 : vector<16xi32>
          %gather3A = tpu.vector_load_idx %arg7[%sub3A_341] masked %lt3A_335 : memref<50048xf32, #tpu.memory_space<vmem>>[vector<16xi32>], vector<16xf32>, vector<16xi1>
          tpu.vector_store_idx %arg14[%shift_right_logical3A_343], %gather3A masked %lt3A_335 : memref<4096xf32, #tpu.memory_space<vmem>>[vector<16xi32>], vector<16xf32>, vector<16xi1>
        }
        %add3A_180 = arith.constant 16 : i32
        %add3A_181 = arith.addi %scan3A_101#0, %add3A_180 : i32
        %sub3A_182 = arith.constant 1 : i32
        %sub3A_183 = arith.subi %add3A_181, %sub3A_182 : i32
        %jit3A_184 = arith.constant 16 : i32
        %div3A_185 = arith.divsi %sub3A_183, %jit3A_184 : i32
        %sign3A_186 = arith.constant 0 : i32
        %sign3A_187 = arith.cmpi sgt, %sub3A_183, %sign3A_186 : i32
        %sign3A_188 = arith.extui %sign3A_187 : i1 to i32
        %sign3A_189 = arith.constant 0 : i32
        %sign3A_190 = arith.cmpi slt, %sub3A_183, %sign3A_189 : i32
        %sign3A_191 = arith.extui %sign3A_190 : i1 to i32
        %sign3A_192 = arith.subi %sign3A_188, %sign3A_191 : i32
        %sign3A_193 = arith.constant 0 : i32
        %sign3A_194 = arith.cmpi sgt, %jit3A_184, %sign3A_193 : i32
        %sign3A_195 = arith.extui %sign3A_194 : i1 to i32
        %sign3A_196 = arith.constant 0 : i32
        %sign3A_197 = arith.cmpi slt, %jit3A_184, %sign3A_196 : i32
        %sign3A_198 = arith.extui %sign3A_197 : i1 to i32
        %sign3A_199 = arith.subi %sign3A_195, %sign3A_198 : i32
        %ne3A_200 = arith.cmpi ne, %sign3A_192, %sign3A_199 : i32
        %rem3A_201 = arith.remsi %sub3A_183, %jit3A_184 : i32
        %ne3A_202 = arith.constant 0 : i32
        %ne3A_203 = arith.cmpi ne, %rem3A_201, %ne3A_202 : i32
        %and3A_204 = arith.andi %ne3A_200, %ne3A_203 : i1
        %sub3A_205 = arith.constant 1 : i32
        %sub3A_206 = arith.subi %div3A_185, %sub3A_205 : i32
        %select_n3A_207 = arith.select %and3A_204, %sub3A_206, %div3A_185 : i32
        %while3A_208 = arith.constant 0 : i32
        %while3A_209 = arith.constant 0 : i32
        %while3A_210 = arith.subi %select_n3A_207, %while3A_209 : i32
        %while3A_211 = arith.addi %while3A_209, %while3A_210 : i32
        %while3A_212 = arith.constant 1 : i32
        %while3A_213 = arith.divsi %while3A_210, %while3A_212 : i32
        %while3A_214 = arith.muli %while3A_213, %while3A_212 : i32
        %while3A_215 = arith.addi %while3A_209, %while3A_214 : i32
        %while3A_216 = arith.constant 1 : i32
        scf.for %while3A_329 = %while3A_209 to %while3A_215 step %while3A_216  : i32 {
          %mul3A_330 = arith.constant 16 : i32
          %mul3A_331 = arith.muli %while3A_329, %mul3A_330 : i32
          %get3A = arith.index_cast %mul3A_331 : i32 to index
          %get3A_332 = tpu.vector_load %arg11[%get3A] {strides = array<i32>} : memref<4112xi32, #tpu.memory_space<vmem>>, vector<16xi32>,
          %iota3A = tpu.iota {dimensions = array<i32: 0>} : vector<16xi32>
          %add3A_333 = vector.broadcast %mul3A_331 : i32 to vector<16xi32>
          %add3A_334 = arith.addi %iota3A, %add3A_333 : vector<16xi32>
          %lt3A = vector.broadcast %scan3A_101#0 : i32 to vector<16xi32>
          %lt3A_335 = arith.cmpi slt, %add3A_334, %lt3A : vector<16xi32>
          %and3A_336 = arith.constant 131071 : i32
          %and3A_337 = vector.broadcast %and3A_336 : i32 to vector<16xi32>
          %and3A_338 = arith.andi %get3A_332, %and3A_337 : vector<16xi32>
          %sub3A_339 = arith.constant 0 : i32
          %sub3A_340 = vector.broadcast %sub3A_339 : i32 to vector<16xi32>
          %sub3A_341 = arith.subi %and3A_338, %sub3A_340 : vector<16xi32>
          %shift_right_logical3A = arith.constant 17 : i32
          %shift_right_logical3A_342 = vector.broadcast %shift_right_logical3A : i32 to vector<16xi32>
          %shift_right_logical3A_343 = arith.shrui %get3A_332, %shift_right_logical3A_342 : vector<16xi32>
          %gather3A = tpu.vector_load_idx %arg7[%sub3A_341] masked %lt3A_335 : memref<50048xf32, #tpu.memory_space<vmem>>[vector<16xi32>], vector<16xf32>, vector<16xi1>
          tpu.vector_store_idx %arg15[%shift_right_logical3A_343], %gather3A masked %lt3A_335 : memref<4096xf32, #tpu.memory_space<vmem>>[vector<16xi32>], vector<16xf32>, vector<16xi1>
        }
        %while3A_217 = arith.constant 1 : i32
        scf.for %while3A_329 = %while3A_215 to %while3A_211 step %while3A_217  : i32 {
          %mul3A_330 = arith.constant 16 : i32
          %mul3A_331 = arith.muli %while3A_329, %mul3A_330 : i32
          %get3A = arith.index_cast %mul3A_331 : i32 to index
          %get3A_332 = tpu.vector_load %arg11[%get3A] {strides = array<i32>} : memref<4112xi32, #tpu.memory_space<vmem>>, vector<16xi32>,
          %iota3A = tpu.iota {dimensions = array<i32: 0>} : vector<16xi32>
          %add3A_333 = vector.broadcast %mul3A_331 : i32 to vector<16xi32>
          %add3A_334 = arith.addi %iota3A, %add3A_333 : vector<16xi32>
          %lt3A = vector.broadcast %scan3A_101#0 : i32 to vector<16xi32>
          %lt3A_335 = arith.cmpi slt, %add3A_334, %lt3A : vector<16xi32>
          %and3A_336 = arith.constant 131071 : i32
          %and3A_337 = vector.broadcast %and3A_336 : i32 to vector<16xi32>
          %and3A_338 = arith.andi %get3A_332, %and3A_337 : vector<16xi32>
          %sub3A_339 = arith.constant 0 : i32
          %sub3A_340 = vector.broadcast %sub3A_339 : i32 to vector<16xi32>
          %sub3A_341 = arith.subi %and3A_338, %sub3A_340 : vector<16xi32>
          %shift_right_logical3A = arith.constant 17 : i32
          %shift_right_logical3A_342 = vector.broadcast %shift_right_logical3A : i32 to vector<16xi32>
          %shift_right_logical3A_343 = arith.shrui %get3A_332, %shift_right_logical3A_342 : vector<16xi32>
          %gather3A = tpu.vector_load_idx %arg7[%sub3A_341] masked %lt3A_335 : memref<50048xf32, #tpu.memory_space<vmem>>[vector<16xi32>], vector<16xf32>, vector<16xi1>
          tpu.vector_store_idx %arg15[%shift_right_logical3A_343], %gather3A masked %lt3A_335 : memref<4096xf32, #tpu.memory_space<vmem>>[vector<16xi32>], vector<16xf32>, vector<16xi1>
        }
        %dma_wait3A_218 = arith.constant 0 : i32
        %dma_wait3A_219 = tpu.memref_slice %arg2[%while3A_120, %dma_wait3A_218] : memref<1664x100000xf32, #tpu.memory_space<hbm>> -> memref<1x100000xf32, #tpu.memory_space<hbm>>
        %dma_wait3A_220 = tpu.memref_squeeze %dma_wait3A_219 : memref<1x100000xf32, #tpu.memory_space<hbm>> -> memref<100000xf32, #tpu.memory_space<hbm>>
        %dma_wait3A_221 = arith.constant 50048 : i32
        %dma_wait3A_222 = tpu.memref_slice %dma_wait3A_220[%dma_wait3A_221] : memref<100000xf32, #tpu.memory_space<hbm>> -> memref<49952xf32, #tpu.memory_space<hbm>>
        %dma_wait3A_223 = arith.constant 0 : i32
        %dma_wait3A_224 = tpu.memref_slice %arg2[%while3A_120, %dma_wait3A_223] : memref<1664x100000xf32, #tpu.memory_space<hbm>> -> memref<1x100000xf32, #tpu.memory_space<hbm>>
        %dma_wait3A_225 = tpu.memref_squeeze %dma_wait3A_224 : memref<1x100000xf32, #tpu.memory_space<hbm>> -> memref<100000xf32, #tpu.memory_space<hbm>>
        %dma_wait3A_226 = arith.constant 50048 : i32
        %dma_wait3A_227 = tpu.memref_slice %dma_wait3A_225[%dma_wait3A_226] : memref<100000xf32, #tpu.memory_space<hbm>> -> memref<49952xf32, #tpu.memory_space<hbm>>
        tpu.wait_dma2 semaphore(%arg17 : memref<!tpu.dma_semaphore, #tpu.memory_space<semaphore_mem>>) src(%dma_wait3A_227 : memref<49952xf32, #tpu.memory_space<hbm>>) dst(%arg8 : memref<49952xf32, #tpu.memory_space<vmem>>)
        %add3A_228 = arith.constant 1 : i32
        %add3A_229 = arith.addi %while3A_120, %add3A_228 : i32
        %min3A_230 = arith.minsi %add3A_229, %sub3A_5 : i32
        %dma_start3A_231 = arith.constant 0 : i32
        %dma_start3A_232 = tpu.memref_slice %arg2[%min3A_230, %dma_start3A_231] : memref<1664x100000xf32, #tpu.memory_space<hbm>> -> memref<1x100000xf32, #tpu.memory_space<hbm>>
        %dma_start3A_233 = tpu.memref_squeeze %dma_start3A_232 : memref<1x100000xf32, #tpu.memory_space<hbm>> -> memref<100000xf32, #tpu.memory_space<hbm>>
        %dma_start3A_234 = arith.constant 0 : i32
        %dma_start3A_235 = tpu.memref_slice %dma_start3A_233[%dma_start3A_234] : memref<100000xf32, #tpu.memory_space<hbm>> -> memref<50048xf32, #tpu.memory_space<hbm>>
        %dma_start3A_236 = arith.constant 0 : i32
        %dma_start3A_237 = tpu.memref_slice %arg2[%min3A_230, %dma_start3A_236] : memref<1664x100000xf32, #tpu.memory_space<hbm>> -> memref<1x100000xf32, #tpu.memory_space<hbm>>
        %dma_start3A_238 = tpu.memref_squeeze %dma_start3A_237 : memref<1x100000xf32, #tpu.memory_space<hbm>> -> memref<100000xf32, #tpu.memory_space<hbm>>
        %dma_start3A_239 = arith.constant 0 : i32
        %dma_start3A_240 = tpu.memref_slice %dma_start3A_238[%dma_start3A_239] : memref<100000xf32, #tpu.memory_space<hbm>> -> memref<50048xf32, #tpu.memory_space<hbm>>
        tpu.enqueue_dma source(%dma_start3A_240 : memref<50048xf32, #tpu.memory_space<hbm>>) target(%arg7 : memref<50048xf32, #tpu.memory_space<vmem>>) target_semaphore(%arg16 : memref<!tpu.dma_semaphore, #tpu.memory_space<semaphore_mem>>)
        %add3A_241 = arith.constant 16 : i32
        %add3A_242 = arith.addi %scan3A_93#1, %add3A_241 : i32
        %sub3A_243 = arith.constant 1 : i32
        %sub3A_244 = arith.subi %add3A_242, %sub3A_243 : i32
        %jit3A_245 = arith.constant 16 : i32
        %div3A_246 = arith.divsi %sub3A_244, %jit3A_245 : i32
        %sign3A_247 = arith.constant 0 : i32
        %sign3A_248 = arith.cmpi sgt, %sub3A_244, %sign3A_247 : i32
        %sign3A_249 = arith.extui %sign3A_248 : i1 to i32
        %sign3A_250 = arith.constant 0 : i32
        %sign3A_251 = arith.cmpi slt, %sub3A_244, %sign3A_250 : i32
        %sign3A_252 = arith.extui %sign3A_251 : i1 to i32
        %sign3A_253 = arith.subi %sign3A_249, %sign3A_252 : i32
        %sign3A_254 = arith.constant 0 : i32
        %sign3A_255 = arith.cmpi sgt, %jit3A_245, %sign3A_254 : i32
        %sign3A_256 = arith.extui %sign3A_255 : i1 to i32
        %sign3A_257 = arith.constant 0 : i32
        %sign3A_258 = arith.cmpi slt, %jit3A_245, %sign3A_257 : i32
        %sign3A_259 = arith.extui %sign3A_258 : i1 to i32
        %sign3A_260 = arith.subi %sign3A_256, %sign3A_259 : i32
        %ne3A_261 = arith.cmpi ne, %sign3A_253, %sign3A_260 : i32
        %rem3A_262 = arith.remsi %sub3A_244, %jit3A_245 : i32
        %ne3A_263 = arith.constant 0 : i32
        %ne3A_264 = arith.cmpi ne, %rem3A_262, %ne3A_263 : i32
        %and3A_265 = arith.andi %ne3A_261, %ne3A_264 : i1
        %sub3A_266 = arith.constant 1 : i32
        %sub3A_267 = arith.subi %div3A_246, %sub3A_266 : i32
        %select_n3A_268 = arith.select %and3A_265, %sub3A_267, %div3A_246 : i32
        %while3A_269 = arith.constant 0 : i32
        %while3A_270 = arith.constant 0 : i32
        %while3A_271 = arith.subi %select_n3A_268, %while3A_270 : i32
        %while3A_272 = arith.addi %while3A_270, %while3A_271 : i32
        %while3A_273 = arith.constant 1 : i32
        %while3A_274 = arith.divsi %while3A_271, %while3A_273 : i32
        %while3A_275 = arith.muli %while3A_274, %while3A_273 : i32
        %while3A_276 = arith.addi %while3A_270, %while3A_275 : i32
        %while3A_277 = arith.constant 1 : i32
        scf.for %while3A_329 = %while3A_270 to %while3A_276 step %while3A_277  : i32 {
          %mul3A_330 = arith.constant 16 : i32
          %mul3A_331 = arith.muli %while3A_329, %mul3A_330 : i32
          %get3A = arith.index_cast %mul3A_331 : i32 to index
          %get3A_332 = tpu.vector_load %arg10[%get3A] {strides = array<i32>} : memref<4112xi32, #tpu.memory_space<vmem>>, vector<16xi32>,
          %iota3A = tpu.iota {dimensions = array<i32: 0>} : vector<16xi32>
          %add3A_333 = vector.broadcast %mul3A_331 : i32 to vector<16xi32>
          %add3A_334 = arith.addi %iota3A, %add3A_333 : vector<16xi32>
          %lt3A = vector.broadcast %scan3A_93#1 : i32 to vector<16xi32>
          %lt3A_335 = arith.cmpi slt, %add3A_334, %lt3A : vector<16xi32>
          %and3A_336 = arith.constant 131071 : i32
          %and3A_337 = vector.broadcast %and3A_336 : i32 to vector<16xi32>
          %and3A_338 = arith.andi %get3A_332, %and3A_337 : vector<16xi32>
          %sub3A_339 = arith.constant 50048 : i32
          %sub3A_340 = vector.broadcast %sub3A_339 : i32 to vector<16xi32>
          %sub3A_341 = arith.subi %and3A_338, %sub3A_340 : vector<16xi32>
          %shift_right_logical3A = arith.constant 17 : i32
          %shift_right_logical3A_342 = vector.broadcast %shift_right_logical3A : i32 to vector<16xi32>
          %shift_right_logical3A_343 = arith.shrui %get3A_332, %shift_right_logical3A_342 : vector<16xi32>
          %gather3A = tpu.vector_load_idx %arg8[%sub3A_341] masked %lt3A_335 : memref<49952xf32, #tpu.memory_space<vmem>>[vector<16xi32>], vector<16xf32>, vector<16xi1>
          tpu.vector_store_idx %arg14[%shift_right_logical3A_343], %gather3A masked %lt3A_335 : memref<4096xf32, #tpu.memory_space<vmem>>[vector<16xi32>], vector<16xf32>, vector<16xi1>
        }
        %while3A_278 = arith.constant 1 : i32
        scf.for %while3A_329 = %while3A_276 to %while3A_272 step %while3A_278  : i32 {
          %mul3A_330 = arith.constant 16 : i32
          %mul3A_331 = arith.muli %while3A_329, %mul3A_330 : i32
          %get3A = arith.index_cast %mul3A_331 : i32 to index
          %get3A_332 = tpu.vector_load %arg10[%get3A] {strides = array<i32>} : memref<4112xi32, #tpu.memory_space<vmem>>, vector<16xi32>,
          %iota3A = tpu.iota {dimensions = array<i32: 0>} : vector<16xi32>
          %add3A_333 = vector.broadcast %mul3A_331 : i32 to vector<16xi32>
          %add3A_334 = arith.addi %iota3A, %add3A_333 : vector<16xi32>
          %lt3A = vector.broadcast %scan3A_93#1 : i32 to vector<16xi32>
          %lt3A_335 = arith.cmpi slt, %add3A_334, %lt3A : vector<16xi32>
          %and3A_336 = arith.constant 131071 : i32
          %and3A_337 = vector.broadcast %and3A_336 : i32 to vector<16xi32>
          %and3A_338 = arith.andi %get3A_332, %and3A_337 : vector<16xi32>
          %sub3A_339 = arith.constant 50048 : i32
          %sub3A_340 = vector.broadcast %sub3A_339 : i32 to vector<16xi32>
          %sub3A_341 = arith.subi %and3A_338, %sub3A_340 : vector<16xi32>
          %shift_right_logical3A = arith.constant 17 : i32
          %shift_right_logical3A_342 = vector.broadcast %shift_right_logical3A : i32 to vector<16xi32>
          %shift_right_logical3A_343 = arith.shrui %get3A_332, %shift_right_logical3A_342 : vector<16xi32>
          %gather3A = tpu.vector_load_idx %arg8[%sub3A_341] masked %lt3A_335 : memref<49952xf32, #tpu.memory_space<vmem>>[vector<16xi32>], vector<16xf32>, vector<16xi1>
          tpu.vector_store_idx %arg14[%shift_right_logical3A_343], %gather3A masked %lt3A_335 : memref<4096xf32, #tpu.memory_space<vmem>>[vector<16xi32>], vector<16xf32>, vector<16xi1>
        }
        %add3A_279 = arith.constant 16 : i32
        %add3A_280 = arith.addi %scan3A_101#1, %add3A_279 : i32
        %sub3A_281 = arith.constant 1 : i32
        %sub3A_282 = arith.subi %add3A_280, %sub3A_281 : i32
        %jit3A_283 = arith.constant 16 : i32
        %div3A_284 = arith.divsi %sub3A_282, %jit3A_283 : i32
        %sign3A_285 = arith.constant 0 : i32
        %sign3A_286 = arith.cmpi sgt, %sub3A_282, %sign3A_285 : i32
        %sign3A_287 = arith.extui %sign3A_286 : i1 to i32
        %sign3A_288 = arith.constant 0 : i32
        %sign3A_289 = arith.cmpi slt, %sub3A_282, %sign3A_288 : i32
        %sign3A_290 = arith.extui %sign3A_289 : i1 to i32
        %sign3A_291 = arith.subi %sign3A_287, %sign3A_290 : i32
        %sign3A_292 = arith.constant 0 : i32
        %sign3A_293 = arith.cmpi sgt, %jit3A_283, %sign3A_292 : i32
        %sign3A_294 = arith.extui %sign3A_293 : i1 to i32
        %sign3A_295 = arith.constant 0 : i32
        %sign3A_296 = arith.cmpi slt, %jit3A_283, %sign3A_295 : i32
        %sign3A_297 = arith.extui %sign3A_296 : i1 to i32
        %sign3A_298 = arith.subi %sign3A_294, %sign3A_297 : i32
        %ne3A_299 = arith.cmpi ne, %sign3A_291, %sign3A_298 : i32
        %rem3A_300 = arith.remsi %sub3A_282, %jit3A_283 : i32
        %ne3A_301 = arith.constant 0 : i32
        %ne3A_302 = arith.cmpi ne, %rem3A_300, %ne3A_301 : i32
        %and3A_303 = arith.andi %ne3A_299, %ne3A_302 : i1
        %sub3A_304 = arith.constant 1 : i32
        %sub3A_305 = arith.subi %div3A_284, %sub3A_304 : i32
        %select_n3A_306 = arith.select %and3A_303, %sub3A_305, %div3A_284 : i32
        %while3A_307 = arith.constant 0 : i32
        %while3A_308 = arith.constant 0 : i32
        %while3A_309 = arith.subi %select_n3A_306, %while3A_308 : i32
        %while3A_310 = arith.addi %while3A_308, %while3A_309 : i32
        %while3A_311 = arith.constant 1 : i32
        %while3A_312 = arith.divsi %while3A_309, %while3A_311 : i32
        %while3A_313 = arith.muli %while3A_312, %while3A_311 : i32
        %while3A_314 = arith.addi %while3A_308, %while3A_313 : i32
        %while3A_315 = arith.constant 1 : i32
        scf.for %while3A_329 = %while3A_308 to %while3A_314 step %while3A_315  : i32 {
          %mul3A_330 = arith.constant 16 : i32
          %mul3A_331 = arith.muli %while3A_329, %mul3A_330 : i32
          %get3A = arith.index_cast %mul3A_331 : i32 to index
          %get3A_332 = tpu.vector_load %arg12[%get3A] {strides = array<i32>} : memref<4112xi32, #tpu.memory_space<vmem>>, vector<16xi32>,
          %iota3A = tpu.iota {dimensions = array<i32: 0>} : vector<16xi32>
          %add3A_333 = vector.broadcast %mul3A_331 : i32 to vector<16xi32>
          %add3A_334 = arith.addi %iota3A, %add3A_333 : vector<16xi32>
          %lt3A = vector.broadcast %scan3A_101#1 : i32 to vector<16xi32>
          %lt3A_335 = arith.cmpi slt, %add3A_334, %lt3A : vector<16xi32>
          %and3A_336 = arith.constant 131071 : i32
          %and3A_337 = vector.broadcast %and3A_336 : i32 to vector<16xi32>
          %and3A_338 = arith.andi %get3A_332, %and3A_337 : vector<16xi32>
          %sub3A_339 = arith.constant 50048 : i32
          %sub3A_340 = vector.broadcast %sub3A_339 : i32 to vector<16xi32>
          %sub3A_341 = arith.subi %and3A_338, %sub3A_340 : vector<16xi32>
          %shift_right_logical3A = arith.constant 17 : i32
          %shift_right_logical3A_342 = vector.broadcast %shift_right_logical3A : i32 to vector<16xi32>
          %shift_right_logical3A_343 = arith.shrui %get3A_332, %shift_right_logical3A_342 : vector<16xi32>
          %gather3A = tpu.vector_load_idx %arg8[%sub3A_341] masked %lt3A_335 : memref<49952xf32, #tpu.memory_space<vmem>>[vector<16xi32>], vector<16xf32>, vector<16xi1>
          tpu.vector_store_idx %arg15[%shift_right_logical3A_343], %gather3A masked %lt3A_335 : memref<4096xf32, #tpu.memory_space<vmem>>[vector<16xi32>], vector<16xf32>, vector<16xi1>
        }
        %while3A_316 = arith.constant 1 : i32
        scf.for %while3A_329 = %while3A_314 to %while3A_310 step %while3A_316  : i32 {
          %mul3A_330 = arith.constant 16 : i32
          %mul3A_331 = arith.muli %while3A_329, %mul3A_330 : i32
          %get3A = arith.index_cast %mul3A_331 : i32 to index
          %get3A_332 = tpu.vector_load %arg12[%get3A] {strides = array<i32>} : memref<4112xi32, #tpu.memory_space<vmem>>, vector<16xi32>,
          %iota3A = tpu.iota {dimensions = array<i32: 0>} : vector<16xi32>
          %add3A_333 = vector.broadcast %mul3A_331 : i32 to vector<16xi32>
          %add3A_334 = arith.addi %iota3A, %add3A_333 : vector<16xi32>
          %lt3A = vector.broadcast %scan3A_101#1 : i32 to vector<16xi32>
          %lt3A_335 = arith.cmpi slt, %add3A_334, %lt3A : vector<16xi32>
          %and3A_336 = arith.constant 131071 : i32
          %and3A_337 = vector.broadcast %and3A_336 : i32 to vector<16xi32>
          %and3A_338 = arith.andi %get3A_332, %and3A_337 : vector<16xi32>
          %sub3A_339 = arith.constant 50048 : i32
          %sub3A_340 = vector.broadcast %sub3A_339 : i32 to vector<16xi32>
          %sub3A_341 = arith.subi %and3A_338, %sub3A_340 : vector<16xi32>
          %shift_right_logical3A = arith.constant 17 : i32
          %shift_right_logical3A_342 = vector.broadcast %shift_right_logical3A : i32 to vector<16xi32>
          %shift_right_logical3A_343 = arith.shrui %get3A_332, %shift_right_logical3A_342 : vector<16xi32>
          %gather3A = tpu.vector_load_idx %arg8[%sub3A_341] masked %lt3A_335 : memref<49952xf32, #tpu.memory_space<vmem>>[vector<16xi32>], vector<16xf32>, vector<16xi1>
          tpu.vector_store_idx %arg15[%shift_right_logical3A_343], %gather3A masked %lt3A_335 : memref<4096xf32, #tpu.memory_space<vmem>>[vector<16xi32>], vector<16xf32>, vector<16xi1>
        }
        %dma_start3A_317 = arith.constant 0 : i32
        %dma_start3A_318 = tpu.memref_slice %arg5[%while3A_120, %dma_start3A_317] : memref<1664x4096xf32, #tpu.memory_space<hbm>> -> memref<1x4096xf32, #tpu.memory_space<hbm>>
        %dma_start3A_319 = tpu.memref_squeeze %dma_start3A_318 : memref<1x4096xf32, #tpu.memory_space<hbm>> -> memref<4096xf32, #tpu.memory_space<hbm>>
        %dma_start3A_320 = arith.constant 0 : i32
        %dma_start3A_321 = tpu.memref_slice %arg5[%while3A_120, %dma_start3A_320] : memref<1664x4096xf32, #tpu.memory_space<hbm>> -> memref<1x4096xf32, #tpu.memory_space<hbm>>
        %dma_start3A_322 = tpu.memref_squeeze %dma_start3A_321 : memref<1x4096xf32, #tpu.memory_space<hbm>> -> memref<4096xf32, #tpu.memory_space<hbm>>
        tpu.enqueue_dma source(%arg14 : memref<4096xf32, #tpu.memory_space<vmem>>) target(%dma_start3A_322 : memref<4096xf32, #tpu.memory_space<hbm>>) target_semaphore(%arg18 : memref<!tpu.dma_semaphore, #tpu.memory_space<semaphore_mem>>)
        %dma_start3A_323 = arith.constant 0 : i32
        %dma_start3A_324 = tpu.memref_slice %arg6[%while3A_120, %dma_start3A_323] : memref<1664x4096xf32, #tpu.memory_space<hbm>> -> memref<1x4096xf32, #tpu.memory_space<hbm>>
        %dma_start3A_325 = tpu.memref_squeeze %dma_start3A_324 : memref<1x4096xf32, #tpu.memory_space<hbm>> -> memref<4096xf32, #tpu.memory_space<hbm>>
        %dma_start3A_326 = arith.constant 0 : i32
        %dma_start3A_327 = tpu.memref_slice %arg6[%while3A_120, %dma_start3A_326] : memref<1664x4096xf32, #tpu.memory_space<hbm>> -> memref<1x4096xf32, #tpu.memory_space<hbm>>
        %dma_start3A_328 = tpu.memref_squeeze %dma_start3A_327 : memref<1x4096xf32, #tpu.memory_space<hbm>> -> memref<4096xf32, #tpu.memory_space<hbm>>
        tpu.enqueue_dma source(%arg15 : memref<4096xf32, #tpu.memory_space<vmem>>) target(%dma_start3A_328 : memref<4096xf32, #tpu.memory_space<hbm>>) target_semaphore(%arg18 : memref<!tpu.dma_semaphore, #tpu.memory_space<semaphore_mem>>)
      }
      %while3A_119 = arith.constant 1 : i32
      scf.for %while3A_120 = %while3A_117 to %while3A_113 step %while3A_119  : i32 {
        %dma_wait3A_121 = arith.constant 0 : i32
        %dma_wait3A_122 = tpu.memref_slice %arg2[%while3A_120, %dma_wait3A_121] : memref<1664x100000xf32, #tpu.memory_space<hbm>> -> memref<1x100000xf32, #tpu.memory_space<hbm>>
        %dma_wait3A_123 = tpu.memref_squeeze %dma_wait3A_122 : memref<1x100000xf32, #tpu.memory_space<hbm>> -> memref<100000xf32, #tpu.memory_space<hbm>>
        %dma_wait3A_124 = arith.constant 0 : i32
        %dma_wait3A_125 = tpu.memref_slice %dma_wait3A_123[%dma_wait3A_124] : memref<100000xf32, #tpu.memory_space<hbm>> -> memref<50048xf32, #tpu.memory_space<hbm>>
        %dma_wait3A_126 = arith.constant 0 : i32
        %dma_wait3A_127 = tpu.memref_slice %arg2[%while3A_120, %dma_wait3A_126] : memref<1664x100000xf32, #tpu.memory_space<hbm>> -> memref<1x100000xf32, #tpu.memory_space<hbm>>
        %dma_wait3A_128 = tpu.memref_squeeze %dma_wait3A_127 : memref<1x100000xf32, #tpu.memory_space<hbm>> -> memref<100000xf32, #tpu.memory_space<hbm>>
        %dma_wait3A_129 = arith.constant 0 : i32
        %dma_wait3A_130 = tpu.memref_slice %dma_wait3A_128[%dma_wait3A_129] : memref<100000xf32, #tpu.memory_space<hbm>> -> memref<50048xf32, #tpu.memory_space<hbm>>
        tpu.wait_dma2 semaphore(%arg16 : memref<!tpu.dma_semaphore, #tpu.memory_space<semaphore_mem>>) src(%dma_wait3A_130 : memref<50048xf32, #tpu.memory_space<hbm>>) dst(%arg7 : memref<50048xf32, #tpu.memory_space<vmem>>)
        %dma_start3A_131 = arith.constant 0 : i32
        %dma_start3A_132 = tpu.memref_slice %arg2[%while3A_120, %dma_start3A_131] : memref<1664x100000xf32, #tpu.memory_space<hbm>> -> memref<1x100000xf32, #tpu.memory_space<hbm>>
        %dma_start3A_133 = tpu.memref_squeeze %dma_start3A_132 : memref<1x100000xf32, #tpu.memory_space<hbm>> -> memref<100000xf32, #tpu.memory_space<hbm>>
        %dma_start3A_134 = arith.constant 50048 : i32
        %dma_start3A_135 = tpu.memref_slice %dma_start3A_133[%dma_start3A_134] : memref<100000xf32, #tpu.memory_space<hbm>> -> memref<49952xf32, #tpu.memory_space<hbm>>
        %dma_start3A_136 = arith.constant 0 : i32
        %dma_start3A_137 = tpu.memref_slice %arg2[%while3A_120, %dma_start3A_136] : memref<1664x100000xf32, #tpu.memory_space<hbm>> -> memref<1x100000xf32, #tpu.memory_space<hbm>>
        %dma_start3A_138 = tpu.memref_squeeze %dma_start3A_137 : memref<1x100000xf32, #tpu.memory_space<hbm>> -> memref<100000xf32, #tpu.memory_space<hbm>>
        %dma_start3A_139 = arith.constant 50048 : i32
        %dma_start3A_140 = tpu.memref_slice %dma_start3A_138[%dma_start3A_139] : memref<100000xf32, #tpu.memory_space<hbm>> -> memref<49952xf32, #tpu.memory_space<hbm>>
        tpu.enqueue_dma source(%dma_start3A_140 : memref<49952xf32, #tpu.memory_space<hbm>>) target(%arg8 : memref<49952xf32, #tpu.memory_space<vmem>>) target_semaphore(%arg17 : memref<!tpu.dma_semaphore, #tpu.memory_space<semaphore_mem>>)
        %gt3A = arith.cmpi sgt, %while3A_120, %mul3A_2 : i32
        %convert_element_type3A = arith.extui %gt3A : i1 to i32
        %cond3A = arith.constant 0 : i32
        %cond3A_141 = arith.cmpi ne, %convert_element_type3A, %cond3A : i32
        scf.if %cond3A_141 {
          %dma_wait3A_329 = arith.constant 0 : i32
          %dma_wait3A_330 = tpu.memref_slice %arg5[%while3A_120, %dma_wait3A_329] : memref<1664x4096xf32, #tpu.memory_space<hbm>> -> memref<1x4096xf32, #tpu.memory_space<hbm>>
          %dma_wait3A_331 = tpu.memref_squeeze %dma_wait3A_330 : memref<1x4096xf32, #tpu.memory_space<hbm>> -> memref<4096xf32, #tpu.memory_space<hbm>>
          %dma_wait3A_332 = arith.constant 0 : i32
          %dma_wait3A_333 = tpu.memref_slice %arg5[%while3A_120, %dma_wait3A_332] : memref<1664x4096xf32, #tpu.memory_space<hbm>> -> memref<1x4096xf32, #tpu.memory_space<hbm>>
          %dma_wait3A_334 = tpu.memref_squeeze %dma_wait3A_333 : memref<1x4096xf32, #tpu.memory_space<hbm>> -> memref<4096xf32, #tpu.memory_space<hbm>>
          tpu.wait_dma2 semaphore(%arg18 : memref<!tpu.dma_semaphore, #tpu.memory_space<semaphore_mem>>) src(%dma_wait3A_334 : memref<4096xf32, #tpu.memory_space<hbm>>) dst(%arg14 : memref<4096xf32, #tpu.memory_space<vmem>>)
          %dma_wait3A_335 = arith.constant 0 : i32
          %dma_wait3A_336 = tpu.memref_slice %arg6[%while3A_120, %dma_wait3A_335] : memref<1664x4096xf32, #tpu.memory_space<hbm>> -> memref<1x4096xf32, #tpu.memory_space<hbm>>
          %dma_wait3A_337 = tpu.memref_squeeze %dma_wait3A_336 : memref<1x4096xf32, #tpu.memory_space<hbm>> -> memref<4096xf32, #tpu.memory_space<hbm>>
          %dma_wait3A_338 = arith.constant 0 : i32
          %dma_wait3A_339 = tpu.memref_slice %arg6[%while3A_120, %dma_wait3A_338] : memref<1664x4096xf32, #tpu.memory_space<hbm>> -> memref<1x4096xf32, #tpu.memory_space<hbm>>
          %dma_wait3A_340 = tpu.memref_squeeze %dma_wait3A_339 : memref<1x4096xf32, #tpu.memory_space<hbm>> -> memref<4096xf32, #tpu.memory_space<hbm>>
          tpu.wait_dma2 semaphore(%arg18 : memref<!tpu.dma_semaphore, #tpu.memory_space<semaphore_mem>>) src(%dma_wait3A_340 : memref<4096xf32, #tpu.memory_space<hbm>>) dst(%arg15 : memref<4096xf32, #tpu.memory_space<vmem>>)
        } else {
        }
        %add3A_142 = arith.constant 16 : i32
        %add3A_143 = arith.addi %scan3A_93#0, %add3A_142 : i32
        %sub3A_144 = arith.constant 1 : i32
        %sub3A_145 = arith.subi %add3A_143, %sub3A_144 : i32
        %jit3A_146 = arith.constant 16 : i32
        %div3A_147 = arith.divsi %sub3A_145, %jit3A_146 : i32
        %sign3A_148 = arith.constant 0 : i32
        %sign3A_149 = arith.cmpi sgt, %sub3A_145, %sign3A_148 : i32
        %sign3A_150 = arith.extui %sign3A_149 : i1 to i32
        %sign3A_151 = arith.constant 0 : i32
        %sign3A_152 = arith.cmpi slt, %sub3A_145, %sign3A_151 : i32
        %sign3A_153 = arith.extui %sign3A_152 : i1 to i32
        %sign3A_154 = arith.subi %sign3A_150, %sign3A_153 : i32
        %sign3A_155 = arith.constant 0 : i32
        %sign3A_156 = arith.cmpi sgt, %jit3A_146, %sign3A_155 : i32
        %sign3A_157 = arith.extui %sign3A_156 : i1 to i32
        %sign3A_158 = arith.constant 0 : i32
        %sign3A_159 = arith.cmpi slt, %jit3A_146, %sign3A_158 : i32
        %sign3A_160 = arith.extui %sign3A_159 : i1 to i32
        %sign3A_161 = arith.subi %sign3A_157, %sign3A_160 : i32
        %ne3A_162 = arith.cmpi ne, %sign3A_154, %sign3A_161 : i32
        %rem3A_163 = arith.remsi %sub3A_145, %jit3A_146 : i32
        %ne3A_164 = arith.constant 0 : i32
        %ne3A_165 = arith.cmpi ne, %rem3A_163, %ne3A_164 : i32
        %and3A_166 = arith.andi %ne3A_162, %ne3A_165 : i1
        %sub3A_167 = arith.constant 1 : i32
        %sub3A_168 = arith.subi %div3A_147, %sub3A_167 : i32
        %select_n3A_169 = arith.select %and3A_166, %sub3A_168, %div3A_147 : i32
        %while3A_170 = arith.constant 0 : i32
        %while3A_171 = arith.constant 0 : i32
        %while3A_172 = arith.subi %select_n3A_169, %while3A_171 : i32
        %while3A_173 = arith.addi %while3A_171, %while3A_172 : i32
        %while3A_174 = arith.constant 1 : i32
        %while3A_175 = arith.divsi %while3A_172, %while3A_174 : i32
        %while3A_176 = arith.muli %while3A_175, %while3A_174 : i32
        %while3A_177 = arith.addi %while3A_171, %while3A_176 : i32
        %while3A_178 = arith.constant 1 : i32
        scf.for %while3A_329 = %while3A_171 to %while3A_177 step %while3A_178  : i32 {
          %mul3A_330 = arith.constant 16 : i32
          %mul3A_331 = arith.muli %while3A_329, %mul3A_330 : i32
          %get3A = arith.index_cast %mul3A_331 : i32 to index
          %get3A_332 = tpu.vector_load %arg9[%get3A] {strides = array<i32>} : memref<4112xi32, #tpu.memory_space<vmem>>, vector<16xi32>,
          %iota3A = tpu.iota {dimensions = array<i32: 0>} : vector<16xi32>
          %add3A_333 = vector.broadcast %mul3A_331 : i32 to vector<16xi32>
          %add3A_334 = arith.addi %iota3A, %add3A_333 : vector<16xi32>
          %lt3A = vector.broadcast %scan3A_93#0 : i32 to vector<16xi32>
          %lt3A_335 = arith.cmpi slt, %add3A_334, %lt3A : vector<16xi32>
          %and3A_336 = arith.constant 131071 : i32
          %and3A_337 = vector.broadcast %and3A_336 : i32 to vector<16xi32>
          %and3A_338 = arith.andi %get3A_332, %and3A_337 : vector<16xi32>
          %sub3A_339 = arith.constant 0 : i32
          %sub3A_340 = vector.broadcast %sub3A_339 : i32 to vector<16xi32>
          %sub3A_341 = arith.subi %and3A_338, %sub3A_340 : vector<16xi32>
          %shift_right_logical3A = arith.constant 17 : i32
          %shift_right_logical3A_342 = vector.broadcast %shift_right_logical3A : i32 to vector<16xi32>
          %shift_right_logical3A_343 = arith.shrui %get3A_332, %shift_right_logical3A_342 : vector<16xi32>
          %gather3A = tpu.vector_load_idx %arg7[%sub3A_341] masked %lt3A_335 : memref<50048xf32, #tpu.memory_space<vmem>>[vector<16xi32>], vector<16xf32>, vector<16xi1>
          tpu.vector_store_idx %arg14[%shift_right_logical3A_343], %gather3A masked %lt3A_335 : memref<4096xf32, #tpu.memory_space<vmem>>[vector<16xi32>], vector<16xf32>, vector<16xi1>
        }
        %while3A_179 = arith.constant 1 : i32
        scf.for %while3A_329 = %while3A_177 to %while3A_173 step %while3A_179  : i32 {
          %mul3A_330 = arith.constant 16 : i32
          %mul3A_331 = arith.muli %while3A_329, %mul3A_330 : i32
          %get3A = arith.index_cast %mul3A_331 : i32 to index
          %get3A_332 = tpu.vector_load %arg9[%get3A] {strides = array<i32>} : memref<4112xi32, #tpu.memory_space<vmem>>, vector<16xi32>,
          %iota3A = tpu.iota {dimensions = array<i32: 0>} : vector<16xi32>
          %add3A_333 = vector.broadcast %mul3A_331 : i32 to vector<16xi32>
          %add3A_334 = arith.addi %iota3A, %add3A_333 : vector<16xi32>
          %lt3A = vector.broadcast %scan3A_93#0 : i32 to vector<16xi32>
          %lt3A_335 = arith.cmpi slt, %add3A_334, %lt3A : vector<16xi32>
          %and3A_336 = arith.constant 131071 : i32
          %and3A_337 = vector.broadcast %and3A_336 : i32 to vector<16xi32>
          %and3A_338 = arith.andi %get3A_332, %and3A_337 : vector<16xi32>
          %sub3A_339 = arith.constant 0 : i32
          %sub3A_340 = vector.broadcast %sub3A_339 : i32 to vector<16xi32>
          %sub3A_341 = arith.subi %and3A_338, %sub3A_340 : vector<16xi32>
          %shift_right_logical3A = arith.constant 17 : i32
          %shift_right_logical3A_342 = vector.broadcast %shift_right_logical3A : i32 to vector<16xi32>
          %shift_right_logical3A_343 = arith.shrui %get3A_332, %shift_right_logical3A_342 : vector<16xi32>
          %gather3A = tpu.vector_load_idx %arg7[%sub3A_341] masked %lt3A_335 : memref<50048xf32, #tpu.memory_space<vmem>>[vector<16xi32>], vector<16xf32>, vector<16xi1>
          tpu.vector_store_idx %arg14[%shift_right_logical3A_343], %gather3A masked %lt3A_335 : memref<4096xf32, #tpu.memory_space<vmem>>[vector<16xi32>], vector<16xf32>, vector<16xi1>
        }
        %add3A_180 = arith.constant 16 : i32
        %add3A_181 = arith.addi %scan3A_101#0, %add3A_180 : i32
        %sub3A_182 = arith.constant 1 : i32
        %sub3A_183 = arith.subi %add3A_181, %sub3A_182 : i32
        %jit3A_184 = arith.constant 16 : i32
        %div3A_185 = arith.divsi %sub3A_183, %jit3A_184 : i32
        %sign3A_186 = arith.constant 0 : i32
        %sign3A_187 = arith.cmpi sgt, %sub3A_183, %sign3A_186 : i32
        %sign3A_188 = arith.extui %sign3A_187 : i1 to i32
        %sign3A_189 = arith.constant 0 : i32
        %sign3A_190 = arith.cmpi slt, %sub3A_183, %sign3A_189 : i32
        %sign3A_191 = arith.extui %sign3A_190 : i1 to i32
        %sign3A_192 = arith.subi %sign3A_188, %sign3A_191 : i32
        %sign3A_193 = arith.constant 0 : i32
        %sign3A_194 = arith.cmpi sgt, %jit3A_184, %sign3A_193 : i32
        %sign3A_195 = arith.extui %sign3A_194 : i1 to i32
        %sign3A_196 = arith.constant 0 : i32
        %sign3A_197 = arith.cmpi slt, %jit3A_184, %sign3A_196 : i32
        %sign3A_198 = arith.extui %sign3A_197 : i1 to i32
        %sign3A_199 = arith.subi %sign3A_195, %sign3A_198 : i32
        %ne3A_200 = arith.cmpi ne, %sign3A_192, %sign3A_199 : i32
        %rem3A_201 = arith.remsi %sub3A_183, %jit3A_184 : i32
        %ne3A_202 = arith.constant 0 : i32
        %ne3A_203 = arith.cmpi ne, %rem3A_201, %ne3A_202 : i32
        %and3A_204 = arith.andi %ne3A_200, %ne3A_203 : i1
        %sub3A_205 = arith.constant 1 : i32
        %sub3A_206 = arith.subi %div3A_185, %sub3A_205 : i32
        %select_n3A_207 = arith.select %and3A_204, %sub3A_206, %div3A_185 : i32
        %while3A_208 = arith.constant 0 : i32
        %while3A_209 = arith.constant 0 : i32
        %while3A_210 = arith.subi %select_n3A_207, %while3A_209 : i32
        %while3A_211 = arith.addi %while3A_209, %while3A_210 : i32
        %while3A_212 = arith.constant 1 : i32
        %while3A_213 = arith.divsi %while3A_210, %while3A_212 : i32
        %while3A_214 = arith.muli %while3A_213, %while3A_212 : i32
        %while3A_215 = arith.addi %while3A_209, %while3A_214 : i32
        %while3A_216 = arith.constant 1 : i32
        scf.for %while3A_329 = %while3A_209 to %while3A_215 step %while3A_216  : i32 {
          %mul3A_330 = arith.constant 16 : i32
          %mul3A_331 = arith.muli %while3A_329, %mul3A_330 : i32
          %get3A = arith.index_cast %mul3A_331 : i32 to index
          %get3A_332 = tpu.vector_load %arg11[%get3A] {strides = array<i32>} : memref<4112xi32, #tpu.memory_space<vmem>>, vector<16xi32>,
          %iota3A = tpu.iota {dimensions = array<i32: 0>} : vector<16xi32>
          %add3A_333 = vector.broadcast %mul3A_331 : i32 to vector<16xi32>
          %add3A_334 = arith.addi %iota3A, %add3A_333 : vector<16xi32>
          %lt3A = vector.broadcast %scan3A_101#0 : i32 to vector<16xi32>
          %lt3A_335 = arith.cmpi slt, %add3A_334, %lt3A : vector<16xi32>
          %and3A_336 = arith.constant 131071 : i32
          %and3A_337 = vector.broadcast %and3A_336 : i32 to vector<16xi32>
          %and3A_338 = arith.andi %get3A_332, %and3A_337 : vector<16xi32>
          %sub3A_339 = arith.constant 0 : i32
          %sub3A_340 = vector.broadcast %sub3A_339 : i32 to vector<16xi32>
          %sub3A_341 = arith.subi %and3A_338, %sub3A_340 : vector<16xi32>
          %shift_right_logical3A = arith.constant 17 : i32
          %shift_right_logical3A_342 = vector.broadcast %shift_right_logical3A : i32 to vector<16xi32>
          %shift_right_logical3A_343 = arith.shrui %get3A_332, %shift_right_logical3A_342 : vector<16xi32>
          %gather3A = tpu.vector_load_idx %arg7[%sub3A_341] masked %lt3A_335 : memref<50048xf32, #tpu.memory_space<vmem>>[vector<16xi32>], vector<16xf32>, vector<16xi1>
          tpu.vector_store_idx %arg15[%shift_right_logical3A_343], %gather3A masked %lt3A_335 : memref<4096xf32, #tpu.memory_space<vmem>>[vector<16xi32>], vector<16xf32>, vector<16xi1>
        }
        %while3A_217 = arith.constant 1 : i32
        scf.for %while3A_329 = %while3A_215 to %while3A_211 step %while3A_217  : i32 {
          %mul3A_330 = arith.constant 16 : i32
          %mul3A_331 = arith.muli %while3A_329, %mul3A_330 : i32
          %get3A = arith.index_cast %mul3A_331 : i32 to index
          %get3A_332 = tpu.vector_load %arg11[%get3A] {strides = array<i32>} : memref<4112xi32, #tpu.memory_space<vmem>>, vector<16xi32>,
          %iota3A = tpu.iota {dimensions = array<i32: 0>} : vector<16xi32>
          %add3A_333 = vector.broadcast %mul3A_331 : i32 to vector<16xi32>
          %add3A_334 = arith.addi %iota3A, %add3A_333 : vector<16xi32>
          %lt3A = vector.broadcast %scan3A_101#0 : i32 to vector<16xi32>
          %lt3A_335 = arith.cmpi slt, %add3A_334, %lt3A : vector<16xi32>
          %and3A_336 = arith.constant 131071 : i32
          %and3A_337 = vector.broadcast %and3A_336 : i32 to vector<16xi32>
          %and3A_338 = arith.andi %get3A_332, %and3A_337 : vector<16xi32>
          %sub3A_339 = arith.constant 0 : i32
          %sub3A_340 = vector.broadcast %sub3A_339 : i32 to vector<16xi32>
          %sub3A_341 = arith.subi %and3A_338, %sub3A_340 : vector<16xi32>
          %shift_right_logical3A = arith.constant 17 : i32
          %shift_right_logical3A_342 = vector.broadcast %shift_right_logical3A : i32 to vector<16xi32>
          %shift_right_logical3A_343 = arith.shrui %get3A_332, %shift_right_logical3A_342 : vector<16xi32>
          %gather3A = tpu.vector_load_idx %arg7[%sub3A_341] masked %lt3A_335 : memref<50048xf32, #tpu.memory_space<vmem>>[vector<16xi32>], vector<16xf32>, vector<16xi1>
          tpu.vector_store_idx %arg15[%shift_right_logical3A_343], %gather3A masked %lt3A_335 : memref<4096xf32, #tpu.memory_space<vmem>>[vector<16xi32>], vector<16xf32>, vector<16xi1>
        }
        %dma_wait3A_218 = arith.constant 0 : i32
        %dma_wait3A_219 = tpu.memref_slice %arg2[%while3A_120, %dma_wait3A_218] : memref<1664x100000xf32, #tpu.memory_space<hbm>> -> memref<1x100000xf32, #tpu.memory_space<hbm>>
        %dma_wait3A_220 = tpu.memref_squeeze %dma_wait3A_219 : memref<1x100000xf32, #tpu.memory_space<hbm>> -> memref<100000xf32, #tpu.memory_space<hbm>>
        %dma_wait3A_221 = arith.constant 50048 : i32
        %dma_wait3A_222 = tpu.memref_slice %dma_wait3A_220[%dma_wait3A_221] : memref<100000xf32, #tpu.memory_space<hbm>> -> memref<49952xf32, #tpu.memory_space<hbm>>
        %dma_wait3A_223 = arith.constant 0 : i32
        %dma_wait3A_224 = tpu.memref_slice %arg2[%while3A_120, %dma_wait3A_223] : memref<1664x100000xf32, #tpu.memory_space<hbm>> -> memref<1x100000xf32, #tpu.memory_space<hbm>>
        %dma_wait3A_225 = tpu.memref_squeeze %dma_wait3A_224 : memref<1x100000xf32, #tpu.memory_space<hbm>> -> memref<100000xf32, #tpu.memory_space<hbm>>
        %dma_wait3A_226 = arith.constant 50048 : i32
        %dma_wait3A_227 = tpu.memref_slice %dma_wait3A_225[%dma_wait3A_226] : memref<100000xf32, #tpu.memory_space<hbm>> -> memref<49952xf32, #tpu.memory_space<hbm>>
        tpu.wait_dma2 semaphore(%arg17 : memref<!tpu.dma_semaphore, #tpu.memory_space<semaphore_mem>>) src(%dma_wait3A_227 : memref<49952xf32, #tpu.memory_space<hbm>>) dst(%arg8 : memref<49952xf32, #tpu.memory_space<vmem>>)
        %add3A_228 = arith.constant 1 : i32
        %add3A_229 = arith.addi %while3A_120, %add3A_228 : i32
        %min3A_230 = arith.minsi %add3A_229, %sub3A_5 : i32
        %dma_start3A_231 = arith.constant 0 : i32
        %dma_start3A_232 = tpu.memref_slice %arg2[%min3A_230, %dma_start3A_231] : memref<1664x100000xf32, #tpu.memory_space<hbm>> -> memref<1x100000xf32, #tpu.memory_space<hbm>>
        %dma_start3A_233 = tpu.memref_squeeze %dma_start3A_232 : memref<1x100000xf32, #tpu.memory_space<hbm>> -> memref<100000xf32, #tpu.memory_space<hbm>>
        %dma_start3A_234 = arith.constant 0 : i32
        %dma_start3A_235 = tpu.memref_slice %dma_start3A_233[%dma_start3A_234] : memref<100000xf32, #tpu.memory_space<hbm>> -> memref<50048xf32, #tpu.memory_space<hbm>>
        %dma_start3A_236 = arith.constant 0 : i32
        %dma_start3A_237 = tpu.memref_slice %arg2[%min3A_230, %dma_start3A_236] : memref<1664x100000xf32, #tpu.memory_space<hbm>> -> memref<1x100000xf32, #tpu.memory_space<hbm>>
        %dma_start3A_238 = tpu.memref_squeeze %dma_start3A_237 : memref<1x100000xf32, #tpu.memory_space<hbm>> -> memref<100000xf32, #tpu.memory_space<hbm>>
        %dma_start3A_239 = arith.constant 0 : i32
        %dma_start3A_240 = tpu.memref_slice %dma_start3A_238[%dma_start3A_239] : memref<100000xf32, #tpu.memory_space<hbm>> -> memref<50048xf32, #tpu.memory_space<hbm>>
        tpu.enqueue_dma source(%dma_start3A_240 : memref<50048xf32, #tpu.memory_space<hbm>>) target(%arg7 : memref<50048xf32, #tpu.memory_space<vmem>>) target_semaphore(%arg16 : memref<!tpu.dma_semaphore, #tpu.memory_space<semaphore_mem>>)
        %add3A_241 = arith.constant 16 : i32
        %add3A_242 = arith.addi %scan3A_93#1, %add3A_241 : i32
        %sub3A_243 = arith.constant 1 : i32
        %sub3A_244 = arith.subi %add3A_242, %sub3A_243 : i32
        %jit3A_245 = arith.constant 16 : i32
        %div3A_246 = arith.divsi %sub3A_244, %jit3A_245 : i32
        %sign3A_247 = arith.constant 0 : i32
        %sign3A_248 = arith.cmpi sgt, %sub3A_244, %sign3A_247 : i32
        %sign3A_249 = arith.extui %sign3A_248 : i1 to i32
        %sign3A_250 = arith.constant 0 : i32
        %sign3A_251 = arith.cmpi slt, %sub3A_244, %sign3A_250 : i32
        %sign3A_252 = arith.extui %sign3A_251 : i1 to i32
        %sign3A_253 = arith.subi %sign3A_249, %sign3A_252 : i32
        %sign3A_254 = arith.constant 0 : i32
        %sign3A_255 = arith.cmpi sgt, %jit3A_245, %sign3A_254 : i32
        %sign3A_256 = arith.extui %sign3A_255 : i1 to i32
        %sign3A_257 = arith.constant 0 : i32
        %sign3A_258 = arith.cmpi slt, %jit3A_245, %sign3A_257 : i32
        %sign3A_259 = arith.extui %sign3A_258 : i1 to i32
        %sign3A_260 = arith.subi %sign3A_256, %sign3A_259 : i32
        %ne3A_261 = arith.cmpi ne, %sign3A_253, %sign3A_260 : i32
        %rem3A_262 = arith.remsi %sub3A_244, %jit3A_245 : i32
        %ne3A_263 = arith.constant 0 : i32
        %ne3A_264 = arith.cmpi ne, %rem3A_262, %ne3A_263 : i32
        %and3A_265 = arith.andi %ne3A_261, %ne3A_264 : i1
        %sub3A_266 = arith.constant 1 : i32
        %sub3A_267 = arith.subi %div3A_246, %sub3A_266 : i32
        %select_n3A_268 = arith.select %and3A_265, %sub3A_267, %div3A_246 : i32
        %while3A_269 = arith.constant 0 : i32
        %while3A_270 = arith.constant 0 : i32
        %while3A_271 = arith.subi %select_n3A_268, %while3A_270 : i32
        %while3A_272 = arith.addi %while3A_270, %while3A_271 : i32
        %while3A_273 = arith.constant 1 : i32
        %while3A_274 = arith.divsi %while3A_271, %while3A_273 : i32
        %while3A_275 = arith.muli %while3A_274, %while3A_273 : i32
        %while3A_276 = arith.addi %while3A_270, %while3A_275 : i32
        %while3A_277 = arith.constant 1 : i32
        scf.for %while3A_329 = %while3A_270 to %while3A_276 step %while3A_277  : i32 {
          %mul3A_330 = arith.constant 16 : i32
          %mul3A_331 = arith.muli %while3A_329, %mul3A_330 : i32
          %get3A = arith.index_cast %mul3A_331 : i32 to index
          %get3A_332 = tpu.vector_load %arg10[%get3A] {strides = array<i32>} : memref<4112xi32, #tpu.memory_space<vmem>>, vector<16xi32>,
          %iota3A = tpu.iota {dimensions = array<i32: 0>} : vector<16xi32>
          %add3A_333 = vector.broadcast %mul3A_331 : i32 to vector<16xi32>
          %add3A_334 = arith.addi %iota3A, %add3A_333 : vector<16xi32>
          %lt3A = vector.broadcast %scan3A_93#1 : i32 to vector<16xi32>
          %lt3A_335 = arith.cmpi slt, %add3A_334, %lt3A : vector<16xi32>
          %and3A_336 = arith.constant 131071 : i32
          %and3A_337 = vector.broadcast %and3A_336 : i32 to vector<16xi32>
          %and3A_338 = arith.andi %get3A_332, %and3A_337 : vector<16xi32>
          %sub3A_339 = arith.constant 50048 : i32
          %sub3A_340 = vector.broadcast %sub3A_339 : i32 to vector<16xi32>
          %sub3A_341 = arith.subi %and3A_338, %sub3A_340 : vector<16xi32>
          %shift_right_logical3A = arith.constant 17 : i32
          %shift_right_logical3A_342 = vector.broadcast %shift_right_logical3A : i32 to vector<16xi32>
          %shift_right_logical3A_343 = arith.shrui %get3A_332, %shift_right_logical3A_342 : vector<16xi32>
          %gather3A = tpu.vector_load_idx %arg8[%sub3A_341] masked %lt3A_335 : memref<49952xf32, #tpu.memory_space<vmem>>[vector<16xi32>], vector<16xf32>, vector<16xi1>
          tpu.vector_store_idx %arg14[%shift_right_logical3A_343], %gather3A masked %lt3A_335 : memref<4096xf32, #tpu.memory_space<vmem>>[vector<16xi32>], vector<16xf32>, vector<16xi1>
        }
        %while3A_278 = arith.constant 1 : i32
        scf.for %while3A_329 = %while3A_276 to %while3A_272 step %while3A_278  : i32 {
          %mul3A_330 = arith.constant 16 : i32
          %mul3A_331 = arith.muli %while3A_329, %mul3A_330 : i32
          %get3A = arith.index_cast %mul3A_331 : i32 to index
          %get3A_332 = tpu.vector_load %arg10[%get3A] {strides = array<i32>} : memref<4112xi32, #tpu.memory_space<vmem>>, vector<16xi32>,
          %iota3A = tpu.iota {dimensions = array<i32: 0>} : vector<16xi32>
          %add3A_333 = vector.broadcast %mul3A_331 : i32 to vector<16xi32>
          %add3A_334 = arith.addi %iota3A, %add3A_333 : vector<16xi32>
          %lt3A = vector.broadcast %scan3A_93#1 : i32 to vector<16xi32>
          %lt3A_335 = arith.cmpi slt, %add3A_334, %lt3A : vector<16xi32>
          %and3A_336 = arith.constant 131071 : i32
          %and3A_337 = vector.broadcast %and3A_336 : i32 to vector<16xi32>
          %and3A_338 = arith.andi %get3A_332, %and3A_337 : vector<16xi32>
          %sub3A_339 = arith.constant 50048 : i32
          %sub3A_340 = vector.broadcast %sub3A_339 : i32 to vector<16xi32>
          %sub3A_341 = arith.subi %and3A_338, %sub3A_340 : vector<16xi32>
          %shift_right_logical3A = arith.constant 17 : i32
          %shift_right_logical3A_342 = vector.broadcast %shift_right_logical3A : i32 to vector<16xi32>
          %shift_right_logical3A_343 = arith.shrui %get3A_332, %shift_right_logical3A_342 : vector<16xi32>
          %gather3A = tpu.vector_load_idx %arg8[%sub3A_341] masked %lt3A_335 : memref<49952xf32, #tpu.memory_space<vmem>>[vector<16xi32>], vector<16xf32>, vector<16xi1>
          tpu.vector_store_idx %arg14[%shift_right_logical3A_343], %gather3A masked %lt3A_335 : memref<4096xf32, #tpu.memory_space<vmem>>[vector<16xi32>], vector<16xf32>, vector<16xi1>
        }
        %add3A_279 = arith.constant 16 : i32
        %add3A_280 = arith.addi %scan3A_101#1, %add3A_279 : i32
        %sub3A_281 = arith.constant 1 : i32
        %sub3A_282 = arith.subi %add3A_280, %sub3A_281 : i32
        %jit3A_283 = arith.constant 16 : i32
        %div3A_284 = arith.divsi %sub3A_282, %jit3A_283 : i32
        %sign3A_285 = arith.constant 0 : i32
        %sign3A_286 = arith.cmpi sgt, %sub3A_282, %sign3A_285 : i32
        %sign3A_287 = arith.extui %sign3A_286 : i1 to i32
        %sign3A_288 = arith.constant 0 : i32
        %sign3A_289 = arith.cmpi slt, %sub3A_282, %sign3A_288 : i32
        %sign3A_290 = arith.extui %sign3A_289 : i1 to i32
        %sign3A_291 = arith.subi %sign3A_287, %sign3A_290 : i32
        %sign3A_292 = arith.constant 0 : i32
        %sign3A_293 = arith.cmpi sgt, %jit3A_283, %sign3A_292 : i32
        %sign3A_294 = arith.extui %sign3A_293 : i1 to i32
        %sign3A_295 = arith.constant 0 : i32
        %sign3A_296 = arith.cmpi slt, %jit3A_283, %sign3A_295 : i32
        %sign3A_297 = arith.extui %sign3A_296 : i1 to i32
        %sign3A_298 = arith.subi %sign3A_294, %sign3A_297 : i32
        %ne3A_299 = arith.cmpi ne, %sign3A_291, %sign3A_298 : i32
        %rem3A_300 = arith.remsi %sub3A_282, %jit3A_283 : i32
        %ne3A_301 = arith.constant 0 : i32
        %ne3A_302 = arith.cmpi ne, %rem3A_300, %ne3A_301 : i32
        %and3A_303 = arith.andi %ne3A_299, %ne3A_302 : i1
        %sub3A_304 = arith.constant 1 : i32
        %sub3A_305 = arith.subi %div3A_284, %sub3A_304 : i32
        %select_n3A_306 = arith.select %and3A_303, %sub3A_305, %div3A_284 : i32
        %while3A_307 = arith.constant 0 : i32
        %while3A_308 = arith.constant 0 : i32
        %while3A_309 = arith.subi %select_n3A_306, %while3A_308 : i32
        %while3A_310 = arith.addi %while3A_308, %while3A_309 : i32
        %while3A_311 = arith.constant 1 : i32
        %while3A_312 = arith.divsi %while3A_309, %while3A_311 : i32
        %while3A_313 = arith.muli %while3A_312, %while3A_311 : i32
        %while3A_314 = arith.addi %while3A_308, %while3A_313 : i32
        %while3A_315 = arith.constant 1 : i32
        scf.for %while3A_329 = %while3A_308 to %while3A_314 step %while3A_315  : i32 {
          %mul3A_330 = arith.constant 16 : i32
          %mul3A_331 = arith.muli %while3A_329, %mul3A_330 : i32
          %get3A = arith.index_cast %mul3A_331 : i32 to index
          %get3A_332 = tpu.vector_load %arg12[%get3A] {strides = array<i32>} : memref<4112xi32, #tpu.memory_space<vmem>>, vector<16xi32>,
          %iota3A = tpu.iota {dimensions = array<i32: 0>} : vector<16xi32>
          %add3A_333 = vector.broadcast %mul3A_331 : i32 to vector<16xi32>
          %add3A_334 = arith.addi %iota3A, %add3A_333 : vector<16xi32>
          %lt3A = vector.broadcast %scan3A_101#1 : i32 to vector<16xi32>
          %lt3A_335 = arith.cmpi slt, %add3A_334, %lt3A : vector<16xi32>
          %and3A_336 = arith.constant 131071 : i32
          %and3A_337 = vector.broadcast %and3A_336 : i32 to vector<16xi32>
          %and3A_338 = arith.andi %get3A_332, %and3A_337 : vector<16xi32>
          %sub3A_339 = arith.constant 50048 : i32
          %sub3A_340 = vector.broadcast %sub3A_339 : i32 to vector<16xi32>
          %sub3A_341 = arith.subi %and3A_338, %sub3A_340 : vector<16xi32>
          %shift_right_logical3A = arith.constant 17 : i32
          %shift_right_logical3A_342 = vector.broadcast %shift_right_logical3A : i32 to vector<16xi32>
          %shift_right_logical3A_343 = arith.shrui %get3A_332, %shift_right_logical3A_342 : vector<16xi32>
          %gather3A = tpu.vector_load_idx %arg8[%sub3A_341] masked %lt3A_335 : memref<49952xf32, #tpu.memory_space<vmem>>[vector<16xi32>], vector<16xf32>, vector<16xi1>
          tpu.vector_store_idx %arg15[%shift_right_logical3A_343], %gather3A masked %lt3A_335 : memref<4096xf32, #tpu.memory_space<vmem>>[vector<16xi32>], vector<16xf32>, vector<16xi1>
        }
        %while3A_316 = arith.constant 1 : i32
        scf.for %while3A_329 = %while3A_314 to %while3A_310 step %while3A_316  : i32 {
          %mul3A_330 = arith.constant 16 : i32
          %mul3A_331 = arith.muli %while3A_329, %mul3A_330 : i32
          %get3A = arith.index_cast %mul3A_331 : i32 to index
          %get3A_332 = tpu.vector_load %arg12[%get3A] {strides = array<i32>} : memref<4112xi32, #tpu.memory_space<vmem>>, vector<16xi32>,
          %iota3A = tpu.iota {dimensions = array<i32: 0>} : vector<16xi32>
          %add3A_333 = vector.broadcast %mul3A_331 : i32 to vector<16xi32>
          %add3A_334 = arith.addi %iota3A, %add3A_333 : vector<16xi32>
          %lt3A = vector.broadcast %scan3A_101#1 : i32 to vector<16xi32>
          %lt3A_335 = arith.cmpi slt, %add3A_334, %lt3A : vector<16xi32>
          %and3A_336 = arith.constant 131071 : i32
          %and3A_337 = vector.broadcast %and3A_336 : i32 to vector<16xi32>
          %and3A_338 = arith.andi %get3A_332, %and3A_337 : vector<16xi32>
          %sub3A_339 = arith.constant 50048 : i32
          %sub3A_340 = vector.broadcast %sub3A_339 : i32 to vector<16xi32>
          %sub3A_341 = arith.subi %and3A_338, %sub3A_340 : vector<16xi32>
          %shift_right_logical3A = arith.constant 17 : i32
          %shift_right_logical3A_342 = vector.broadcast %shift_right_logical3A : i32 to vector<16xi32>
          %shift_right_logical3A_343 = arith.shrui %get3A_332, %shift_right_logical3A_342 : vector<16xi32>
          %gather3A = tpu.vector_load_idx %arg8[%sub3A_341] masked %lt3A_335 : memref<49952xf32, #tpu.memory_space<vmem>>[vector<16xi32>], vector<16xf32>, vector<16xi1>
          tpu.vector_store_idx %arg15[%shift_right_logical3A_343], %gather3A masked %lt3A_335 : memref<4096xf32, #tpu.memory_space<vmem>>[vector<16xi32>], vector<16xf32>, vector<16xi1>
        }
        %dma_start3A_317 = arith.constant 0 : i32
        %dma_start3A_318 = tpu.memref_slice %arg5[%while3A_120, %dma_start3A_317] : memref<1664x4096xf32, #tpu.memory_space<hbm>> -> memref<1x4096xf32, #tpu.memory_space<hbm>>
        %dma_start3A_319 = tpu.memref_squeeze %dma_start3A_318 : memref<1x4096xf32, #tpu.memory_space<hbm>> -> memref<4096xf32, #tpu.memory_space<hbm>>
        %dma_start3A_320 = arith.constant 0 : i32
        %dma_start3A_321 = tpu.memref_slice %arg5[%while3A_120, %dma_start3A_320] : memref<1664x4096xf32, #tpu.memory_space<hbm>> -> memref<1x4096xf32, #tpu.memory_space<hbm>>
        %dma_start3A_322 = tpu.memref_squeeze %dma_start3A_321 : memref<1x4096xf32, #tpu.memory_space<hbm>> -> memref<4096xf32, #tpu.memory_space<hbm>>
        tpu.enqueue_dma source(%arg14 : memref<4096xf32, #tpu.memory_space<vmem>>) target(%dma_start3A_322 : memref<4096xf32, #tpu.memory_space<hbm>>) target_semaphore(%arg18 : memref<!tpu.dma_semaphore, #tpu.memory_space<semaphore_mem>>)
        %dma_start3A_323 = arith.constant 0 : i32
        %dma_start3A_324 = tpu.memref_slice %arg6[%while3A_120, %dma_start3A_323] : memref<1664x4096xf32, #tpu.memory_space<hbm>> -> memref<1x4096xf32, #tpu.memory_space<hbm>>
        %dma_start3A_325 = tpu.memref_squeeze %dma_start3A_324 : memref<1x4096xf32, #tpu.memory_space<hbm>> -> memref<4096xf32, #tpu.memory_space<hbm>>
        %dma_start3A_326 = arith.constant 0 : i32
        %dma_start3A_327 = tpu.memref_slice %arg6[%while3A_120, %dma_start3A_326] : memref<1664x4096xf32, #tpu.memory_space<hbm>> -> memref<1x4096xf32, #tpu.memory_space<hbm>>
        %dma_start3A_328 = tpu.memref_squeeze %dma_start3A_327 : memref<1x4096xf32, #tpu.memory_space<hbm>> -> memref<4096xf32, #tpu.memory_space<hbm>>
        tpu.enqueue_dma source(%arg15 : memref<4096xf32, #tpu.memory_space<vmem>>) target(%dma_start3A_328 : memref<4096xf32, #tpu.memory_space<hbm>>) target_semaphore(%arg18 : memref<!tpu.dma_semaphore, #tpu.memory_space<semaphore_mem>>)
      }
    }
    %dma_wait3A = arith.constant 0 : i32
    %dma_wait3A_66 = tpu.memref_slice %arg2[%sub3A_5, %dma_wait3A] : memref<1664x100000xf32, #tpu.memory_space<hbm>> -> memref<1x100000xf32, #tpu.memory_space<hbm>>
    %dma_wait3A_67 = tpu.memref_squeeze %dma_wait3A_66 : memref<1x100000xf32, #tpu.memory_space<hbm>> -> memref<100000xf32, #tpu.memory_space<hbm>>
    %dma_wait3A_68 = arith.constant 0 : i32
    %dma_wait3A_69 = tpu.memref_slice %dma_wait3A_67[%dma_wait3A_68] : memref<100000xf32, #tpu.memory_space<hbm>> -> memref<50048xf32, #tpu.memory_space<hbm>>
    %dma_wait3A_70 = arith.constant 0 : i32
    %dma_wait3A_71 = tpu.memref_slice %arg2[%sub3A_5, %dma_wait3A_70] : memref<1664x100000xf32, #tpu.memory_space<hbm>> -> memref<1x100000xf32, #tpu.memory_space<hbm>>
    %dma_wait3A_72 = tpu.memref_squeeze %dma_wait3A_71 : memref<1x100000xf32, #tpu.memory_space<hbm>> -> memref<100000xf32, #tpu.memory_space<hbm>>
    %dma_wait3A_73 = arith.constant 0 : i32
    %dma_wait3A_74 = tpu.memref_slice %dma_wait3A_72[%dma_wait3A_73] : memref<100000xf32, #tpu.memory_space<hbm>> -> memref<50048xf32, #tpu.memory_space<hbm>>
    tpu.wait_dma2 semaphore(%arg16 : memref<!tpu.dma_semaphore, #tpu.memory_space<semaphore_mem>>) src(%dma_wait3A_74 : memref<50048xf32, #tpu.memory_space<hbm>>) dst(%arg7 : memref<50048xf32, #tpu.memory_space<vmem>>)
    %dma_wait3A_75 = arith.constant 0 : i32
    %dma_wait3A_76 = tpu.memref_slice %arg5[%sub3A_5, %dma_wait3A_75] : memref<1664x4096xf32, #tpu.memory_space<hbm>> -> memref<1x4096xf32, #tpu.memory_space<hbm>>
    %dma_wait3A_77 = tpu.memref_squeeze %dma_wait3A_76 : memref<1x4096xf32, #tpu.memory_space<hbm>> -> memref<4096xf32, #tpu.memory_space<hbm>>
    %dma_wait3A_78 = arith.constant 0 : i32
    %dma_wait3A_79 = tpu.memref_slice %arg5[%sub3A_5, %dma_wait3A_78] : memref<1664x4096xf32, #tpu.memory_space<hbm>> -> memref<1x4096xf32, #tpu.memory_space<hbm>>
    %dma_wait3A_80 = tpu.memref_squeeze %dma_wait3A_79 : memref<1x4096xf32, #tpu.memory_space<hbm>> -> memref<4096xf32, #tpu.memory_space<hbm>>
    tpu.wait_dma2 semaphore(%arg18 : memref<!tpu.dma_semaphore, #tpu.memory_space<semaphore_mem>>) src(%dma_wait3A_80 : memref<4096xf32, #tpu.memory_space<hbm>>) dst(%arg14 : memref<4096xf32, #tpu.memory_space<vmem>>)
    %dma_wait3A_81 = arith.constant 0 : i32
    %dma_wait3A_82 = tpu.memref_slice %arg6[%sub3A_5, %dma_wait3A_81] : memref<1664x4096xf32, #tpu.memory_space<hbm>> -> memref<1x4096xf32, #tpu.memory_space<hbm>>
    %dma_wait3A_83 = tpu.memref_squeeze %dma_wait3A_82 : memref<1x4096xf32, #tpu.memory_space<hbm>> -> memref<4096xf32, #tpu.memory_space<hbm>>
    %dma_wait3A_84 = arith.constant 0 : i32
    %dma_wait3A_85 = tpu.memref_slice %arg6[%sub3A_5, %dma_wait3A_84] : memref<1664x4096xf32, #tpu.memory_space<hbm>> -> memref<1x4096xf32, #tpu.memory_space<hbm>>
    %dma_wait3A_86 = tpu.memref_squeeze %dma_wait3A_85 : memref<1x4096xf32, #tpu.memory_space<hbm>> -> memref<4096xf32, #tpu.memory_space<hbm>>
    tpu.wait_dma2 semaphore(%arg18 : memref<!tpu.dma_semaphore, #tpu.memory_space<semaphore_mem>>) src(%dma_wait3A_86 : memref<4096xf32, #tpu.memory_space<hbm>>) dst(%arg15 : memref<4096xf32, #tpu.memory_space<vmem>>)
    return
  }
}

module attributes {stable_mosaic.version = 14 : i64} {
  func.func @_tc_body(%arg0: i32, %arg1: memref<1664x256xf32, #tpu.memory_space<vmem>>, %arg2: memref<1664x256xf32, #tpu.memory_space<vmem>>, %arg3: memref<1664x256xi8, #tpu.memory_space<vmem>>, %arg4: memref<256x13xf32, #tpu.memory_space<vmem>>, %arg5: memref<256x13xf32, #tpu.memory_space<vmem>>, %arg6: memref<256x13xf32, #tpu.memory_space<vmem>>, %arg7: memref<1664x512xf32, #tpu.memory_space<vmem>>, %arg8: memref<13x512xf32, #tpu.memory_space<vmem>>, %arg9: memref<1x512xf32, #tpu.memory_space<vmem>>, %arg10: memref<256x512xf32, #tpu.memory_space<vmem>>) attributes {dimension_semantics = [#tpu.dimension_semantics<arbitrary>], iteration_bounds = array<i64: 16>, scalar_prefetch = 0 : i64, scratch_operands = 0 : i64, tpu.core_type = #tpu.core_type<tc>, window_params = [{transform_indices = @transform_0, window_bounds = array<i64: 1664, 256>}, {transform_indices = @transform_1, window_bounds = array<i64: 1664, 256>}, {transform_indices = @transform_2, window_bounds = array<i64: 1664, 256>}, {transform_indices = @transform_3, window_bounds = array<i64: 256, 13>}, {transform_indices = @transform_4, window_bounds = array<i64: 256, 13>}, {transform_indices = @transform_5, window_bounds = array<i64: 256, 13>}, {pipeline_mode = #tpu.pipeline_mode<synchronous>, transform_indices = @transform_6, window_bounds = array<i64: 1664, 512>}, {pipeline_mode = #tpu.pipeline_mode<synchronous>, transform_indices = @transform_7, window_bounds = array<i64: 13, 512>}, {pipeline_mode = #tpu.pipeline_mode<synchronous>, transform_indices = @transform_8, window_bounds = array<i64: 1, 512>}, {transform_indices = @transform_9, window_bounds = array<i64: 256, 512>}]} {
    %get3A = arith.constant 0 : index
    %get3A_0 = arith.constant 0 : index
    %get3A_1 = vector.load %arg3[%get3A, %get3A_0] : memref<1664x256xi8, #tpu.memory_space<vmem>>, vector<1664x256xi8>
    %ne3A = arith.constant 0 : i8
    %ne3A_2 = vector.broadcast %ne3A : i8 to vector<1664x256xi8>
    %ne3A_3 = arith.cmpi ne, %get3A_1, %ne3A_2 : vector<1664x256xi8>
    %get3A_4 = arith.constant 0 : index
    %get3A_5 = arith.constant 0 : index
    %get3A_6 = vector.load %arg2[%get3A_4, %get3A_5] : memref<1664x256xf32, #tpu.memory_space<vmem>>, vector<1664x256xf32>
    %get3A_7 = arith.constant 0 : index
    %get3A_8 = arith.constant 0 : index
    %get3A_9 = vector.load %arg1[%get3A_7, %get3A_8] : memref<1664x256xf32, #tpu.memory_space<vmem>>, vector<1664x256xf32>
    %select_n3A = arith.select %ne3A_3, %get3A_6, %get3A_9 : vector<1664x256xi1>, vector<1664x256xf32>
    %get3A_10 = arith.constant 0 : index
    %get3A_11 = arith.constant 0 : index
    %get3A_12 = vector.load %arg6[%get3A_10, %get3A_11] : memref<256x13xf32, #tpu.memory_space<vmem>>, vector<256x13xf32>
    %ne3A_13 = arith.constant 0.000000e+00 : f32
    %ne3A_14 = vector.broadcast %ne3A_13 : f32 to vector<256x13xf32>
    %ne3A_15 = arith.cmpf one, %get3A_12, %ne3A_14 : vector<256x13xf32>
    %get3A_16 = arith.constant 0 : index
    %get3A_17 = arith.constant 0 : index
    %get3A_18 = vector.load %arg5[%get3A_16, %get3A_17] : memref<256x13xf32, #tpu.memory_space<vmem>>, vector<256x13xf32>
    %get3A_19 = arith.constant 0 : index
    %get3A_20 = arith.constant 0 : index
    %get3A_21 = vector.load %arg4[%get3A_19, %get3A_20] : memref<256x13xf32, #tpu.memory_space<vmem>>, vector<256x13xf32>
    %select_n3A_22 = arith.select %ne3A_15, %get3A_18, %get3A_21 : vector<256x13xi1>, vector<256x13xf32>
    %get3A_23 = arith.constant 0 : index
    %get3A_24 = arith.constant 0 : index
    %get3A_25 = vector.load %arg7[%get3A_23, %get3A_24] : memref<1664x512xf32, #tpu.memory_space<vmem>>, vector<1664x512xf32>
    %dot_general3A = arith.constant dense<0.000000e+00> : vector<256x512xf32>
    %dot_general3A_26 = tpu.matmul %select_n3A, %get3A_25, %dot_general3A {dimension_numbers = #tpu.dot_dimension_numbers<[0], [0], [1], [1], [0, 1, 1, 1], [], []>, transpose_lhs_hint = false} : vector<1664x256xf32>, vector<1664x512xf32>, vector<256x512xf32> -> vector<256x512xf32>
    %get3A_27 = arith.constant 0 : index
    %get3A_28 = arith.constant 0 : index
    %get3A_29 = vector.load %arg8[%get3A_27, %get3A_28] : memref<13x512xf32, #tpu.memory_space<vmem>>, vector<13x512xf32>
    %dot_general3A_30 = arith.constant dense<0.000000e+00> : vector<256x512xf32>
    %dot_general3A_31 = tpu.matmul %select_n3A_22, %get3A_29, %dot_general3A_30 {dimension_numbers = #tpu.dot_dimension_numbers<[1], [0], [0], [1], [0, 0, 1, 1], [], []>, transpose_lhs_hint = false} : vector<256x13xf32>, vector<13x512xf32>, vector<256x512xf32> -> vector<256x512xf32>
    %add3A = arith.addf %dot_general3A_26, %dot_general3A_31 : vector<256x512xf32>
    %get3A_32 = arith.constant 0 : index
    %get3A_33 = arith.constant 0 : index
    %get3A_34 = vector.load %arg9[%get3A_32, %get3A_33] : memref<1x512xf32, #tpu.memory_space<vmem>>, vector<1x512xf32>
    %add3A_35 = vector.broadcast %get3A_34 : vector<1x512xf32> to vector<256x512xf32>
    %add3A_36 = arith.addf %add3A, %add3A_35 : vector<256x512xf32>
    %max3A = arith.constant 0.000000e+00 : f32
    %max3A_37 = vector.broadcast %max3A : f32 to vector<256x512xf32>
    %max3A_38 = arith.maximumf %add3A_36, %max3A_37 : vector<256x512xf32>
    %swap3A = arith.constant 0 : index
    %swap3A_39 = arith.constant 0 : index
    %swap3A_40 = vector.load %arg10[%swap3A, %swap3A_39] : memref<256x512xf32, #tpu.memory_space<vmem>>, vector<256x512xf32>
    tpu.vector_store %arg10[%swap3A, %swap3A_39], %max3A_38 {strides = array<i32>} : memref<256x512xf32, #tpu.memory_space<vmem>>, vector<256x512xf32>,
    return
  }
  func.func @transform_0(%arg0: i32) -> (i32, i32) {
    %c0_i32 = arith.constant 0 : i32
    %c0_i32_0 = arith.constant 0 : i32
    return %c0_i32, %arg0 : i32, i32
  }
  func.func @transform_1(%arg0: i32) -> (i32, i32) {
    %c0_i32 = arith.constant 0 : i32
    %c0_i32_0 = arith.constant 0 : i32
    return %c0_i32, %arg0 : i32, i32
  }
  func.func @transform_2(%arg0: i32) -> (i32, i32) {
    %c0_i32 = arith.constant 0 : i32
    %c0_i32_0 = arith.constant 0 : i32
    return %c0_i32, %arg0 : i32, i32
  }
  func.func @transform_3(%arg0: i32) -> (i32, i32) {
    %c0_i32 = arith.constant 0 : i32
    %c0_i32_0 = arith.constant 0 : i32
    return %arg0, %c0_i32 : i32, i32
  }
  func.func @transform_4(%arg0: i32) -> (i32, i32) {
    %c0_i32 = arith.constant 0 : i32
    %c0_i32_0 = arith.constant 0 : i32
    return %arg0, %c0_i32 : i32, i32
  }
  func.func @transform_5(%arg0: i32) -> (i32, i32) {
    %c0_i32 = arith.constant 0 : i32
    %c0_i32_0 = arith.constant 0 : i32
    return %arg0, %c0_i32 : i32, i32
  }
  func.func @transform_6(%arg0: i32) -> (i32, i32) {
    %c0_i32 = arith.constant 0 : i32
    %c0_i32_0 = arith.constant 0 : i32
    %c0_i32_1 = arith.constant 0 : i32
    return %c0_i32, %c0_i32_0 : i32, i32
  }
  func.func @transform_7(%arg0: i32) -> (i32, i32) {
    %c0_i32 = arith.constant 0 : i32
    %c0_i32_0 = arith.constant 0 : i32
    %c0_i32_1 = arith.constant 0 : i32
    return %c0_i32, %c0_i32_0 : i32, i32
  }
  func.func @transform_8(%arg0: i32) -> (i32, i32) {
    %c0_i32 = arith.constant 0 : i32
    %c0_i32_0 = arith.constant 0 : i32
    %c0_i32_1 = arith.constant 0 : i32
    return %c0_i32, %c0_i32_0 : i32, i32
  }
  func.func @transform_9(%arg0: i32) -> (i32, i32) {
    %c0_i32 = arith.constant 0 : i32
    %c0_i32_0 = arith.constant 0 : i32
    return %arg0, %c0_i32 : i32, i32
  }
}

</mosaic_0001>

<sc_bundles>
// kernel: gather_offload_async_start.1
scs
__scs_entry_jumppad:
0x0: {  	(pc) =	sbr.rel $0x88, $3  }
0x1: {  	(tag) =	ssettag $0x0;
	lr =	simm.s32 $0x1  }
0x2: {  	[smem:$0x3F9C] =	sst lr;
	_ =	strace $0xD0000000  }
0x3: {  	_ = 	snop  }
0x4: {  	_ = 	snop  }
0x5: {  	_ = 	snop  }
0x6: {  	_ = 	snop  }
0x7: {  	_ = 	snop  }
__scs_overlays_trampoline_lowered:
0x8: {  	[smem:$0x3FAB] =	sst s0  }
0x9: {  	[smem:$0x3FAC] =	sst s1  }
0xa: {  	[smem:$0x3FAD] =	sst s2  }
0xb: {  	[smem:$0x3FAE] =	sst s3  }
0xc: {  	[smem:$0x3FAF] =	sst s4  }
0xd: {  	[smem:$0x3FB0] =	sst s5  }
0xe: {  	[smem:$0x3FB1] =	sst s6  }
0xf: {  	[smem:$0x3FB2] =	sst s7  }
0x10: {  	[smem:$0x3FB3] =	sst s8  }
0x11: {  	[smem:$0x3FB4] =	sst s9;
	s0 =	simm.s32 @!p0 $0x0  }
0x12: {  	s1 =	sld [smem:$0x3F9A];
	s0 =	simm.s32 @p0 $0x1  }
0x13: {  	[smem:$0x3FB5] =	sst s0;
	s0 =	simm.s32 @!p1 $0x0  }
0x14: {  	s2 =	sld [smem:$0x3F99];
	s0 =	simm.s32 @p1 $0x1  }
0x15: {  	[smem:$0x3FB6] =	sst s0;
	s0 =	simm.s32 @!p2 $0x0  }
0x16: {  	s3 =	sld [smem:$0x3FDB];
	s0 =	simm.s32 @p2 $0x1  }
0x17: {  	s4 =	simm.s32 $0x1BF5;
	[smem:$0x3FB8] =	sst s0  }
0x18: {  	s0 =	sld [smem:$0x3F9B];
	_ =	swait.ge [sflag:s4], $0x0  }
0x19: {  	s7 =	sld [smem:$0x3F9C]  }
0x1a: {  	s8 =	sadd.s32 $0xFFFFE003, lr  }
0x1b: {  	s9 =	sadd.s32 $0xFFFFFEF7, lr;
	s5 =	simm.s32 $0xFFFFFFFF;
	p2 =	slt.u32 s8, $0xFFFFF086  }
0x1c: {  	p1 =	slt.u32 s9, $0xF7A;
	s5 =	simm.s32 @!p2 $0x0  }
0x1d: {  	s5 =	simm.s32 @p1 $0x1;
	p0 =	seq.s32 s7, s2  }
0x1e: {  	s7 =	smul.u32 @!p0 $0xF7A, s2;
	p2 =	seq.s32 @!p0 s5, $0x0  }
0x1f: {  	s9 =	smul.u32 $0xF7A, s1;
	s8 =	simm.s32 @!p0 $0x1BF5;
	p2 =	por !p2, p0  }
0x20: {  	[sflag:s8] =	ssyncset.s32 @!p0 $0xFFFFF086;
	s6 =	sadd.s32 @!p0 s3, s7;
	s7 =	simm.s32 @!p0 $0x108  }
0x21: {  	s3 =	sadd.s32 s3, s9;
	s6 =	sadd.s32 @!p0 $0x88, s6;
	s7 =	simm.s32 @p2 $0x1082  }
0x22: {  	[simem:s7], [sflag:s8] =	dma.local @!p0 [hbm:s6], $0xF7A  }
0x23: {  	s9 =	sor.u32 $0xD0000000, s2;
	s6 =	simm.s32 $0x108;
	_ =	swait.ge @!p0 [sflag:s8], $0x0  }
0x24: {  	s3 =	sadd.s32 $0x88, s3;
	s6 =	simm.s32 @!p1 $0x1082;
	[sflag:s4] =	ssyncset.s32 $0xFFFFF086  }
0x25: {  	[simem:s6], [sflag:s4] =	dma.local [hbm:s3], $0xF7A  }
0x26: {  	[smem:$0x3F9C] =	sst s1;
	(tag) =	ssettag s2;
	_ =	strace s9  }
0x27: {  	s1 =	sld [smem:$0x3FAC]  }
0x28: {  	s2 =	sld [smem:$0x3FAD]  }
0x29: {  	s4 =	sld [smem:$0x3FAF]  }
0x2a: {  	p0 =	seq.s32 s5, $0x0;
	s5 =	sld [smem:$0x3FB0]  }
0x2b: {  	s6 =	sld [smem:$0x3FB1]  }
0x2c: {  	s7 =	sld [smem:$0x3FB2]  }
0x2d: {  	s3 =	simm.s32 $0x108;
	s8 =	sld [smem:$0x3FB3]  }
0x2e: {  	s3 =	simm.s32 @!p0 $0x1082;
	s9 =	sld [smem:$0x3FB4]  }
0x2f: {  	lr =	sadd.s32 s0, s3;
	s0 =	sld [smem:$0x3FAB]  }
0x30: {  	s3 =	sld [smem:$0x3FAE]  }
0x31: {  	[smem:$0x3FB7] =	sst s10  }
0x32: {  	s10 =	sld [smem:$0x3FB5];
	_ =	sdelay $0x3  }
0x33: {  	p0 =	seq.s32 s10, $0x1;
	s10 =	sld [smem:$0x3FB7];
	_ =	sdelay $0x3  }
0x34: {  	[smem:$0x3FB7] =	sst s10  }
0x35: {  	s10 =	sld [smem:$0x3FB6];
	_ =	sdelay $0x3  }
0x36: {  	p1 =	seq.s32 s10, $0x1;
	s10 =	sld [smem:$0x3FB7];
	_ =	sdelay $0x3  }
0x37: {  	[smem:$0x3FB7] =	sst s10  }
0x38: {  	s10 =	sld [smem:$0x3FB8]  }
0x39: {  	_ = 	snop;
	(pc) =	sbr.ind lr, $3  }
0x3a: {  	_ = 	snop  }
0x3b: {  	_ = 	snop  }
0x3c: {  	p2 =	seq.s32 s10, $0x1;
	s10 =	sld [smem:$0x3FB7]  }
0x3d: {  	_ =	shalt  }
0x3e: {  	_ =	shalt  }
0x3f: {  	_ =	shalt  }
0x40: {  	_ =	shalt  }
0x41: {  	_ =	shalt  }
0x42: {  	_ =	shalt  }
0x43: {  	_ =	shalt  }
0x44: {  	_ =	shalt  }
0x45: {  	_ =	shalt  }
0x46: {  	_ =	shalt  }
0x47: {  	_ =	shalt  }
0x48: {  	_ =	shalt  }
0x49: {  	_ =	shalt  }
0x4a: {  	_ =	shalt  }
0x4b: {  	_ =	shalt  }
0x4c: {  	_ =	shalt  }
0x4d: {  	_ =	shalt  }
0x4e: {  	_ =	shalt  }
0x4f: {  	_ =	shalt  }
0x50: {  	_ =	shalt  }
0x51: {  	_ =	shalt  }
0x52: {  	_ =	shalt  }
0x53: {  	_ =	shalt  }
0x54: {  	_ =	shalt  }
0x55: {  	_ =	shalt  }
0x56: {  	_ =	shalt  }
0x57: {  	_ =	shalt  }
0x58: {  	_ =	shalt  }
0x59: {  	_ =	shalt  }
0x5a: {  	_ =	shalt  }
0x5b: {  	_ =	shalt  }
0x5c: {  	_ =	shalt  }
0x5d: {  	_ =	shalt  }
0x5e: {  	_ =	shalt  }
0x5f: {  	_ =	shalt  }
0x60: {  	_ =	shalt  }
0x61: {  	_ =	shalt  }
0x62: {  	_ =	shalt  }
0x63: {  	_ =	shalt  }
0x64: {  	_ =	shalt  }
0x65: {  	_ =	shalt  }
0x66: {  	_ =	shalt  }
0x67: {  	_ =	shalt  }
0x68: {  	_ =	shalt  }
0x69: {  	_ =	shalt  }
0x6a: {  	_ =	shalt  }
0x6b: {  	_ =	shalt  }
0x6c: {  	_ =	shalt  }
0x6d: {  	_ =	shalt  }
0x6e: {  	_ =	shalt  }
0x6f: {  	_ =	shalt  }
0x70: {  	_ =	shalt  }
0x71: {  	_ =	shalt  }
0x72: {  	_ =	shalt  }
0x73: {  	_ =	shalt  }
0x74: {  	_ =	shalt  }
0x75: {  	_ =	shalt  }
0x76: {  	_ =	shalt  }
0x77: {  	_ =	shalt  }
0x78: {  	_ =	shalt  }
0x79: {  	_ =	shalt  }
0x7a: {  	_ =	shalt  }
0x7b: {  	_ =	shalt  }
0x7c: {  	_ =	shalt  }
0x7d: {  	_ =	shalt  }
0x7e: {  	_ =	shalt  }
0x7f: {  	_ =	shalt  }
0x80: {  	_ =	shalt  }
0x81: {  	_ =	shalt  }
0x82: {  	_ =	shalt  }
0x83: {  	_ =	shalt  }
0x84: {  	_ =	shalt  }
0x85: {  	_ =	shalt  }
0x86: {  	_ =	shalt  }
0x87: {  	_ =	shalt  }
.Lfunc_end0:
.L_simem_size_0:
called_computation.1_lowered:
.L_overlay_start_0:
0x88: {  	s2 =	sld [smem:$0x3FD9]  }
0x89: {  	s3 =	sld [smem:$0x3FFE];
	_ =	sdelay $0x1  }
0x8a: {  	s1 =	srdreg.scid  }
0x8b: {  	s0 =	sand.u32 $0x1, s1  }
0x8c: {  	s17 =	sshll.u32 s0, $0xA;
	s2 =	sadd.s32 s3, s2  }
0x8d: {  	s2 =	sadd.s32 s2, s17  }
0x8e: {  	[smem:$0x3FC3] =	sst s2  }
0x8f: {  	_ = 	snop  }
0x90: {  	(tm) =	ssettm $0x1  }
0x91: {  	s18 =	sld [smem:$0x3FFB];
	_ =	sdelay $0x3  }
0x92: {  	_ =	strace s18  }
0x93: {  	s2 =	sld [smem:$0x3FFC];
	_ =	sdelay $0x3  }
0x94: {  	_ =	strace s2  }
0x95: {  	s2 =	sld [smem:$0x3FFD];
	_ =	sdelay $0x3  }
0x96: {  	_ =	strace s2  }
0x97: {  	_ =	strace $0x8FFFFFFF  }
0x98: {  	s19 =	sld [smem:$0x3FDB];
	_ =	sdelay $0x1  }
0x99: {  	s20 =	simm.s32 $_scs_section_size  }
0x9a: {  	s4 =	simm.s32 $_size__tile_overlayer_lowered;
	s5 =	simm.s32 $_tile_overlayer_lowered  }
0x9b: {  	s6 =	simm.s32 $0x1BFF;
	s21 =	sshll.u32 s5, $0x1;
	s3 =	sadd.s32 s20, s19  }
0x9c: {  	s22 =	simm.s32 $0x0;
	s4 =	sshll.u32 s4, $0x1;
	s5 =	sadd.s32 s21, s3  }
0x9d: {  	[timem:s22], [sflag:s6] =	dma.local [hbm:s5], s4  }
0x9e: {  	_ =	swait.ge [sflag:s6], s4  }
0x9f: {  	s4 =	ssub.s32 $0x0, s4;
	[sflag:s6] =	ssyncset.done $0x0  }
0xa0: {  	[sflag:s6] =	ssyncadd.s32 s4;
	_ =	sdelay $0x1  }
0xa1: {  	s23 =	simm.s32 $0x1B8B  }
0xa2: {  	_ =	swait.ge [sflag:s23], $0x1  }
0xa3: {  	[sflag:s23] =	ssyncset.done $0x0  }
0xa4: {  	[sflag:s23] =	ssyncadd.s32 $0xFFFFFFFF  }
0xa5: {  	s4 =	sld [smem:$0x0]  }
0xa6: {  	s5 =	sand.u32 $0xFFFFFFFE, s1  }
0xa7: {  	p0 =	sne.s32 s1, s5  }
0xa8: {  	s5 =	sshll.u32 @p0 s5, $0xE  }
0xa9: {  	s5 =	sadd.s32 @p0 $0x11B8D, s5;
	s6 =	sshll.u32 @p0 s4, $0x11  }
0xaa: {  	s5 =	sor.u32 @p0 s6, s5  }
0xab: {  	[sflag:s5] =	ssyncadd.remote.s32 @p0 $0x1;
	_ =	sdelay $0x1  }
0xac: {  	s5 =	simm.s32 @p0 $0x1B8D  }
0xad: {  	_ =	swait.eq @p0 [sflag:s5], $0x1  }
0xae: {  	[sflag:s5] =	ssyncadd.s32 @p0 $0xFFFFFFFF  }
0xaf: {  	s6 =	sshll.u32 @!p0 s1, $0xE  }
0xb0: {  	s6 =	sor.u32 @!p0 $0x4000, s6;
	s5 =	simm.s32 @!p0 $0x1B8D  }
0xb1: {  	s4 =	sshll.u32 @!p0 s4, $0x11;
	s6 =	sadd.s32 @!p0 $0x11B8D, s6;
	_ =	swait.eq @!p0 [sflag:s5], $0x1  }
0xb2: {  	s4 =	sor.u32 @!p0 s4, s6;
	[sflag:s5] =	ssyncadd.s32 @!p0 $0xFFFFFFFF  }
0xb3: {  	s25 =	simm.s32 $0x1B8E;
	s24 =	sld [smem:$0x3FFE];
	[sflag:s4] =	ssyncadd.remote.s32 @!p0 $0x1  }
0xb4: {  	s26 =	simm.s32 $execute0_lowered;
	[smem:$0x3FD2] =	sst s25  }
0xb5: {  	s5 =	sshll.u32 s26, $0x1;
	_ =	strace $0x80000049;
	[dreg:$0x1] =	wrdreg $0xFFFFFFFF  }
0xb6: {  	s28 =	simm.s32 $_size_execute0_lowered;
	s3 =	sadd.s32 s3, s5;
	[dreg:$0x0] =	wrdreg $0x0  }
0xb7: {  	s5 =	sshll.u32 s28, $0x1;
	[dreg:$0x2] =	wrdreg s3  }
0xb8: {  	[dreg:$0x3] =	wrdreg s5  }
0xb9: {  	[dreg:$0x4] =	wrdreg $0xC0  }
0xba: {  	_ =	task [dreg:s22], $0x5FFFF  }
0xbb: {  	[dreg:$0x1] =	wrdreg $0xFFFFFFFF  }
0xbc: {  	[dreg:$0x0] =	wrdreg $0x60  }
0xbd: {  	[dreg:$0x2] =	wrdreg s24  }
0xbe: {  	[dreg:$0x3] =	wrdreg $0x9  }
0xbf: {  	_ =	task.clear_ibuf [dreg:s22], $0x4FFFF;
	_ =	strace $0x90000049  }
0xc0: {  	s29 =	simm.s32 $0x9;
	_ =	strace $0x8000004B  }
0xc1: {  	_ =	swait.ge [sflag:s29], $0x1  }
0xc2: {  	[sflag:s29] =	ssyncadd.s32 $0xFFFFFFFF  }
0xc3: {  	_ =	strace $0x9000004B  }
0xc4: {  	_ =	sfence  }
0xc5: {  	s30 =	sld [smem:$0x0];
	_ =	sdelay $0x2  }
0xc6: {  	s31 =	sshll.u32 s1, $0xD;
	s1 =	sshrl.u32 s1, $0x2  }
0xc7: {  	s4 =	sand.u32 $0x4000, s31;
	s1 =	sadd.s32 s1, s30  }
0xc8: {  	s0 =	sor.u32 s4, s0;
	s1 =	sshll.u32 s1, $0x11  }
0xc9: {  	s0 =	sor.u32 s1, s0  }
0xca: {  	s0 =	sadd.s32 $0x8F2B, s0  }
0xcb: {  	[sflag:s0] =	ssyncadd.remote.s32 $0x1  }
0xcc: {  	_ =	sfence.sel $0xFFFF  }
0xcd: {  	[dreg:$0x0] =	wrdreg $0xFFFFFFFF;
	(pc) =	sbr.abs _section_cstart, $3  }
0xce: {  	[dreg:$0x1] =	wrdreg $0xFFFFFFFF  }
0xcf: {  	_ =	task.clear_ibuf [dreg:s22], $0x2FFFF;
	_ =	strace $0x9FFFFFFF  }
0xd0: {  	(tm) =	ssettm $0x7FFFFFFF  }
0xd1: {  	_ =	shalt  }
tec
execute0_lowered:
.L_overlay_start_1:
0x0: {  	(tag) =	ssettag $0x1  }
0x1: {  	s7 =	rddreg [dreg:$0x0]  }
0x2: {  	s0 =	rddreg [dreg:$0x1];
	_ =	strace $0x8000004A  }
0x3: {  	s1 =	srdreg.scid;
	s4 =	simm.s32 $0x1;
	s9 =	simm.s32 $0x3  }
0x4: {  	s12 =	simm.s32 $0x0;
	s10 =	simm.s32 $0x0;
	s5 =	sshll.u32 s1, $0x4  }
.Ltmp0:
0x5: {  	s1 =	stileid.u32;
	s5 =	sand.u32 $0x10, s5;
	(pc) =	sbr.rel .LBB2_1-.Ltmp0, $4  }
0x6: {  	s2 =	sadd.s32 $0x1E00, s7;
	s3 =	sadd.s32 $0x1C00, s7;
	s6 =	sor.u32 s1, s5  }
0x7: {  	[sflag:s4] =	ssyncpa.u1 $0x0;
	s5 =	simm.s32 $0x2;
	s6 =	sshll.u32 s6, $0x7  }
0x8: {  	s7 =	sadd.s32 $0x11E00, s7;
	[sflag:s5] =	ssyncpa.u1 $0x0;
	s8 =	sadd.s32 $0x80, s6  }
0x9: {  	vm0 =	vmmov $0xff;
	vm1 =	vcmask $0x3F20;
	[sflag:s9] =	ssyncpa.u1 $0x0;
	s9 =	simm.s32 $0x80;
	s11 =	smov.u32 s6  }
.LBB2_9:
0xa: {  	p0 =	seq.s32 s10, $0x2  }
.Ltmp1:
0xb: {  	_ = 	snop;
	(pc) =	sbr.rel @p0 .LBB2_11-.Ltmp1, $1  }
0xc: {  	_ =	sdelay $0x3  }
.LBB2_10:
0xd: {  	s12 =	sadd.s32 $0x80, s11  }
0xe: {  	s13 =	smov.u32 s6;
	p0 =	slt.s32 s12, s8  }
0xf: {  	s13 =	smov.u32 @p0 s12  }
0x10: {  	s10 =	sadd.s32 $0x1, s10;
	s12 =	smov.u32 s11;
	s11 =	smov.u32 s13  }
.LBB2_1:
0x11: {  	p0 =	sne.s32 s10, $0x0  }
.Ltmp2:
0x12: {  	_ = 	snop;
	(pc) =	sbr.rel @!p0 .LBB2_2-.Ltmp2, $1  }
0x13: {  	_ =	sdelay $0x3  }
0x14: {  	s13 =	sand.u32 $0x1, s10  }
0x15: {  	p0 =	seq.s32 s13, $0x0  }
.Ltmp3:
0x16: {  	_ = 	snop;
	(pc) =	sbr.rel @p0 .LBB2_9-.Ltmp3, $1  }
0x17: {  	_ =	sdelay $0x3  }
0x18: {  	_ =	swait.ge [sflag:s5], $0x80  }
0x19: {  	[sflag:s5] =	ssyncset.done $0x0  }
0x1a: {  	s13 =	simm.s32 $0x0;
	[sflag:s5] =	ssyncadd.s32 $0xFFFFFF80  }
0x1b: {  	v0 =	vld.msk [tilespmem:s13+$0x80 ss:$0x1], $0xffff;
	_ =	sdelay $0x4  }
0x1c: {  	vm2 =	vgt.s32 v0, $0x0  }
0x1d: {  	v0 =	vnsel vm2, $0x0, v0  }
0x1e: {  	v0 =	vmin.u32 v0, $0xFFF  }
0x1f: {  	v0 =	vshll.u32 v0, $0x4;
	_ =	sdelay $0x3  }
0x20: {  	s13 =	simm.s32 $0x4100  }
0x21: {  	[tilespmem:s13], [sflag:$0x1] =	stream.indirect_vreg.gather [hbm:s2], $0x80, v0, vm0, $0x38;
	[tilespmem:$0x8100] =	vst v63  }
0x22: {  	s14 =	simm.s32 $0x4500;
	s31 =	simm.s32 $0x10  }
0x23: {  	[tilespmem:s14], [sflag:$0x1] =	stream.indirect_vreg.gather [hbm:s2], $0x80, v0, vm1, $0x38;
	[tilespmem:$0x8100] =	vst v63  }
0x24: {  	s14 =	simm.s32 $0x80;
	v0 =	vld.msk [tilespmem:s31+$0x80 ss:$0x1], $0xffff  }
.LBB2_5:
0x25: {  	p0 =	sne.s32 s14, $0x1C0;
	_ =	sdelay $0x4  }
0x26: {  	vm2 =	vgt.s32 v0, $0x0  }
0x27: {  	v0 =	vnsel vm2, $0x0, v0  }
0x28: {  	v0 =	vmin.u32 v0, $0xFFF  }
0x29: {  	v0 =	vshll.u32 v0, $0x4;
	_ =	sdelay $0x3  }
.Ltmp4:
0x2a: {  	s13 =	sadd.s32 $0x800, s13;
	(pc) =	sbr.rel @p0 .LBB2_5-.Ltmp4, $4  }
0x2b: {  	[tilespmem:s13], [sflag:$0x1] =	stream.indirect_vreg.gather [hbm:s2], $0x80, v0, vm0, $0x38;
	[tilespmem:$0x8100] =	vst v63  }
0x2c: {  	s15 =	sshra.s32 s14, $0x2;
	s16 =	sadd.s32 $0x400, s13  }
0x2d: {  	[tilespmem:s16], [sflag:$0x1] =	stream.indirect_vreg.gather [hbm:s2], $0x80, v0, vm1, $0x38;
	[tilespmem:$0x8100] =	vst v63  }
0x2e: {  	s14 =	sadd.s32 $0x40, s14;
	v0 =	vld.msk [tilespmem:s15+$0x80 ss:$0x1], $0xffff  }
0x2f: {  	_ =	sdelay $0x3  }
0x30: {  	vm2 =	vgt.s32 v0, $0x0  }
0x31: {  	v0 =	vnsel vm2, $0x0, v0  }
0x32: {  	v0 =	vmin.u32 v0, $0xFFF  }
0x33: {  	v0 =	vshll.u32 v0, $0x4;
	_ =	sdelay $0x3  }
0x34: {  	s13 =	sadd.s32 $0x800, s13  }
0x35: {  	[tilespmem:s13], [sflag:$0x1] =	stream.indirect_vreg.gather [hbm:s2], $0x80, v0, vm0, $0x38;
	[tilespmem:$0x8100] =	vst v63  }
0x36: {  	s13 =	sadd.s32 $0x400, s13  }
0x37: {  	[tilespmem:s13], [sflag:$0x1] =	stream.indirect_vreg.gather [hbm:s2], $0x80, v0, vm1, $0x38;
	[tilespmem:$0x8100] =	vst v63  }
0x38: {  	s12 =	sshll.u32 s12, $0x4;
	s14 =	simm.s32 $0x80;
	_ =	swait.ge [sflag:s4], $0x4000  }
0x39: {  	s15 =	simm.s32 $0x4500;
	s12 =	sadd.s32 s12, s7;
	[sflag:s4] =	ssyncset.done $0x0  }
0x3a: {  	s16 =	sadd.s32 $0x0, s12;
	s13 =	simm.s32 $0x4100;
	[sflag:s4] =	ssyncadd.s32 $0xFFFFC000  }
.LBB2_7:
0x3b: {  	[hbm:s16] =	stream.linear.scatter [tilespmem:s13], [sflag:$0x3], $0x400, $0x38;
	[tilespmem:$0x8100] =	vst v63  }
0x3c: {  	s16 =	smov.u32 s14;
	s13 =	smov.u32 s15;
	p0 =	sne.s32 s14, $0x780  }
.Ltmp5:
0x3d: {  	s14 =	sadd.s32 $0x80, s14;
	(pc) =	sbr.rel @p0 .LBB2_7-.Ltmp5, $2  }
0x3e: {  	_ =	sdelay $0x2  }
0x3f: {  	s15 =	sadd.s32 $0x400, s15;
	s16 =	sadd.s32 s16, s12  }
.Ltmp6:
0x40: {  	(pc) =	sbr.rel .LBB2_9-.Ltmp6, $2  }
0x41: {  	_ =	sdelay $0x2  }
0x42: {  	[hbm:s16] =	stream.linear.scatter [tilespmem:s13], [sflag:$0x3], $0x400, $0x38;
	[tilespmem:$0x8100] =	vst v63  }
.LBB2_2:
.Ltmp7:
0x43: {  	(pc) =	sbr.rel .LBB2_10-.Ltmp7, $4  }
0x44: {  	_ = 	snop  }
0x45: {  	s12 =	sshrl.u32 s11, $0x3  }
0x46: {  	s13 =	sand.u32 $0x7, s11;
	s12 =	sadd.s32 s3, s12  }
0x47: {  	[tilespmem:s9], [sflag:$0x2] =	stream.linear.gather [hbm4b:s12+s13], $0x80, $0x38;
	[tilespmem:$0x8100] =	vst v63  }
.LBB2_11:
0x48: {  	s2 =	simm.s32 $0x3  }
0x49: {  	_ =	swait.ge [sflag:s2], $0x4000  }
0x4a: {  	[sflag:s2] =	ssyncset.done $0x0  }
0x4b: {  	[sflag:s2] =	ssyncadd.s32 $0xFFFFC000  }
0x4c: {  	_ =	sfence.sel $0x180000  }
0x4d: {  	s3 =	simm.s32 $0x2;
	[bflag:$0x0] =	sbarrier.arrive $0xFFFF  }
0x4e: {  	[sflag:s3] =	ssyncpa.u1 $0x1  }
0x4f: {  	s31 =	simm.s32 $0x1;
	[sflag:s2] =	ssyncpa.u1 $0x1  }
0x50: {  	[sflag:s31] =	ssyncpa.u1 $0x1  }
0x51: {  	p0 =	sne.s32 s1, $0x0;
	_ =	strace $0x9000004A  }
0x52: {  	s0 =	sadd.s32 @!p0 $0x100000, s0;
	[bflag:$0x2] =	sbarrier.arrive $0xFFFF  }
0x53: {  	[sflag:s0] =	ssyncadd.tile.s32 @!p0 $0x1;
	_ =	shalt  }
.Lfunc_end2:
_tile_overlayer_lowered:
.L_overlay_start_2:
0x54: {  	(tag) =	ssettag $0x2  }
0x55: {  	s0 =	rddreg [dreg:$0x0];
	s2 =	stileid.u32  }
0x56: {  	s1 =	rddreg [dreg:$0x1];
	p0 =	sne.s32 s2, $0x0  }
0x57: {  	s3 =	rddreg [dreg:$0x2];
	[bflag:$0x3] =	sbarrier.arrive $0xFFFF;
	s2 =	simm.s32 @!p0 $0x1C01  }
0x58: {  	[timem:s3], [sflag:s2] =	dma.local @!p0 [hbm:s0], s1  }
0x59: {  	s0 =	simm.s32 @!p0 $0x1  }
0x5a: {  	_ =	swait.ge @!p0 [sflag:s0], s1  }
0x5b: {  	s1 =	ssub.s32 @!p0 $0x0, s1;
	[sflag:s0] =	ssyncset.done @!p0 $0x0  }
0x5c: {  	[sflag:s0] =	ssyncadd.s32 @!p0 s1  }
0x5d: {  	[bflag:$0x3] =	sbarrier.arrive $0xFFFF  }
0x5e: {  	_ =	shalt  }

// kernel: gather_offload_async_start
scs
__scs_entry_jumppad:
0x0: {  	(pc) =	sbr.rel $0x88, $3  }
0x1: {  	(tag) =	ssettag $0x0;
	lr =	simm.s32 $0x1  }
0x2: {  	[smem:$0x3F9C] =	sst lr;
	_ =	strace $0xD0000000  }
0x3: {  	_ = 	snop  }
0x4: {  	_ = 	snop  }
0x5: {  	_ = 	snop  }
0x6: {  	_ = 	snop  }
0x7: {  	_ = 	snop  }
__scs_overlays_trampoline_lowered:
0x8: {  	[smem:$0x3FAB] =	sst s0  }
0x9: {  	[smem:$0x3FAC] =	sst s1  }
0xa: {  	[smem:$0x3FAD] =	sst s2  }
0xb: {  	[smem:$0x3FAE] =	sst s3  }
0xc: {  	[smem:$0x3FAF] =	sst s4  }
0xd: {  	[smem:$0x3FB0] =	sst s5  }
0xe: {  	[smem:$0x3FB1] =	sst s6  }
0xf: {  	[smem:$0x3FB2] =	sst s7  }
0x10: {  	[smem:$0x3FB3] =	sst s8  }
0x11: {  	[smem:$0x3FB4] =	sst s9;
	s0 =	simm.s32 @!p0 $0x0  }
0x12: {  	s1 =	sld [smem:$0x3F9A];
	s0 =	simm.s32 @p0 $0x1  }
0x13: {  	[smem:$0x3FB5] =	sst s0;
	s0 =	simm.s32 @!p1 $0x0  }
0x14: {  	s2 =	sld [smem:$0x3F99];
	s0 =	simm.s32 @p1 $0x1  }
0x15: {  	[smem:$0x3FB6] =	sst s0;
	s0 =	simm.s32 @!p2 $0x0  }
0x16: {  	s3 =	sld [smem:$0x3FDB];
	s0 =	simm.s32 @p2 $0x1  }
0x17: {  	s4 =	simm.s32 $0x1BF5;
	[smem:$0x3FB8] =	sst s0  }
0x18: {  	s0 =	sld [smem:$0x3F9B];
	_ =	swait.ge [sflag:s4], $0x0  }
0x19: {  	s7 =	sld [smem:$0x3F9C]  }
0x1a: {  	s8 =	sadd.s32 $0xFFFFE003, lr  }
0x1b: {  	s9 =	sadd.s32 $0xFFFFFEF7, lr;
	s5 =	simm.s32 $0xFFFFFFFF;
	p2 =	slt.u32 s8, $0xFFFFF086  }
0x1c: {  	p1 =	slt.u32 s9, $0xF7A;
	s5 =	simm.s32 @!p2 $0x0  }
0x1d: {  	s5 =	simm.s32 @p1 $0x1;
	p0 =	seq.s32 s7, s2  }
0x1e: {  	s7 =	smul.u32 @!p0 $0xF7A, s2;
	p2 =	seq.s32 @!p0 s5, $0x0  }
0x1f: {  	s9 =	smul.u32 $0xF7A, s1;
	s8 =	simm.s32 @!p0 $0x1BF5;
	p2 =	por !p2, p0  }
0x20: {  	[sflag:s8] =	ssyncset.s32 @!p0 $0xFFFFF086;
	s6 =	sadd.s32 @!p0 s3, s7;
	s7 =	simm.s32 @!p0 $0x108  }
0x21: {  	s3 =	sadd.s32 s3, s9;
	s6 =	sadd.s32 @!p0 $0x88, s6;
	s7 =	simm.s32 @p2 $0x1082  }
0x22: {  	[simem:s7], [sflag:s8] =	dma.local @!p0 [hbm:s6], $0xF7A  }
0x23: {  	s9 =	sor.u32 $0xD0000000, s2;
	s6 =	simm.s32 $0x108;
	_ =	swait.ge @!p0 [sflag:s8], $0x0  }
0x24: {  	s3 =	sadd.s32 $0x88, s3;
	s6 =	simm.s32 @!p1 $0x1082;
	[sflag:s4] =	ssyncset.s32 $0xFFFFF086  }
0x25: {  	[simem:s6], [sflag:s4] =	dma.local [hbm:s3], $0xF7A  }
0x26: {  	[smem:$0x3F9C] =	sst s1;
	(tag) =	ssettag s2;
	_ =	strace s9  }
0x27: {  	s1 =	sld [smem:$0x3FAC]  }
0x28: {  	s2 =	sld [smem:$0x3FAD]  }
0x29: {  	s4 =	sld [smem:$0x3FAF]  }
0x2a: {  	p0 =	seq.s32 s5, $0x0;
	s5 =	sld [smem:$0x3FB0]  }
0x2b: {  	s6 =	sld [smem:$0x3FB1]  }
0x2c: {  	s7 =	sld [smem:$0x3FB2]  }
0x2d: {  	s3 =	simm.s32 $0x108;
	s8 =	sld [smem:$0x3FB3]  }
0x2e: {  	s3 =	simm.s32 @!p0 $0x1082;
	s9 =	sld [smem:$0x3FB4]  }
0x2f: {  	lr =	sadd.s32 s0, s3;
	s0 =	sld [smem:$0x3FAB]  }
0x30: {  	s3 =	sld [smem:$0x3FAE]  }
0x31: {  	[smem:$0x3FB7] =	sst s10  }
0x32: {  	s10 =	sld [smem:$0x3FB5];
	_ =	sdelay $0x3  }
0x33: {  	p0 =	seq.s32 s10, $0x1;
	s10 =	sld [smem:$0x3FB7];
	_ =	sdelay $0x3  }
0x34: {  	[smem:$0x3FB7] =	sst s10  }
0x35: {  	s10 =	sld [smem:$0x3FB6];
	_ =	sdelay $0x3  }
0x36: {  	p1 =	seq.s32 s10, $0x1;
	s10 =	sld [smem:$0x3FB7];
	_ =	sdelay $0x3  }
0x37: {  	[smem:$0x3FB7] =	sst s10  }
0x38: {  	s10 =	sld [smem:$0x3FB8]  }
0x39: {  	_ = 	snop;
	(pc) =	sbr.ind lr, $3  }
0x3a: {  	_ = 	snop  }
0x3b: {  	_ = 	snop  }
0x3c: {  	p2 =	seq.s32 s10, $0x1;
	s10 =	sld [smem:$0x3FB7]  }
0x3d: {  	_ =	shalt  }
0x3e: {  	_ =	shalt  }
0x3f: {  	_ =	shalt  }
0x40: {  	_ =	shalt  }
0x41: {  	_ =	shalt  }
0x42: {  	_ =	shalt  }
0x43: {  	_ =	shalt  }
0x44: {  	_ =	shalt  }
0x45: {  	_ =	shalt  }
0x46: {  	_ =	shalt  }
0x47: {  	_ =	shalt  }
0x48: {  	_ =	shalt  }
0x49: {  	_ =	shalt  }
0x4a: {  	_ =	shalt  }
0x4b: {  	_ =	shalt  }
0x4c: {  	_ =	shalt  }
0x4d: {  	_ =	shalt  }
0x4e: {  	_ =	shalt  }
0x4f: {  	_ =	shalt  }
0x50: {  	_ =	shalt  }
0x51: {  	_ =	shalt  }
0x52: {  	_ =	shalt  }
0x53: {  	_ =	shalt  }
0x54: {  	_ =	shalt  }
0x55: {  	_ =	shalt  }
0x56: {  	_ =	shalt  }
0x57: {  	_ =	shalt  }
0x58: {  	_ =	shalt  }
0x59: {  	_ =	shalt  }
0x5a: {  	_ =	shalt  }
0x5b: {  	_ =	shalt  }
0x5c: {  	_ =	shalt  }
0x5d: {  	_ =	shalt  }
0x5e: {  	_ =	shalt  }
0x5f: {  	_ =	shalt  }
0x60: {  	_ =	shalt  }
0x61: {  	_ =	shalt  }
0x62: {  	_ =	shalt  }
0x63: {  	_ =	shalt  }
0x64: {  	_ =	shalt  }
0x65: {  	_ =	shalt  }
0x66: {  	_ =	shalt  }
0x67: {  	_ =	shalt  }
0x68: {  	_ =	shalt  }
0x69: {  	_ =	shalt  }
0x6a: {  	_ =	shalt  }
0x6b: {  	_ =	shalt  }
0x6c: {  	_ =	shalt  }
0x6d: {  	_ =	shalt  }
0x6e: {  	_ =	shalt  }
0x6f: {  	_ =	shalt  }
0x70: {  	_ =	shalt  }
0x71: {  	_ =	shalt  }
0x72: {  	_ =	shalt  }
0x73: {  	_ =	shalt  }
0x74: {  	_ =	shalt  }
0x75: {  	_ =	shalt  }
0x76: {  	_ =	shalt  }
0x77: {  	_ =	shalt  }
0x78: {  	_ =	shalt  }
0x79: {  	_ =	shalt  }
0x7a: {  	_ =	shalt  }
0x7b: {  	_ =	shalt  }
0x7c: {  	_ =	shalt  }
0x7d: {  	_ =	shalt  }
0x7e: {  	_ =	shalt  }
0x7f: {  	_ =	shalt  }
0x80: {  	_ =	shalt  }
0x81: {  	_ =	shalt  }
0x82: {  	_ =	shalt  }
0x83: {  	_ =	shalt  }
0x84: {  	_ =	shalt  }
0x85: {  	_ =	shalt  }
0x86: {  	_ =	shalt  }
0x87: {  	_ =	shalt  }
.Lfunc_end0:
.L_simem_size_0:
called_computation_lowered:
.L_overlay_start_0:
0x88: {  	s2 =	sld [smem:$0x3FD9]  }
0x89: {  	s3 =	sld [smem:$0x3FFE];
	_ =	sdelay $0x1  }
0x8a: {  	s1 =	srdreg.scid  }
0x8b: {  	s0 =	sand.u32 $0x1, s1  }
0x8c: {  	s14 =	sshll.u32 s0, $0xA;
	s2 =	sadd.s32 s3, s2  }
0x8d: {  	s2 =	sadd.s32 s2, s14  }
0x8e: {  	[smem:$0x3FC3] =	sst s2  }
0x8f: {  	_ = 	snop  }
0x90: {  	s2 =	sld [smem:$0x3FD0];
	_ =	sdelay $0x2  }
0x91: {  	s15 =	simm.s32 $0xB;
	s4 =	simm.s32 $0x10  }
0x92: {  	[smem:s4], [sflag:s15] =	dma.local [hbm:s2], $0x1  }
0x93: {  	_ =	swait.eq [sflag:s15], $0x1  }
0x94: {  	[sflag:s15] =	ssyncset.done $0x0  }
0x95: {  	s16 =	sld [smem:$0x10];
	[sflag:s15] =	ssyncadd.s32 $0xFFFFFFFF  }
0x96: {  	s17 =	sld [smem:$0x11];
	(tm) =	ssettm $0x1  }
0x97: {  	s18 =	sld [smem:$0x3FFB];
	_ =	sdelay $0x3  }
0x98: {  	_ =	strace s18  }
0x99: {  	s4 =	sld [smem:$0x3FFC];
	_ =	sdelay $0x3  }
0x9a: {  	_ =	strace s4  }
0x9b: {  	s4 =	sld [smem:$0x3FFD];
	_ =	sdelay $0x3  }
0x9c: {  	_ =	strace s4  }
0x9d: {  	_ =	strace $0x8FFFFFFF  }
0x9e: {  	s19 =	sld [smem:$0x3FDB];
	_ =	sdelay $0x1  }
0x9f: {  	s5 =	simm.s32 $_scs_section_size  }
0xa0: {  	s6 =	simm.s32 $_size__tile_overlayer_lowered;
	s7 =	simm.s32 $_tile_overlayer_lowered  }
0xa1: {  	s22 =	simm.s32 $0x1BFF;
	s21 =	sshll.u32 s7, $0x1;
	s4 =	sadd.s32 s5, s19  }
0xa2: {  	s8 =	simm.s32 $0x0;
	s20 =	sshll.u32 s6, $0x1;
	s6 =	sadd.s32 s21, s4  }
0xa3: {  	[timem:s8], [sflag:s22] =	dma.local [hbm:s6], s20  }
0xa4: {  	_ =	swait.ge [sflag:s22], s20  }
0xa5: {  	s5 =	ssub.s32 $0x0, s20;
	[sflag:s22] =	ssyncset.done $0x0  }
0xa6: {  	[sflag:s22] =	ssyncadd.s32 s5;
	_ =	sdelay $0x1  }
0xa7: {  	s23 =	simm.s32 $0x1B8B  }
0xa8: {  	_ =	swait.ge [sflag:s23], $0x1  }
0xa9: {  	[sflag:s23] =	ssyncset.done $0x0  }
0xaa: {  	s25 =	simm.s32 $0x1B8E;
	s24 =	sld [smem:$0x3FFE];
	[sflag:s23] =	ssyncadd.s32 $0xFFFFFFFF  }
0xab: {  	s26 =	simm.s32 $execute0_lowered;
	[smem:$0x3FD2] =	sst s25  }
0xac: {  	s6 =	sshll.u32 s26, $0x1;
	_ =	strace $0x80000046;
	[dreg:$0x1] =	wrdreg $0xFFFFFFFF  }
0xad: {  	s28 =	simm.s32 $_size_execute0_lowered;
	s4 =	sadd.s32 s4, s6;
	[dreg:$0x0] =	wrdreg $0x0  }
0xae: {  	s6 =	sshll.u32 s28, $0x1;
	[dreg:$0x2] =	wrdreg s4  }
0xaf: {  	[dreg:$0x3] =	wrdreg s6  }
0xb0: {  	[dreg:$0x4] =	wrdreg $0xC0  }
0xb1: {  	_ =	task [dreg:s8], $0x5FFFF  }
0xb2: {  	[dreg:$0x1] =	wrdreg $0xFFFFFFFF  }
0xb3: {  	[dreg:$0x0] =	wrdreg $0x60  }
0xb4: {  	[dreg:$0x2] =	wrdreg s16  }
0xb5: {  	[dreg:$0x3] =	wrdreg s24  }
0xb6: {  	[dreg:$0x4] =	wrdreg s17  }
0xb7: {  	[dreg:$0x5] =	wrdreg $0xA  }
0xb8: {  	_ =	task.clear_ibuf [dreg:s8], $0x6FFFF;
	_ =	strace $0x90000046  }
0xb9: {  	s29 =	simm.s32 $0xA;
	_ =	strace $0x80000048  }
0xba: {  	_ =	swait.ge [sflag:s29], $0x1  }
0xbb: {  	[sflag:s29] =	ssyncadd.s32 $0xFFFFFFFF  }
0xbc: {  	_ =	strace $0x90000048  }
0xbd: {  	_ =	sfence  }
0xbe: {  	s30 =	sld [smem:$0x0];
	_ =	sdelay $0x2  }
0xbf: {  	s31 =	sshll.u32 s1, $0xD;
	s1 =	sshrl.u32 s1, $0x2  }
0xc0: {  	s3 =	sand.u32 $0x4000, s31;
	s1 =	sadd.s32 s1, s30  }
0xc1: {  	s0 =	sor.u32 s3, s0;
	s1 =	sshll.u32 s1, $0x11  }
0xc2: {  	s0 =	sor.u32 s1, s0  }
0xc3: {  	s0 =	sadd.s32 $0x8F2B, s0  }
0xc4: {  	[sflag:s0] =	ssyncadd.remote.s32 $0x1  }
0xc5: {  	_ =	sfence.sel $0xFFFF  }
0xc6: {  	[dreg:$0x0] =	wrdreg $0xFFFFFFFF;
	(pc) =	sbr.abs _section_cstart, $3  }
0xc7: {  	[dreg:$0x1] =	wrdreg $0xFFFFFFFF  }
0xc8: {  	_ =	task.clear_ibuf [dreg:s8], $0x2FFFF;
	_ =	strace $0x9FFFFFFF  }
0xc9: {  	(tm) =	ssettm $0x7FFFFFFF  }
tec
execute0_lowered:
.L_overlay_start_1:
0x0: {  	(tag) =	ssettag $0x1  }
0x1: {  	s2 =	rddreg [dreg:$0x0]  }
0x2: {  	s7 =	rddreg [dreg:$0x1]  }
0x3: {  	s3 =	rddreg [dreg:$0x2]  }
0x4: {  	s0 =	rddreg [dreg:$0x3];
	s1 =	srdreg.scid;
	_ =	strace $0x80000047  }
0x5: {  	s4 =	simm.s32 $0x1;
	s9 =	simm.s32 $0x3;
	s5 =	sshll.u32 s1, $0x4  }
.Ltmp0:
0x6: {  	s1 =	stileid.u32;
	s5 =	sand.u32 $0x10, s5;
	(pc) =	sbr.rel .LBB2_1-.Ltmp0, $4  }
0x7: {  	s12 =	simm.s32 $0x0;
	s10 =	simm.s32 $0x0;
	s6 =	sor.u32 s1, s5  }
0x8: {  	[sflag:s4] =	ssyncpa.u1 $0x0;
	s5 =	simm.s32 $0x2;
	s6 =	sshll.u32 s6, $0x7  }
0x9: {  	s7 =	sadd.s32 $0x1C00, s7;
	[sflag:s5] =	ssyncpa.u1 $0x0;
	s8 =	sadd.s32 $0x80, s6  }
0xa: {  	vm0 =	vmmov $0xff;
	vm1 =	vcmask $0x3F20;
	[sflag:s9] =	ssyncpa.u1 $0x0;
	s9 =	simm.s32 $0x80;
	s11 =	smov.u32 s6  }
.LBB2_9:
0xb: {  	p0 =	seq.s32 s10, $0x2  }
.Ltmp1:
0xc: {  	_ = 	snop;
	(pc) =	sbr.rel @p0 .LBB2_11-.Ltmp1, $1  }
0xd: {  	_ =	sdelay $0x3  }
.LBB2_10:
0xe: {  	s12 =	sadd.s32 $0x80, s11  }
0xf: {  	s13 =	smov.u32 s6;
	p0 =	slt.s32 s12, s8  }
0x10: {  	s13 =	smov.u32 @p0 s12  }
0x11: {  	s10 =	sadd.s32 $0x1, s10;
	s12 =	smov.u32 s11;
	s11 =	smov.u32 s13  }
.LBB2_1:
0x12: {  	p0 =	sne.s32 s10, $0x0  }
.Ltmp2:
0x13: {  	_ = 	snop;
	(pc) =	sbr.rel @!p0 .LBB2_2-.Ltmp2, $1  }
0x14: {  	_ =	sdelay $0x3  }
0x15: {  	s13 =	sand.u32 $0x1, s10  }
0x16: {  	p0 =	seq.s32 s13, $0x0  }
.Ltmp3:
0x17: {  	_ = 	snop;
	(pc) =	sbr.rel @p0 .LBB2_9-.Ltmp3, $1  }
0x18: {  	_ =	sdelay $0x3  }
0x19: {  	_ =	swait.ge [sflag:s5], $0x80  }
0x1a: {  	[sflag:s5] =	ssyncset.done $0x0  }
0x1b: {  	s13 =	simm.s32 $0x0;
	[sflag:s5] =	ssyncadd.s32 $0xFFFFFF80  }
0x1c: {  	v0 =	vld.msk [tilespmem:s13+$0x80 ss:$0x1], $0xffff;
	_ =	sdelay $0x4  }
0x1d: {  	vm2 =	vgt.s32 v0, $0x0  }
0x1e: {  	v0 =	vnsel vm2, $0x0, v0  }
0x1f: {  	v0 =	vmin.u32 v0, $0xFFF  }
0x20: {  	v0 =	vshll.u32 v0, $0x4;
	_ =	sdelay $0x3  }
0x21: {  	s13 =	simm.s32 $0x4100  }
0x22: {  	[tilespmem:s13], [sflag:$0x1] =	stream.indirect_vreg.gather [hbm:s2], $0x80, v0, vm0, $0x38;
	[tilespmem:$0x8100] =	vst v63  }
0x23: {  	s14 =	simm.s32 $0x4500;
	s31 =	simm.s32 $0x10  }
0x24: {  	[tilespmem:s14], [sflag:$0x1] =	stream.indirect_vreg.gather [hbm:s2], $0x80, v0, vm1, $0x38;
	[tilespmem:$0x8100] =	vst v63  }
0x25: {  	s14 =	simm.s32 $0x80;
	v0 =	vld.msk [tilespmem:s31+$0x80 ss:$0x1], $0xffff  }
.LBB2_5:
0x26: {  	p0 =	sne.s32 s14, $0x1C0;
	_ =	sdelay $0x4  }
0x27: {  	vm2 =	vgt.s32 v0, $0x0  }
0x28: {  	v0 =	vnsel vm2, $0x0, v0  }
0x29: {  	v0 =	vmin.u32 v0, $0xFFF  }
0x2a: {  	v0 =	vshll.u32 v0, $0x4;
	_ =	sdelay $0x3  }
.Ltmp4:
0x2b: {  	s13 =	sadd.s32 $0x800, s13;
	(pc) =	sbr.rel @p0 .LBB2_5-.Ltmp4, $4  }
0x2c: {  	[tilespmem:s13], [sflag:$0x1] =	stream.indirect_vreg.gather [hbm:s2], $0x80, v0, vm0, $0x38;
	[tilespmem:$0x8100] =	vst v63  }
0x2d: {  	s15 =	sshra.s32 s14, $0x2;
	s16 =	sadd.s32 $0x400, s13  }
0x2e: {  	[tilespmem:s16], [sflag:$0x1] =	stream.indirect_vreg.gather [hbm:s2], $0x80, v0, vm1, $0x38;
	[tilespmem:$0x8100] =	vst v63  }
0x2f: {  	s14 =	sadd.s32 $0x40, s14;
	v0 =	vld.msk [tilespmem:s15+$0x80 ss:$0x1], $0xffff  }
0x30: {  	_ =	sdelay $0x3  }
0x31: {  	vm2 =	vgt.s32 v0, $0x0  }
0x32: {  	v0 =	vnsel vm2, $0x0, v0  }
0x33: {  	v0 =	vmin.u32 v0, $0xFFF  }
0x34: {  	v0 =	vshll.u32 v0, $0x4;
	_ =	sdelay $0x3  }
0x35: {  	s13 =	sadd.s32 $0x800, s13  }
0x36: {  	[tilespmem:s13], [sflag:$0x1] =	stream.indirect_vreg.gather [hbm:s2], $0x80, v0, vm0, $0x38;
	[tilespmem:$0x8100] =	vst v63  }
0x37: {  	s13 =	sadd.s32 $0x400, s13  }
0x38: {  	[tilespmem:s13], [sflag:$0x1] =	stream.indirect_vreg.gather [hbm:s2], $0x80, v0, vm1, $0x38;
	[tilespmem:$0x8100] =	vst v63  }
0x39: {  	s12 =	sshll.u32 s12, $0x4;
	s14 =	simm.s32 $0x80;
	_ =	swait.ge [sflag:s4], $0x4000  }
0x3a: {  	s15 =	simm.s32 $0x4500;
	s12 =	sadd.s32 s12, s3;
	[sflag:s4] =	ssyncset.done $0x0  }
0x3b: {  	s16 =	sadd.s32 $0x0, s12;
	s13 =	simm.s32 $0x4100;
	[sflag:s4] =	ssyncadd.s32 $0xFFFFC000  }
.LBB2_7:
0x3c: {  	[hbm:s16] =	stream.linear.scatter [tilespmem:s13], [sflag:$0x3], $0x400, $0x38;
	[tilespmem:$0x8100] =	vst v63  }
0x3d: {  	s16 =	smov.u32 s14;
	s13 =	smov.u32 s15;
	p0 =	sne.s32 s14, $0x780  }
.Ltmp5:
0x3e: {  	s14 =	sadd.s32 $0x80, s14;
	(pc) =	sbr.rel @p0 .LBB2_7-.Ltmp5, $2  }
0x3f: {  	_ =	sdelay $0x2  }
0x40: {  	s15 =	sadd.s32 $0x400, s15;
	s16 =	sadd.s32 s16, s12  }
.Ltmp6:
0x41: {  	(pc) =	sbr.rel .LBB2_9-.Ltmp6, $2  }
0x42: {  	_ =	sdelay $0x2  }
0x43: {  	[hbm:s16] =	stream.linear.scatter [tilespmem:s13], [sflag:$0x3], $0x400, $0x38;
	[tilespmem:$0x8100] =	vst v63  }
.LBB2_2:
.Ltmp7:
0x44: {  	(pc) =	sbr.rel .LBB2_10-.Ltmp7, $4  }
0x45: {  	_ = 	snop  }
0x46: {  	s12 =	sshrl.u32 s11, $0x3  }
0x47: {  	s13 =	sand.u32 $0x7, s11;
	s12 =	sadd.s32 s7, s12  }
0x48: {  	[tilespmem:s9], [sflag:$0x2] =	stream.linear.gather [hbm4b:s12+s13], $0x80, $0x38;
	[tilespmem:$0x8100] =	vst v63  }
.LBB2_11:
0x49: {  	s2 =	simm.s32 $0x3  }
0x4a: {  	_ =	swait.ge [sflag:s2], $0x4000  }
0x4b: {  	[sflag:s2] =	ssyncset.done $0x0  }
0x4c: {  	[sflag:s2] =	ssyncadd.s32 $0xFFFFC000  }
0x4d: {  	_ =	sfence.sel $0x180000  }
0x4e: {  	s3 =	simm.s32 $0x2;
	[bflag:$0x0] =	sbarrier.arrive $0xFFFF  }
0x4f: {  	[sflag:s3] =	ssyncpa.u1 $0x1  }
0x50: {  	s31 =	simm.s32 $0x1;
	[sflag:s2] =	ssyncpa.u1 $0x1  }
0x51: {  	[sflag:s31] =	ssyncpa.u1 $0x1  }
0x52: {  	p0 =	sne.s32 s1, $0x0;
	_ =	strace $0x90000047  }
0x53: {  	s0 =	sadd.s32 @!p0 $0x100000, s0;
	[bflag:$0x2] =	sbarrier.arrive $0xFFFF  }
0x54: {  	[sflag:s0] =	ssyncadd.tile.s32 @!p0 $0x1;
	_ =	shalt  }
.Lfunc_end2:
_tile_overlayer_lowered:
.L_overlay_start_2:
0x55: {  	(tag) =	ssettag $0x2  }
0x56: {  	s0 =	rddreg [dreg:$0x0];
	s2 =	stileid.u32  }
0x57: {  	s1 =	rddreg [dreg:$0x1];
	p0 =	sne.s32 s2, $0x0  }
0x58: {  	s3 =	rddreg [dreg:$0x2];
	[bflag:$0x3] =	sbarrier.arrive $0xFFFF;
	s2 =	simm.s32 @!p0 $0x1C01  }
0x59: {  	[timem:s3], [sflag:s2] =	dma.local @!p0 [hbm:s0], s1  }
0x5a: {  	s0 =	simm.s32 @!p0 $0x1  }
0x5b: {  	_ =	swait.ge @!p0 [sflag:s0], s1  }
0x5c: {  	s1 =	ssub.s32 @!p0 $0x0, s1;
	[sflag:s0] =	ssyncset.done @!p0 $0x0  }
0x5d: {  	[sflag:s0] =	ssyncadd.s32 @!p0 s1  }
0x5e: {  	[bflag:$0x3] =	sbarrier.arrive $0xFFFF  }
0x5f: {  	_ =	shalt  }

// kernel: kernel.4.cloned.1.call-start
scs
__scs_entry_jumppad:
0x0: {  	(pc) =	sbr.rel $0x88, $3  }
0x1: {  	(tag) =	ssettag $0x0;
	lr =	simm.s32 $0x1  }
0x2: {  	[smem:$0x3F9C] =	sst lr;
	_ =	strace $0xD0000000  }
0x3: {  	_ = 	snop  }
0x4: {  	_ = 	snop  }
0x5: {  	_ = 	snop  }
0x6: {  	_ = 	snop  }
0x7: {  	_ = 	snop  }
__scs_overlays_trampoline_lowered:
0x8: {  	[smem:$0x3FAB] =	sst s0  }
0x9: {  	[smem:$0x3FAC] =	sst s1  }
0xa: {  	[smem:$0x3FAD] =	sst s2  }
0xb: {  	[smem:$0x3FAE] =	sst s3  }
0xc: {  	[smem:$0x3FAF] =	sst s4  }
0xd: {  	[smem:$0x3FB0] =	sst s5  }
0xe: {  	[smem:$0x3FB1] =	sst s6  }
0xf: {  	[smem:$0x3FB2] =	sst s7  }
0x10: {  	[smem:$0x3FB3] =	sst s8  }
0x11: {  	[smem:$0x3FB4] =	sst s9;
	s0 =	simm.s32 @!p0 $0x0  }
0x12: {  	s1 =	sld [smem:$0x3F9A];
	s0 =	simm.s32 @p0 $0x1  }
0x13: {  	[smem:$0x3FB5] =	sst s0;
	s0 =	simm.s32 @!p1 $0x0  }
0x14: {  	s2 =	sld [smem:$0x3F99];
	s0 =	simm.s32 @p1 $0x1  }
0x15: {  	[smem:$0x3FB6] =	sst s0;
	s0 =	simm.s32 @!p2 $0x0  }
0x16: {  	s3 =	sld [smem:$0x3FDB];
	s0 =	simm.s32 @p2 $0x1  }
0x17: {  	s4 =	simm.s32 $0x1BF5;
	[smem:$0x3FB8] =	sst s0  }
0x18: {  	s0 =	sld [smem:$0x3F9B];
	_ =	swait.ge [sflag:s4], $0x0  }
0x19: {  	s7 =	sld [smem:$0x3F9C]  }
0x1a: {  	s8 =	sadd.s32 $0xFFFFE003, lr  }
0x1b: {  	s9 =	sadd.s32 $0xFFFFFEF7, lr;
	s5 =	simm.s32 $0xFFFFFFFF;
	p2 =	slt.u32 s8, $0xFFFFF086  }
0x1c: {  	p1 =	slt.u32 s9, $0xF7A;
	s5 =	simm.s32 @!p2 $0x0  }
0x1d: {  	s5 =	simm.s32 @p1 $0x1;
	p0 =	seq.s32 s7, s2  }
0x1e: {  	s7 =	smul.u32 @!p0 $0xF7A, s2;
	p2 =	seq.s32 @!p0 s5, $0x0  }
0x1f: {  	s9 =	smul.u32 $0xF7A, s1;
	s8 =	simm.s32 @!p0 $0x1BF5;
	p2 =	por !p2, p0  }
0x20: {  	[sflag:s8] =	ssyncset.s32 @!p0 $0xFFFFF086;
	s6 =	sadd.s32 @!p0 s3, s7;
	s7 =	simm.s32 @!p0 $0x108  }
0x21: {  	s3 =	sadd.s32 s3, s9;
	s6 =	sadd.s32 @!p0 $0x88, s6;
	s7 =	simm.s32 @p2 $0x1082  }
0x22: {  	[simem:s7], [sflag:s8] =	dma.local @!p0 [hbm:s6], $0xF7A  }
0x23: {  	s9 =	sor.u32 $0xD0000000, s2;
	s6 =	simm.s32 $0x108;
	_ =	swait.ge @!p0 [sflag:s8], $0x0  }
0x24: {  	s3 =	sadd.s32 $0x88, s3;
	s6 =	simm.s32 @!p1 $0x1082;
	[sflag:s4] =	ssyncset.s32 $0xFFFFF086  }
0x25: {  	[simem:s6], [sflag:s4] =	dma.local [hbm:s3], $0xF7A  }
0x26: {  	[smem:$0x3F9C] =	sst s1;
	(tag) =	ssettag s2;
	_ =	strace s9  }
0x27: {  	s1 =	sld [smem:$0x3FAC]  }
0x28: {  	s2 =	sld [smem:$0x3FAD]  }
0x29: {  	s4 =	sld [smem:$0x3FAF]  }
0x2a: {  	p0 =	seq.s32 s5, $0x0;
	s5 =	sld [smem:$0x3FB0]  }
0x2b: {  	s6 =	sld [smem:$0x3FB1]  }
0x2c: {  	s7 =	sld [smem:$0x3FB2]  }
0x2d: {  	s3 =	simm.s32 $0x108;
	s8 =	sld [smem:$0x3FB3]  }
0x2e: {  	s3 =	simm.s32 @!p0 $0x1082;
	s9 =	sld [smem:$0x3FB4]  }
0x2f: {  	lr =	sadd.s32 s0, s3;
	s0 =	sld [smem:$0x3FAB]  }
0x30: {  	s3 =	sld [smem:$0x3FAE]  }
0x31: {  	[smem:$0x3FB7] =	sst s10  }
0x32: {  	s10 =	sld [smem:$0x3FB5];
	_ =	sdelay $0x3  }
0x33: {  	p0 =	seq.s32 s10, $0x1;
	s10 =	sld [smem:$0x3FB7];
	_ =	sdelay $0x3  }
0x34: {  	[smem:$0x3FB7] =	sst s10  }
0x35: {  	s10 =	sld [smem:$0x3FB6];
	_ =	sdelay $0x3  }
0x36: {  	p1 =	seq.s32 s10, $0x1;
	s10 =	sld [smem:$0x3FB7];
	_ =	sdelay $0x3  }
0x37: {  	[smem:$0x3FB7] =	sst s10  }
0x38: {  	s10 =	sld [smem:$0x3FB8]  }
0x39: {  	_ = 	snop;
	(pc) =	sbr.ind lr, $3  }
0x3a: {  	_ = 	snop  }
0x3b: {  	_ = 	snop  }
0x3c: {  	p2 =	seq.s32 s10, $0x1;
	s10 =	sld [smem:$0x3FB7]  }
0x3d: {  	_ =	shalt  }
0x3e: {  	_ =	shalt  }
0x3f: {  	_ =	shalt  }
0x40: {  	_ =	shalt  }
0x41: {  	_ =	shalt  }
0x42: {  	_ =	shalt  }
0x43: {  	_ =	shalt  }
0x44: {  	_ =	shalt  }
0x45: {  	_ =	shalt  }
0x46: {  	_ =	shalt  }
0x47: {  	_ =	shalt  }
0x48: {  	_ =	shalt  }
0x49: {  	_ =	shalt  }
0x4a: {  	_ =	shalt  }
0x4b: {  	_ =	shalt  }
0x4c: {  	_ =	shalt  }
0x4d: {  	_ =	shalt  }
0x4e: {  	_ =	shalt  }
0x4f: {  	_ =	shalt  }
0x50: {  	_ =	shalt  }
0x51: {  	_ =	shalt  }
0x52: {  	_ =	shalt  }
0x53: {  	_ =	shalt  }
0x54: {  	_ =	shalt  }
0x55: {  	_ =	shalt  }
0x56: {  	_ =	shalt  }
0x57: {  	_ =	shalt  }
0x58: {  	_ =	shalt  }
0x59: {  	_ =	shalt  }
0x5a: {  	_ =	shalt  }
0x5b: {  	_ =	shalt  }
0x5c: {  	_ =	shalt  }
0x5d: {  	_ =	shalt  }
0x5e: {  	_ =	shalt  }
0x5f: {  	_ =	shalt  }
0x60: {  	_ =	shalt  }
0x61: {  	_ =	shalt  }
0x62: {  	_ =	shalt  }
0x63: {  	_ =	shalt  }
0x64: {  	_ =	shalt  }
0x65: {  	_ =	shalt  }
0x66: {  	_ =	shalt  }
0x67: {  	_ =	shalt  }
0x68: {  	_ =	shalt  }
0x69: {  	_ =	shalt  }
0x6a: {  	_ =	shalt  }
0x6b: {  	_ =	shalt  }
0x6c: {  	_ =	shalt  }
0x6d: {  	_ =	shalt  }
0x6e: {  	_ =	shalt  }
0x6f: {  	_ =	shalt  }
0x70: {  	_ =	shalt  }
0x71: {  	_ =	shalt  }
0x72: {  	_ =	shalt  }
0x73: {  	_ =	shalt  }
0x74: {  	_ =	shalt  }
0x75: {  	_ =	shalt  }
0x76: {  	_ =	shalt  }
0x77: {  	_ =	shalt  }
0x78: {  	_ =	shalt  }
0x79: {  	_ =	shalt  }
0x7a: {  	_ =	shalt  }
0x7b: {  	_ =	shalt  }
0x7c: {  	_ =	shalt  }
0x7d: {  	_ =	shalt  }
0x7e: {  	_ =	shalt  }
0x7f: {  	_ =	shalt  }
0x80: {  	_ =	shalt  }
0x81: {  	_ =	shalt  }
0x82: {  	_ =	shalt  }
0x83: {  	_ =	shalt  }
0x84: {  	_ =	shalt  }
0x85: {  	_ =	shalt  }
0x86: {  	_ =	shalt  }
0x87: {  	_ =	shalt  }
.Lfunc_end0:
.L_simem_size_0:
called_computation.2_lowered:
.L_overlay_start_0:
0x88: {  	s2 =	sld [smem:$0x3FD9]  }
0x89: {  	s3 =	sld [smem:$0x3FFE];
	_ =	sdelay $0x1  }
0x8a: {  	s1 =	srdreg.scid  }
0x8b: {  	s0 =	sand.u32 $0x1, s1  }
0x8c: {  	s15 =	sshll.u32 s0, $0xA;
	s2 =	sadd.s32 s3, s2  }
0x8d: {  	s2 =	sadd.s32 s2, s15  }
0x8e: {  	[smem:$0x3FC3] =	sst s2  }
0x8f: {  	_ = 	snop  }
0x90: {  	s16 =	sld [smem:$0x3FD0];
	_ =	sdelay $0x1  }
0x91: {  	s2 =	sld [smem:$0x3FC8]  }
0x92: {  	s6 =	simm.s32 $0xB;
	s5 =	simm.s32 $0x10;
	s4 =	sld [smem:$0x3FC7]  }
0x93: {  	[smem:s5], [sflag:s6] =	dma.local [hbm:s16], $0x1  }
0x94: {  	_ =	swait.eq [sflag:s6], $0x1  }
0x95: {  	[sflag:s6] =	ssyncset.done $0x0  }
0x96: {  	s17 =	sld [smem:$0x10];
	[sflag:s6] =	ssyncadd.s32 $0xFFFFFFFF  }
0x97: {  	s18 =	sld [smem:$0x11];
	(tm) =	ssettm $0x1  }
0x98: {  	s19 =	sld [smem:$0x3FFB];
	_ =	sdelay $0x3  }
0x99: {  	_ =	strace s19  }
0x9a: {  	s3 =	sld [smem:$0x3FFC];
	_ =	sdelay $0x3  }
0x9b: {  	_ =	strace s3  }
0x9c: {  	s3 =	sld [smem:$0x3FFD];
	_ =	sdelay $0x3  }
0x9d: {  	_ =	strace s3  }
0x9e: {  	_ =	strace $0x8FFFFFFF  }
0x9f: {  	s20 =	sld [smem:$0x3FDB];
	_ =	sdelay $0x1  }
0xa0: {  	s7 =	simm.s32 $_scs_section_size  }
0xa1: {  	s8 =	simm.s32 $_size__tile_overlayer_lowered;
	s9 =	simm.s32 $_tile_overlayer_lowered  }
0xa2: {  	s10 =	simm.s32 $0x1BFF;
	s21 =	sshll.u32 s9, $0x1;
	s7 =	sadd.s32 s7, s20  }
0xa3: {  	s22 =	simm.s32 $0x0;
	s8 =	sshll.u32 s8, $0x1;
	s9 =	sadd.s32 s21, s7  }
0xa4: {  	[timem:s22], [sflag:s10] =	dma.local [hbm:s9], s8  }
0xa5: {  	_ =	swait.ge [sflag:s10], s8  }
0xa6: {  	s8 =	ssub.s32 $0x0, s8;
	[sflag:s10] =	ssyncset.done $0x0  }
0xa7: {  	[sflag:s10] =	ssyncadd.s32 s8;
	_ =	sdelay $0x1  }
0xa8: {  	s23 =	simm.s32 $0x1B8B  }
0xa9: {  	_ =	swait.ge [sflag:s23], $0x1  }
0xaa: {  	[sflag:s23] =	ssyncset.done $0x0  }
0xab: {  	[sflag:s23] =	ssyncadd.s32 $0xFFFFFFFF  }
0xac: {  	s8 =	sld [smem:$0x0]  }
0xad: {  	s9 =	sand.u32 $0xFFFFFFFE, s1  }
0xae: {  	p0 =	sne.s32 s1, s9  }
0xaf: {  	s9 =	sshll.u32 @p0 s9, $0xE  }
0xb0: {  	s9 =	sadd.s32 @p0 $0x11B8D, s9;
	s10 =	sshll.u32 @p0 s8, $0x11  }
0xb1: {  	s9 =	sor.u32 @p0 s10, s9  }
0xb2: {  	[sflag:s9] =	ssyncadd.remote.s32 @p0 $0x1;
	_ =	sdelay $0x1  }
0xb3: {  	s9 =	simm.s32 @p0 $0x1B8D  }
0xb4: {  	_ =	swait.eq @p0 [sflag:s9], $0x1  }
0xb5: {  	[sflag:s9] =	ssyncadd.s32 @p0 $0xFFFFFFFF  }
0xb6: {  	s10 =	sshll.u32 @!p0 s1, $0xE  }
0xb7: {  	s10 =	sor.u32 @!p0 $0x4000, s10;
	s9 =	simm.s32 @!p0 $0x1B8D  }
0xb8: {  	s8 =	sshll.u32 @!p0 s8, $0x11;
	s10 =	sadd.s32 @!p0 $0x11B8D, s10;
	_ =	swait.eq @!p0 [sflag:s9], $0x1  }
0xb9: {  	s8 =	sor.u32 @!p0 s8, s10;
	[sflag:s9] =	ssyncadd.s32 @!p0 $0xFFFFFFFF  }
0xba: {  	s25 =	simm.s32 $0x1B8E;
	s24 =	sld [smem:$0x3FFE];
	[sflag:s8] =	ssyncadd.remote.s32 @!p0 $0x1  }
0xbb: {  	s26 =	simm.s32 $execute0_lowered;
	[smem:$0x3FD2] =	sst s25  }
0xbc: {  	s9 =	sshll.u32 s26, $0x1;
	_ =	strace $0x8000004C;
	[dreg:$0x1] =	wrdreg $0xFFFFFFFF  }
0xbd: {  	s28 =	simm.s32 $_size_execute0_lowered;
	s7 =	sadd.s32 s7, s9;
	[dreg:$0x0] =	wrdreg $0x0  }
0xbe: {  	s9 =	sshll.u32 s28, $0x1;
	[dreg:$0x2] =	wrdreg s7  }
0xbf: {  	[dreg:$0x3] =	wrdreg s9  }
0xc0: {  	[dreg:$0x4] =	wrdreg $0xC0  }
0xc1: {  	_ =	task [dreg:s22], $0x5FFFF  }
0xc2: {  	[dreg:$0x1] =	wrdreg $0xFFFFFFFF  }
0xc3: {  	[dreg:$0x0] =	wrdreg $0x60  }
0xc4: {  	[dreg:$0x2] =	wrdreg s4  }
0xc5: {  	[dreg:$0x3] =	wrdreg s2  }
0xc6: {  	[dreg:$0x4] =	wrdreg s17  }
0xc7: {  	[dreg:$0x5] =	wrdreg s18  }
0xc8: {  	[dreg:$0x6] =	wrdreg s24  }
0xc9: {  	[dreg:$0x7] =	wrdreg $0xA  }
0xca: {  	_ =	task.clear_ibuf [dreg:s22], $0x8FFFF;
	_ =	strace $0x9000004C  }
0xcb: {  	s29 =	simm.s32 $0xA;
	_ =	strace $0x8000004E  }
0xcc: {  	_ =	swait.ge [sflag:s29], $0x1  }
0xcd: {  	[sflag:s29] =	ssyncadd.s32 $0xFFFFFFFF  }
0xce: {  	_ =	strace $0x9000004E  }
0xcf: {  	_ =	sfence  }
0xd0: {  	s30 =	sld [smem:$0x0];
	_ =	sdelay $0x2  }
0xd1: {  	s31 =	sshll.u32 s1, $0xD;
	s1 =	sshrl.u32 s1, $0x2  }
0xd2: {  	s4 =	sand.u32 $0x4000, s31;
	s1 =	sadd.s32 s1, s30  }
0xd3: {  	s0 =	sor.u32 s4, s0;
	s1 =	sshll.u32 s1, $0x11  }
0xd4: {  	s0 =	sor.u32 s1, s0  }
0xd5: {  	s0 =	sadd.s32 $0x8F2B, s0  }
0xd6: {  	[sflag:s0] =	ssyncadd.remote.s32 $0x1  }
0xd7: {  	_ =	sfence.sel $0xFFFF  }
0xd8: {  	[dreg:$0x0] =	wrdreg $0xFFFFFFFF;
	(pc) =	sbr.abs _section_cstart, $3  }
0xd9: {  	[dreg:$0x1] =	wrdreg $0xFFFFFFFF  }
0xda: {  	_ =	task.clear_ibuf [dreg:s22], $0x2FFFF;
	_ =	strace $0x9FFFFFFF  }
0xdb: {  	(tm) =	ssettm $0x7FFFFFFF  }
tec
execute0_lowered:
.L_overlay_start_1:
0x0: {  	(tag) =	ssettag $0x1  }
0x1: {  	s1 =	rddreg [dreg:$0x0]  }
0x2: {  	s0 =	srdreg.scid;
	s5 =	rddreg [dreg:$0x3]  }
0x3: {  	s2 =	stileid.u32;
	s3 =	rddreg [dreg:$0x4];
	s7 =	simm.s32 $0x0  }
0x4: {  	s15 =	simm.s32 $0x80;
	s16 =	simm.s32 $0x400;
	s17 =	simm.s32 $0x1  }
0x5: {  	s19 =	simm.s32 $0x1C900;
	s0 =	sand.u32 $0x1, s0;
	s2 =	sshll.u32 s2, $0x1  }
0x6: {  	s20 =	simm.s32 $0x4;
	s21 =	simm.s32 $0xC380;
	s2 =	sor.u32 s0, s2  }
0x7: {  	s22 =	simm.s32 $0x1D900;
	s23 =	simm.s32 $0x1E900;
	s6 =	smul.u32 $0x34, s2  }
0x8: {  	s24 =	simm.s32 $0x2;
	[smem:$0x7FF] =	sst s7;
	s8 =	sadd.s32 $0x21E00, s3  }
0x9: {  	_ =	strace $0x8000004D;
	s4 =	ssub.s32 $0x2, s0;
	s2 =	sshrl.u32 s6, $0x3  }
0xa: {  	s0 =	sshll.u32 s0, $0x9;
	s29 =	sshrl.u32 s4, $0x1;
	s2 =	smul.u32 $0xC3800, s2  }
.Ltmp0:
0xb: {  	s3 =	ssub.s32 s4, s29;
	s9 =	sadd.s32 $0x33, s6;
	(pc) =	sbr.rel .LBB2_1-.Ltmp0, $4  }
0xc: {  	s30 =	sshrl.u32 s6, $0x6;
	s31 =	smax.u32 s3, $0x1;
	s0 =	sor.u32 s0, s2  }
0xd: {  	s13 =	sadd.s32 $0x34, s6;
	[dreg:$0x8] =	wrdreg s31;
	s0 =	sshrl.u32 s0, $0x3  }
0xe: {  	v0 =	vlaneseq.u32;
	s10 =	sshrl.u32 s9, $0x6;
	[dreg:$0x6] =	wrdreg s30;
	s0 =	sadd.s32 s1, s0  }
0xf: {  	v1 =	vmul.u32 $0x20000, v0;
	s3 =	simm.s32 $0x0;
	p0 =	sgt.u32 s30, s10;
	[dreg:$0x7] =	wrdreg s0  }
.LBB2_2:
0x10: {  	_ =	swait.ge [sflag:s17], $0xC380  }
0x11: {  	[sflag:s17] =	ssyncset.done $0x0  }
0x12: {  	s2 =	simm.s32 $0x3;
	[sflag:s17] =	ssyncadd.s32 $0xFFFF3C80  }
0x13: {  	_ =	swait.ge [sflag:s2], $0x1000  }
0x14: {  	[sflag:s2] =	ssyncset.done $0x0  }
0x15: {  	[sflag:s2] =	ssyncadd.s32 $0xFFFFF000  }
0x16: {  	_ =	swait.ge [sflag:s2], $0x1000  }
0x17: {  	s3 =	rddreg [dreg:$0x9]  }
0x18: {  	s0 =	rddreg [dreg:$0x8];
	s3 =	sadd.s32 $0x1, s3  }
0x19: {  	p1 =	sne.s32 s3, s0  }
.Ltmp1:
0x1a: {  	_ = 	snop;
	(pc) =	sbr.rel @!p1 .LBB2_3-.Ltmp1, $3  }
0x1b: {  	_ =	sdelay $0x1  }
0x1c: {  	[sflag:s2] =	ssyncset.done $0x0  }
0x1d: {  	[sflag:s2] =	ssyncadd.s32 $0xFFFFF000  }
.LBB2_1:
.Ltmp2:
0x1e: {  	(pc) =	sbr.rel @!p0 .LBB2_5-.Ltmp2, $4  }
.Ltmp3:
0x1f: {  	[dreg:$0x9] =	wrdreg s3;
	(pc) =	sbr.rel @p0 .LBB2_2-.Ltmp3, $4  }
0x20: {  	s0 =	rddreg [dreg:$0x7]  }
0x21: {  	s28 =	rddreg [dreg:$0x6]  }
0x22: {  	[tilespmem:s7], [sflag:$0x1] =	stream.strided.gather [hbm4b:s0+s15], $0xC380, s16, s15, $0x38;
	[tilespmem:$0x1F900] =	vst v63  }
0x23: {  	_ = 	snop  }
.LBB2_4:
0x24: {  	p1 =	sge.u32 s26, s10  }
.Ltmp4:
0x25: {  	_ = 	snop;
	(pc) =	sbr.rel @p1 .LBB2_2-.Ltmp4, $1  }
0x26: {  	_ =	sdelay $0x3  }
.LBB2_5:
0x27: {  	s0 =	sshll.u32 s28, $0xC;
	s2 =	sshll.u32 s28, $0x7  }
0x28: {  	s0 =	sand.u32 $0x7FFF8000, s0;
	s2 =	sand.u32 $0x380, s2  }
0x29: {  	s0 =	sor.u32 s2, s0  }
0x2a: {  	s12 =	rddreg [dreg:$0x1];
	s0 =	sshrl.u32 s0, $0x3  }
0x2b: {  	s2 =	sadd.s32 s12, s0  }
0x2c: {  	[tilespmem:s19], [sflag:$0x4] =	stream.strided.gather [hbm4b:s2+s15], $0x1000, s16, s15, $0x38;
	[tilespmem:$0x1F900] =	vst v63  }
0x2d: {  	_ =	swait.ge [sflag:s20], $0x1000  }
0x2e: {  	[sflag:s20] =	ssyncset.done $0x0  }
0x2f: {  	s14 =	simm.s32 $0x1C920;
	[sflag:s20] =	ssyncadd.s32 $0xFFFFF000  }
0x30: {  	v2 =	vld [tilespmem:s14+$0xFFFFFFE0]  }
0x31: {  	s3 =	simm.s32 $0x0  }
0x32: {  	v3 =	vmov s3  }
0x33: {  	v3 =	vshll.u32 v3, $0x11  }
0x34: {  	v3 =	vor.u32 v1, v3  }
0x35: {  	v3 =	vor.u32 v3, v2;
	vm0 =	vlt.s32 v2, $0xC380  }
0x36: {  	vm1 =	vge.s32 v2, $0xC380;
	[tilespmem:s3+$0x18700] =	vst.msk vm0, v3;
	v2 =	vmpcnt.ones.xlane vm0  }
0x37: {  	[tilespmem:s3+$0x19780] =	vst.msk vm1, v3  }
0x38: {  	v2 =	vxor.u32 $0x80000000, v2;
	v3 =	vld [tilespmem:s14+$0xFFFFFFF0]  }
0x39: {  	(xrf0) =	vmax.scan.msk.u32 $0xffff, v2;
	_ =	sdelay $0x3  }
0x3a: {  	vm0 =	vlt.s32 v3, $0xC380  }
0x3b: {  	v2 =	vmpcnt.ones.xlane vm0  }
0x3c: {  	v4, _, _ =	vpop (xrf0)  }
0x3d: {  	v2 =	vxor.u32 $0x80000000, v2;
	(v2sf) =	vpush v4, $0xF  }
0x3e: {  	(xrf0) =	vmax.scan.msk.u32 $0xffff, v2;
	_ =	sdelay $0x5  }
0x3f: {  	v2, _, _ =	vpop (xrf0)  }
0x40: {  	(v2sf) =	vpush v2, $0xF;
	_ =	sdelay $0x4  }
0x41: {  	s18 =	simm.s32 $0x10  }
0x42: {  	v2 =	vmov s18  }
0x43: {  	v2 =	vshll.u32 v2, $0x11;
	s25 =	spop (v2sf)  }
0x44: {  	v2 =	vor.u32 v1, v2;
	s3 =	sxor.u32 $0x80000000, s25  }
0x45: {  	v2 =	vor.u32 v2, v3;
	s4 =	sadd.s32 $0x0, s3  }
0x46: {  	vm1 =	vge.s32 v3, $0xC380;
	s3 =	ssub.s32 $0x0, s3;
	[tilespmem:s4+$0x18700] =	vst.msk vm0, v2  }
0x47: {  	[tilespmem:s3+$0x19790] =	vst.msk vm1, v2  }
0x48: {  	v2 =	vld [tilespmem:s14+$0x0]  }
0x49: {  	s11 =	simm.s32 $0x20  }
0x4a: {  	v3 =	vmov s11  }
0x4b: {  	s26 =	smov.u32 s28;
	v3 =	vshll.u32 v3, $0x11;
	s28 =	spop (v2sf)  }
0x4c: {  	v3 =	vor.u32 v1, v3;
	s11 =	sxor.u32 $0x80000000, s28  }
0x4d: {  	s4 =	sadd.s32 s4, s11;
	v3 =	vor.u32 v3, v2;
	vm0 =	vlt.s32 v2, $0xC380  }
0x4e: {  	s3 =	ssub.s32 s3, s11;
	vm1 =	vge.s32 v2, $0xC380;
	[tilespmem:s4+$0x18700] =	vst.msk vm0, v3;
	v2 =	vmpcnt.ones.xlane vm0  }
0x4f: {  	[tilespmem:s3+$0x197A0] =	vst.msk vm1, v3  }
0x50: {  	v2 =	vxor.u32 $0x80000000, v2;
	v3 =	vld [tilespmem:s14+$0x10]  }
0x51: {  	(xrf0) =	vmax.scan.msk.u32 $0xffff, v2;
	_ =	sdelay $0x3  }
0x52: {  	vm0 =	vlt.s32 v3, $0xC380  }
0x53: {  	v2 =	vmpcnt.ones.xlane vm0  }
0x54: {  	v63, _, _ =	vpop (xrf0)  }
0x55: {  	v2 =	vxor.u32 $0x80000000, v2;
	(v2sf) =	vpush v63, $0xF  }
0x56: {  	(xrf0) =	vmax.scan.msk.u32 $0xffff, v2;
	_ =	sdelay $0x5  }
0x57: {  	v2, _, _ =	vpop (xrf0)  }
0x58: {  	(v2sf) =	vpush v2, $0xF;
	_ =	sdelay $0x4  }
0x59: {  	s29 =	simm.s32 $0x30  }
0x5a: {  	v2 =	vmov s29  }
0x5b: {  	v2 =	vshll.u32 v2, $0x11;
	s30 =	spop (v2sf)  }
0x5c: {  	v2 =	vor.u32 v1, v2;
	s2 =	sxor.u32 $0x80000000, s30  }
0x5d: {  	v2 =	vor.u32 v2, v3;
	s14 =	sadd.s32 s4, s2  }
0x5e: {  	vm1 =	vge.s32 v3, $0xC380;
	s2 =	ssub.s32 s3, s2;
	[tilespmem:s14+$0x18700] =	vst.msk vm0, v2  }
0x5f: {  	s11 =	simm.s32 $0x1C960;
	[tilespmem:s2+$0x197B0] =	vst.msk vm1, v2  }
0x60: {  	v3 =	vld [tilespmem:s11+$0xFFFFFFE0]  }
0x61: {  	s4 =	simm.s32 $0x40  }
0x62: {  	v2 =	vmov s4  }
0x63: {  	v2 =	vshll.u32 v2, $0x11;
	s31 =	spop (v2sf)  }
0x64: {  	v2 =	vor.u32 v1, v2;
	s3 =	sxor.u32 $0x80000000, s31  }
0x65: {  	s12 =	simm.s32 $0x4;
	v2 =	vor.u32 v2, v3;
	vm0 =	vge.s32 v3, $0xC380;
	vm1 =	vlt.s32 v3, $0xC380;
	s14 =	sadd.s32 s14, s3;
	s2 =	ssub.s32 s2, s3  }
.LBB2_6:
0x66: {  	s12 =	sadd.s32 $0x4, s12;
	[tilespmem:s14+$0x18700] =	vst.msk vm1, v2;
	v3 =	vmpcnt.ones.xlane vm1;
	s2 =	sadd.s32 $0x40, s2  }
0x67: {  	p1 =	slt.u32 s12, $0xFC;
	[tilespmem:s2+$0x19780] =	vst.msk vm0, v2  }
0x68: {  	v2 =	vxor.u32 $0x80000000, v3;
	v3 =	vld [tilespmem:s11+$0xFFFFFFF0]  }
0x69: {  	(xrf0) =	vmax.scan.msk.u32 $0xffff, v2;
	_ =	sdelay $0x3  }
0x6a: {  	vm0 =	vlt.s32 v3, $0xC380  }
0x6b: {  	v2 =	vmpcnt.ones.xlane vm0  }
0x6c: {  	v4, _, _ =	vpop (xrf0)  }
0x6d: {  	v2 =	vxor.u32 $0x80000000, v2;
	(v2sf) =	vpush v4, $0xF  }
0x6e: {  	(xrf0) =	vmax.scan.msk.u32 $0xffff, v2;
	_ =	sdelay $0x5  }
0x6f: {  	v2, _, _ =	vpop (xrf0)  }
0x70: {  	(v2sf) =	vpush v2, $0xF;
	_ =	sdelay $0x4  }
0x71: {  	s3 =	sadd.s32 $0x10, s4  }
0x72: {  	v2 =	vmov s3  }
0x73: {  	v2 =	vshll.u32 v2, $0x11;
	s3 =	spop (v2sf)  }
0x74: {  	v2 =	vor.u32 v1, v2;
	s3 =	sxor.u32 $0x80000000, s3  }
0x75: {  	v2 =	vor.u32 v2, v3;
	s14 =	sadd.s32 s14, s3  }
0x76: {  	vm1 =	vge.s32 v3, $0xC380;
	s2 =	ssub.s32 s2, s3;
	[tilespmem:s14+$0x18700] =	vst.msk vm0, v2  }
0x77: {  	[tilespmem:s2+$0x19790] =	vst.msk vm1, v2  }
0x78: {  	v2 =	vld [tilespmem:s11+$0x0]  }
0x79: {  	s3 =	sadd.s32 $0x20, s4  }
0x7a: {  	v3 =	vmov s3  }
0x7b: {  	v3 =	vshll.u32 v3, $0x11;
	s3 =	spop (v2sf)  }
0x7c: {  	v3 =	vor.u32 v1, v3;
	s3 =	sxor.u32 $0x80000000, s3  }
0x7d: {  	s14 =	sadd.s32 s14, s3;
	s2 =	ssub.s32 s2, s3;
	v3 =	vor.u32 v3, v2;
	vm0 =	vlt.s32 v2, $0xC380  }
0x7e: {  	vm1 =	vge.s32 v2, $0xC380;
	[tilespmem:s14+$0x18700] =	vst.msk vm0, v3;
	v2 =	vmpcnt.ones.xlane vm0  }
0x7f: {  	[tilespmem:s2+$0x197A0] =	vst.msk vm1, v3  }
0x80: {  	v2 =	vxor.u32 $0x80000000, v2;
	v3 =	vld [tilespmem:s11+$0x10]  }
0x81: {  	(xrf0) =	vmax.scan.msk.u32 $0xffff, v2;
	_ =	sdelay $0x3  }
0x82: {  	vm0 =	vlt.s32 v3, $0xC380  }
0x83: {  	v2 =	vmpcnt.ones.xlane vm0  }
0x84: {  	v4, _, _ =	vpop (xrf0)  }
0x85: {  	v2 =	vxor.u32 $0x80000000, v2;
	(v2sf) =	vpush v4, $0xF  }
0x86: {  	(xrf0) =	vmax.scan.msk.u32 $0xffff, v2;
	_ =	sdelay $0x5  }
0x87: {  	v2, _, _ =	vpop (xrf0)  }
0x88: {  	(v2sf) =	vpush v2, $0xF;
	_ =	sdelay $0x4  }
0x89: {  	s3 =	sadd.s32 $0x30, s4  }
0x8a: {  	v2 =	vmov s3  }
0x8b: {  	v2 =	vshll.u32 v2, $0x11;
	s3 =	spop (v2sf)  }
0x8c: {  	v2 =	vor.u32 v1, v2;
	s3 =	sxor.u32 $0x80000000, s3  }
0x8d: {  	v2 =	vor.u32 v2, v3;
	s14 =	sadd.s32 s14, s3  }
0x8e: {  	vm1 =	vge.s32 v3, $0xC380;
	s2 =	ssub.s32 s2, s3;
	[tilespmem:s14+$0x18700] =	vst.msk vm0, v2  }
0x8f: {  	s11 =	sadd.s32 $0x40, s11;
	[tilespmem:s2+$0x197B0] =	vst.msk vm1, v2  }
0x90: {  	v3 =	vld [tilespmem:s11+$0xFFFFFFE0]  }
.Ltmp5:
0x91: {  	s4 =	sadd.s32 $0x40, s4;
	(pc) =	sbr.rel @p1 .LBB2_6-.Ltmp5, $4  }
0x92: {  	v2 =	vmov s4  }
0x93: {  	v2 =	vshll.u32 v2, $0x11;
	s3 =	spop (v2sf)  }
0x94: {  	v2 =	vor.u32 v1, v2;
	s3 =	sxor.u32 $0x80000000, s3  }
0x95: {  	v2 =	vor.u32 v2, v3;
	vm0 =	vge.s32 v3, $0xC380;
	vm1 =	vlt.s32 v3, $0xC380;
	s14 =	sadd.s32 s14, s3;
	s2 =	ssub.s32 s2, s3  }
0x96: {  	[tilespmem:s14+$0x18700] =	vst.msk vm1, v2;
	v3 =	vmpcnt.ones.xlane vm1;
	s2 =	sadd.s32 $0x40, s2  }
0x97: {  	[tilespmem:s2+$0x19780] =	vst.msk vm0, v2  }
0x98: {  	v2 =	vxor.u32 $0x80000000, v3;
	v3 =	vld [tilespmem:s11+$0xFFFFFFF0]  }
0x99: {  	(xrf0) =	vmax.scan.msk.u32 $0xffff, v2;
	_ =	sdelay $0x3  }
0x9a: {  	vm0 =	vlt.s32 v3, $0xC380  }
0x9b: {  	v2 =	vmpcnt.ones.xlane vm0  }
0x9c: {  	v4, _, _ =	vpop (xrf0)  }
0x9d: {  	v2 =	vxor.u32 $0x80000000, v2;
	(v2sf) =	vpush v4, $0xF  }
0x9e: {  	(xrf0) =	vmax.scan.msk.u32 $0xffff, v2;
	_ =	sdelay $0x5  }
0x9f: {  	v2, _, _ =	vpop (xrf0)  }
0xa0: {  	(v2sf) =	vpush v2, $0xF;
	_ =	sdelay $0x4  }
0xa1: {  	s3 =	sadd.s32 $0x10, s4  }
0xa2: {  	v2 =	vmov s3  }
0xa3: {  	v2 =	vshll.u32 v2, $0x11;
	s30 =	spop (v2sf)  }
0xa4: {  	v2 =	vor.u32 v1, v2;
	s3 =	sxor.u32 $0x80000000, s30  }
0xa5: {  	v2 =	vor.u32 v2, v3;
	s12 =	sadd.s32 s14, s3  }
0xa6: {  	vm1 =	vge.s32 v3, $0xC380;
	s2 =	ssub.s32 s2, s3;
	[tilespmem:s12+$0x18700] =	vst.msk vm0, v2  }
0xa7: {  	[tilespmem:s2+$0x19790] =	vst.msk vm1, v2  }
0xa8: {  	v2 =	vld [tilespmem:s11+$0x0]  }
0xa9: {  	s31 =	sadd.s32 $0x20, s4  }
0xaa: {  	v3 =	vmov s31  }
0xab: {  	v3 =	vshll.u32 v3, $0x11;
	s14 =	spop (v2sf)  }
0xac: {  	v3 =	vor.u32 v1, v3;
	s3 =	sxor.u32 $0x80000000, s14  }
0xad: {  	s12 =	sadd.s32 s12, s3;
	v3 =	vor.u32 v3, v2;
	vm0 =	vlt.s32 v2, $0xC380  }
0xae: {  	s2 =	ssub.s32 s2, s3;
	vm1 =	vge.s32 v2, $0xC380;
	[tilespmem:s12+$0x18700] =	vst.msk vm0, v3  }
0xaf: {  	[tilespmem:s2+$0x197A0] =	vst.msk vm1, v3  }
0xb0: {  	v2 =	vld [tilespmem:s11+$0x10];
	_ =	sdelay $0x1  }
0xb1: {  	v3 =	vmpcnt.ones.xlane vm0;
	_ =	sdelay $0x1  }
0xb2: {  	v3 =	vxor.u32 $0x80000000, v3  }
0xb3: {  	(xrf0) =	vmax.scan.msk.u32 $0xffff, v3;
	vm0 =	vlt.s32 v2, $0xC380  }
0xb4: {  	v3 =	vmpcnt.ones.xlane vm0;
	_ =	sdelay $0x1  }
0xb5: {  	v3 =	vxor.u32 $0x80000000, v3  }
0xb6: {  	(xrf0) =	vmax.scan.msk.u32 $0xffff, v3;
	_ =	sdelay $0x1  }
0xb7: {  	v3, _, _ =	vpop (xrf0)  }
0xb8: {  	(v2sf) =	vpush v3, $0xF;
	_ =	sdelay $0x2  }
0xb9: {  	v3, _, _ =	vpop (xrf0)  }
0xba: {  	(v2sf) =	vpush v3, $0xF;
	_ =	sdelay $0x8  }
0xbb: {  	s18 =	sadd.s32 $0x30, s4  }
0xbc: {  	v3 =	vmov s18  }
0xbd: {  	v3 =	vshll.u32 v3, $0x11;
	s25 =	spop (v2sf)  }
0xbe: {  	v3 =	vor.u32 v1, v3;
	s3 =	sxor.u32 $0x80000000, s25  }
0xbf: {  	v3 =	vor.u32 v3, v2;
	s11 =	sadd.s32 s12, s3  }
0xc0: {  	s29 =	rddreg [dreg:$0x2];
	vm1 =	vge.s32 v2, $0xC380;
	s14 =	ssub.s32 s2, s3;
	[tilespmem:s11+$0x18700] =	vst.msk vm0, v3  }
0xc1: {  	s0 =	sadd.s32 s29, s0;
	[tilespmem:s14+$0x197B0] =	vst.msk vm1, v3;
	s28 =	spop (v2sf)  }
0xc2: {  	[tilespmem:s19], [sflag:$0x4] =	stream.strided.gather [hbm4b:s0+s15], $0x1000, s16, s15, $0x38;
	[tilespmem:$0x1F900] =	vst v63  }
0xc3: {  	_ =	swait.ge [sflag:s20], $0x1000  }
0xc4: {  	[sflag:s20] =	ssyncset.done $0x0  }
0xc5: {  	s30 =	simm.s32 $0x1C920;
	[sflag:s20] =	ssyncadd.s32 $0xFFFFF000  }
0xc6: {  	v2 =	vld [tilespmem:s30+$0xFFFFFFE0]  }
0xc7: {  	s31 =	simm.s32 $0x0  }
0xc8: {  	v3 =	vmov s31  }
0xc9: {  	v3 =	vshll.u32 v3, $0x11  }
0xca: {  	v3 =	vor.u32 v1, v3  }
0xcb: {  	v3 =	vor.u32 v3, v2;
	vm0 =	vlt.s32 v2, $0xC380  }
0xcc: {  	vm1 =	vge.s32 v2, $0xC380;
	[tilespmem:s31+$0x1A800] =	vst.msk vm0, v3;
	v2 =	vmpcnt.ones.xlane vm0  }
0xcd: {  	[tilespmem:s31+$0x1B880] =	vst.msk vm1, v3  }
0xce: {  	v2 =	vxor.u32 $0x80000000, v2;
	v3 =	vld [tilespmem:s30+$0xFFFFFFF0]  }
0xcf: {  	(xrf0) =	vmax.scan.msk.u32 $0xffff, v2;
	_ =	sdelay $0x3  }
0xd0: {  	vm0 =	vlt.s32 v3, $0xC380  }
0xd1: {  	v2 =	vmpcnt.ones.xlane vm0  }
0xd2: {  	v62, _, _ =	vpop (xrf0)  }
0xd3: {  	v2 =	vxor.u32 $0x80000000, v2;
	(v2sf) =	vpush v62, $0xF  }
0xd4: {  	(xrf0) =	vmax.scan.msk.u32 $0xffff, v2;
	_ =	sdelay $0x5  }
0xd5: {  	v2, _, _ =	vpop (xrf0)  }
0xd6: {  	(v2sf) =	vpush v2, $0xF;
	_ =	sdelay $0x4  }
0xd7: {  	s3 =	simm.s32 $0x10  }
0xd8: {  	v2 =	vmov s3  }
0xd9: {  	v2 =	vshll.u32 v2, $0x11;
	s4 =	spop (v2sf)  }
0xda: {  	v2 =	vor.u32 v1, v2;
	s2 =	sxor.u32 $0x80000000, s4  }
0xdb: {  	v2 =	vor.u32 v2, v3;
	s12 =	sadd.s32 $0x0, s2  }
0xdc: {  	vm1 =	vge.s32 v3, $0xC380;
	s2 =	ssub.s32 $0x0, s2;
	[tilespmem:s12+$0x1A800] =	vst.msk vm0, v2  }
0xdd: {  	[tilespmem:s2+$0x1B890] =	vst.msk vm1, v2  }
0xde: {  	v2 =	vld [tilespmem:s30+$0x0]  }
0xdf: {  	s18 =	simm.s32 $0x20  }
0xe0: {  	v3 =	vmov s18  }
0xe1: {  	v3 =	vshll.u32 v3, $0x11;
	s25 =	spop (v2sf)  }
0xe2: {  	v3 =	vor.u32 v1, v3;
	s4 =	sxor.u32 $0x80000000, s25  }
0xe3: {  	s3 =	sadd.s32 s12, s4;
	v3 =	vor.u32 v3, v2;
	vm0 =	vlt.s32 v2, $0xC380  }
0xe4: {  	s2 =	ssub.s32 s2, s4;
	vm1 =	vge.s32 v2, $0xC380;
	[tilespmem:s3+$0x1A800] =	vst.msk vm0, v3;
	v2 =	vmpcnt.ones.xlane vm0  }
0xe5: {  	[tilespmem:s2+$0x1B8A0] =	vst.msk vm1, v3  }
0xe6: {  	v2 =	vxor.u32 $0x80000000, v2;
	v3 =	vld [tilespmem:s30+$0x10]  }
0xe7: {  	(xrf0) =	vmax.scan.msk.u32 $0xffff, v2;
	_ =	sdelay $0x3  }
0xe8: {  	vm0 =	vlt.s32 v3, $0xC380  }
0xe9: {  	v2 =	vmpcnt.ones.xlane vm0  }
0xea: {  	v63, _, _ =	vpop (xrf0)  }
0xeb: {  	v2 =	vxor.u32 $0x80000000, v2;
	(v2sf) =	vpush v63, $0xF  }
0xec: {  	(xrf0) =	vmax.scan.msk.u32 $0xffff, v2;
	_ =	sdelay $0x5  }
0xed: {  	v2, _, _ =	vpop (xrf0)  }
0xee: {  	(v2sf) =	vpush v2, $0xF;
	_ =	sdelay $0x4  }
0xef: {  	s29 =	simm.s32 $0x30  }
0xf0: {  	v2 =	vmov s29  }
0xf1: {  	v2 =	vshll.u32 v2, $0x11;
	s30 =	spop (v2sf)  }
0xf2: {  	v2 =	vor.u32 v1, v2;
	s0 =	sxor.u32 $0x80000000, s30  }
0xf3: {  	v2 =	vor.u32 v2, v3;
	s3 =	sadd.s32 s3, s0  }
0xf4: {  	vm1 =	vge.s32 v3, $0xC380;
	s2 =	ssub.s32 s2, s0;
	[tilespmem:s3+$0x1A800] =	vst.msk vm0, v2  }
0xf5: {  	s12 =	simm.s32 $0x1C960;
	[tilespmem:s2+$0x1B8B0] =	vst.msk vm1, v2  }
0xf6: {  	v3 =	vld [tilespmem:s12+$0xFFFFFFE0]  }
0xf7: {  	s4 =	simm.s32 $0x40  }
0xf8: {  	s31 =	sxor.u32 $0x80000000, s28;
	v2 =	vmov s4  }
0xf9: {  	s14 =	ssub.s32 s14, s31;
	v2 =	vshll.u32 v2, $0x11;
	s18 =	spop (v2sf)  }
0xfa: {  	s0 =	sadd.s32 s11, s31;
	s11 =	sadd.s32 $0x40, s14;
	v2 =	vor.u32 v1, v2;
	s18 =	sxor.u32 $0x80000000, s18  }
0xfb: {  	s14 =	simm.s32 $0x4;
	v2 =	vor.u32 v2, v3;
	vm0 =	vge.s32 v3, $0xC380;
	vm1 =	vlt.s32 v3, $0xC380;
	s28 =	sadd.s32 s3, s18;
	s2 =	ssub.s32 s2, s18  }
.LBB2_8:
0xfc: {  	s14 =	sadd.s32 $0x4, s14;
	[tilespmem:s28+$0x1A800] =	vst.msk vm1, v2;
	v3 =	vmpcnt.ones.xlane vm1;
	s2 =	sadd.s32 $0x40, s2  }
0xfd: {  	p1 =	slt.u32 s14, $0xFC;
	[tilespmem:s2+$0x1B880] =	vst.msk vm0, v2  }
0xfe: {  	v2 =	vxor.u32 $0x80000000, v3;
	v3 =	vld [tilespmem:s12+$0xFFFFFFF0]  }
0xff: {  	(xrf0) =	vmax.scan.msk.u32 $0xffff, v2;
	_ =	sdelay $0x3  }
0x100: {  	vm0 =	vlt.s32 v3, $0xC380  }
0x101: {  	v2 =	vmpcnt.ones.xlane vm0  }
0x102: {  	v4, _, _ =	vpop (xrf0)  }
0x103: {  	v2 =	vxor.u32 $0x80000000, v2;
	(v2sf) =	vpush v4, $0xF  }
0x104: {  	(xrf0) =	vmax.scan.msk.u32 $0xffff, v2;
	_ =	sdelay $0x5  }
0x105: {  	v2, _, _ =	vpop (xrf0)  }
0x106: {  	(v2sf) =	vpush v2, $0xF;
	_ =	sdelay $0x4  }
0x107: {  	s3 =	sadd.s32 $0x10, s4  }
0x108: {  	v2 =	vmov s3  }
0x109: {  	v2 =	vshll.u32 v2, $0x11;
	s3 =	spop (v2sf)  }
0x10a: {  	v2 =	vor.u32 v1, v2;
	s3 =	sxor.u32 $0x80000000, s3  }
0x10b: {  	v2 =	vor.u32 v2, v3;
	s18 =	sadd.s32 s28, s3  }
0x10c: {  	vm1 =	vge.s32 v3, $0xC380;
	s2 =	ssub.s32 s2, s3;
	[tilespmem:s18+$0x1A800] =	vst.msk vm0, v2  }
0x10d: {  	[tilespmem:s2+$0x1B890] =	vst.msk vm1, v2  }
0x10e: {  	v2 =	vld [tilespmem:s12+$0x0]  }
0x10f: {  	s3 =	sadd.s32 $0x20, s4  }
0x110: {  	v3 =	vmov s3  }
0x111: {  	v3 =	vshll.u32 v3, $0x11;
	s3 =	spop (v2sf)  }
0x112: {  	v3 =	vor.u32 v1, v3;
	s3 =	sxor.u32 $0x80000000, s3  }
0x113: {  	s18 =	sadd.s32 s18, s3;
	s2 =	ssub.s32 s2, s3;
	v3 =	vor.u32 v3, v2;
	vm0 =	vlt.s32 v2, $0xC380  }
0x114: {  	vm1 =	vge.s32 v2, $0xC380;
	[tilespmem:s18+$0x1A800] =	vst.msk vm0, v3;
	v2 =	vmpcnt.ones.xlane vm0  }
0x115: {  	[tilespmem:s2+$0x1B8A0] =	vst.msk vm1, v3  }
0x116: {  	v2 =	vxor.u32 $0x80000000, v2;
	v3 =	vld [tilespmem:s12+$0x10]  }
0x117: {  	(xrf0) =	vmax.scan.msk.u32 $0xffff, v2;
	_ =	sdelay $0x3  }
0x118: {  	vm0 =	vlt.s32 v3, $0xC380  }
0x119: {  	v2 =	vmpcnt.ones.xlane vm0  }
0x11a: {  	v4, _, _ =	vpop (xrf0)  }
0x11b: {  	v2 =	vxor.u32 $0x80000000, v2;
	(v2sf) =	vpush v4, $0xF  }
0x11c: {  	(xrf0) =	vmax.scan.msk.u32 $0xffff, v2;
	_ =	sdelay $0x5  }
0x11d: {  	v2, _, _ =	vpop (xrf0)  }
0x11e: {  	(v2sf) =	vpush v2, $0xF;
	_ =	sdelay $0x4  }
0x11f: {  	s3 =	sadd.s32 $0x30, s4  }
0x120: {  	v2 =	vmov s3  }
0x121: {  	v2 =	vshll.u32 v2, $0x11;
	s3 =	spop (v2sf)  }
0x122: {  	v2 =	vor.u32 v1, v2;
	s3 =	sxor.u32 $0x80000000, s3  }
0x123: {  	v2 =	vor.u32 v2, v3;
	s18 =	sadd.s32 s18, s3  }
0x124: {  	vm1 =	vge.s32 v3, $0xC380;
	s2 =	ssub.s32 s2, s3;
	[tilespmem:s18+$0x1A800] =	vst.msk vm0, v2  }
0x125: {  	s12 =	sadd.s32 $0x40, s12;
	[tilespmem:s2+$0x1B8B0] =	vst.msk vm1, v2  }
0x126: {  	v3 =	vld [tilespmem:s12+$0xFFFFFFE0]  }
.Ltmp6:
0x127: {  	s4 =	sadd.s32 $0x40, s4;
	(pc) =	sbr.rel @p1 .LBB2_8-.Ltmp6, $4  }
0x128: {  	v2 =	vmov s4  }
0x129: {  	v2 =	vshll.u32 v2, $0x11;
	s3 =	spop (v2sf)  }
0x12a: {  	v2 =	vor.u32 v1, v2;
	s3 =	sxor.u32 $0x80000000, s3  }
0x12b: {  	v2 =	vor.u32 v2, v3;
	vm0 =	vge.s32 v3, $0xC380;
	vm1 =	vlt.s32 v3, $0xC380;
	s28 =	sadd.s32 s18, s3;
	s2 =	ssub.s32 s2, s3  }
0x12c: {  	[tilespmem:s28+$0x1A800] =	vst.msk vm1, v2;
	v3 =	vmpcnt.ones.xlane vm1;
	s2 =	sadd.s32 $0x40, s2  }
0x12d: {  	[tilespmem:s2+$0x1B880] =	vst.msk vm0, v2  }
0x12e: {  	v2 =	vxor.u32 $0x80000000, v3;
	v3 =	vld [tilespmem:s12+$0xFFFFFFF0]  }
0x12f: {  	(xrf0) =	vmax.scan.msk.u32 $0xffff, v2;
	_ =	sdelay $0x3  }
0x130: {  	vm10 =	vlt.s32 v3, $0xC380  }
0x131: {  	v2 =	vmpcnt.ones.xlane vm10  }
0x132: {  	v4, _, _ =	vpop (xrf0)  }
0x133: {  	v2 =	vxor.u32 $0x80000000, v2;
	(v2sf) =	vpush v4, $0xF  }
0x134: {  	(xrf0) =	vmax.scan.msk.u32 $0xffff, v2;
	_ =	sdelay $0x5  }
0x135: {  	v2, _, _ =	vpop (xrf0)  }
0x136: {  	(v2sf) =	vpush v2, $0xF;
	_ =	sdelay $0x4  }
0x137: {  	s3 =	sadd.s32 $0x10, s4  }
0x138: {  	v2 =	vmov s3  }
0x139: {  	v2 =	vshll.u32 v2, $0x11;
	s14 =	spop (v2sf)  }
0x13a: {  	v2 =	vor.u32 v1, v2;
	s3 =	sxor.u32 $0x80000000, s14  }
0x13b: {  	v2 =	vor.u32 v2, v3;
	s14 =	sadd.s32 s28, s3  }
0x13c: {  	vm11 =	vge.s32 v3, $0xC380;
	s2 =	ssub.s32 s2, s3;
	[tilespmem:s14+$0x1A800] =	vst.msk vm10, v2  }
0x13d: {  	[tilespmem:s2+$0x1B890] =	vst.msk vm11, v2  }
0x13e: {  	v2 =	vld [tilespmem:s12+$0x0]  }
0x13f: {  	s18 =	sadd.s32 $0x20, s4  }
0x140: {  	v3 =	vmov s18  }
0x141: {  	v3 =	vshll.u32 v3, $0x11;
	s25 =	spop (v2sf)  }
0x142: {  	v3 =	vor.u32 v1, v3;
	s3 =	sxor.u32 $0x80000000, s25  }
0x143: {  	s14 =	sadd.s32 s14, s3;
	v3 =	vor.u32 v3, v2;
	vm12 =	vlt.s32 v2, $0xC380  }
0x144: {  	s2 =	ssub.s32 s2, s3;
	vm13 =	vge.s32 v2, $0xC380;
	[tilespmem:s14+$0x1A800] =	vst.msk vm12, v3  }
0x145: {  	[tilespmem:s2+$0x1B8A0] =	vst.msk vm13, v3  }
0x146: {  	v2 =	vld [tilespmem:s12+$0x10];
	_ =	sdelay $0x2  }
0x147: {  	v3 =	vmpcnt.ones.xlane vm12;
	_ =	sdelay $0x1  }
0x148: {  	v3 =	vxor.u32 $0x80000000, v3;
	vm14 =	vlt.s32 v2, $0xC380  }
0x149: {  	(xrf0) =	vmax.scan.msk.u32 $0xffff, v3;
	v3 =	vmpcnt.ones.xlane vm14;
	_ =	sdelay $0x1  }
0x14a: {  	v3 =	vxor.u32 $0x80000000, v3  }
0x14b: {  	(xrf0) =	vmax.scan.msk.u32 $0xffff, v3;
	_ =	sdelay $0x4  }
0x14c: {  	v3, _, _ =	vpop (xrf0)  }
0x14d: {  	(v2sf) =	vpush v3, $0xF;
	v3, _, _ =	vpop (xrf0)  }
0x14e: {  	(v2sf) =	vpush v3, $0xF;
	_ =	sdelay $0x9  }
0x14f: {  	s29 =	sshll.u32 s26, $0x6;
	s28 =	sadd.s32 $0x1, s26  }
0x150: {  	p1 =	sgt.s32 s6, s29;
	s25 =	sshll.u32 s28, $0x6  }
0x151: {  	s29 =	smov.u32 @p1 s6;
	s30 =	smin.u32 s13, s25;
	s12 =	sadd.s32 $0x30, s4  }
0x152: {  	p1 =	sge.u32 s29, s30;
	v3 =	vmov s12  }
.Ltmp7:
0x153: {  	v3 =	vshll.u32 v3, $0x11;
	s31 =	spop (v2sf);
	(pc) =	sbr.rel @p1 .LBB2_4-.Ltmp7, $4  }
0x154: {  	v3 =	vor.u32 v1, v3;
	s3 =	sxor.u32 $0x80000000, s31;
	s18 =	spop (v2sf)  }
0x155: {  	v3 =	vor.u32 v3, v2;
	s14 =	sadd.s32 s14, s3;
	s2 =	ssub.s32 s2, s3;
	s3 =	sxor.u32 $0x80000000, s18  }
0x156: {  	vm15 =	vge.s32 v2, $0xC380;
	[tilespmem:s14+$0x1A800] =	vst.msk vm14, v3;
	s31 =	ssub.s32 s2, s3  }
0x157: {  	[tilespmem:s2+$0x1B8B0] =	vst.msk vm15, v3;
	s18 =	sadd.s32 s14, s3;
	s14 =	sadd.s32 $0x40, s31  }
0x158: {  	s2 =	sadd.s32 $0xF, s0  }
0x159: {  	s3 =	sshra.s32 s2, $0x1F;
	s4 =	sand.u32 $0xF, s2;
	p1 =	slt.s32 s2, $0x1  }
0x15a: {  	s3 =	sshrl.u32 s3, $0x1C;
	p2 =	sne.s32 s4, $0x0;
	s4 =	sadd.s32 $0xF, s18  }
0x15b: {  	s2 =	sadd.s32 s3, s2;
	p1 =	por !p1, !p2;
	s3 =	simm.s32 $0x1  }
0x15c: {  	s12 =	sand.u32 $0xF, s4;
	s25 =	sshra.s32 s4, $0x1F;
	p2 =	slt.s32 s4, $0x1  }
0x15d: {  	p1 =	por !p1, !p1;
	s2 =	sshra.s32 s2, $0x4;
	p3 =	sne.s32 s12, $0x0  }
0x15e: {  	s25 =	sshrl.u32 s25, $0x1C;
	s12 =	sadd.s32 $0xF, s11;
	s3 =	simm.s32 @!p1 $0x0  }
0x15f: {  	p1 =	por !p2, !p3;
	p4 =	slt.s32 s12, $0x1;
	s31 =	ssub.s32 s2, s3  }
0x160: {  	s2 =	sadd.s32 s25, s4;
	p1 =	por !p1, !p1;
	s3 =	simm.s32 $0x1  }
0x161: {  	s25 =	sand.u32 $0xF, s12;
	s2 =	sshra.s32 s2, $0x4;
	s3 =	simm.s32 @!p1 $0x0  }
0x162: {  	p5 =	sne.s32 s25, $0x0;
	s4 =	ssub.s32 s2, s3;
	s3 =	sshra.s32 s12, $0x1F  }
0x163: {  	p1 =	por !p4, !p5;
	s2 =	sshrl.u32 s3, $0x1C  }
0x164: {  	s3 =	sadd.s32 $0xF, s14;
	p1 =	por !p1, !p1;
	s2 =	sadd.s32 s2, s12  }
0x165: {  	s12 =	sand.u32 $0xF, s3;
	s25 =	sshra.s32 s3, $0x1F;
	p6 =	slt.s32 s3, $0x1  }
0x166: {  	s2 =	sshra.s32 s2, $0x4;
	p3 =	sne.s32 s12, $0x0;
	s12 =	simm.s32 $0x1  }
.Ltmp8:
0x167: {  	s25 =	sshrl.u32 s25, $0x1C;
	p2 =	por !p6, !p3;
	(pc) =	sbr.rel .LBB2_11-.Ltmp8, $4  }
0x168: {  	s3 =	sadd.s32 s25, s3;
	s25 =	simm.s32 $0x1;
	p2 =	por !p2, !p2  }
0x169: {  	s12 =	simm.s32 @!p1 $0x0;
	s3 =	sshra.s32 s3, $0x4;
	s25 =	simm.s32 @!p2 $0x0  }
0x16a: {  	v2 =	vmov s0;
	p1 =	slt.s32 s31, $0x1;
	s0 =	ssub.s32 s2, s12;
	s12 =	ssub.s32 s3, s25  }
0x16b: {  	v3 =	vmov s18;
	v4 =	vmov s11;
	v5 =	vmov s14;
	p2 =	slt.s32 s4, $0x1;
	p3 =	slt.s32 s0, $0x1;
	p4 =	slt.s32 s12, $0x1  }
.LBB2_34:
0x16c: {  	s25 =	simm.s32 $0x0  }
.LBB2_38:
0x16d: {  	s2 =	sadd.s32 @p5 $0x10, s25  }
0x16e: {  	s18 =	smov.u32 @p5 s2  }
0x16f: {  	v7 =	vor.u32 s18, v0  }
0x170: {  	vm0 =	vlt.s32 v7, v5;
	v7 =	vand.u32 $0x1FFFF, v6  }
0x171: {  	v7 =	vadd.s32 $0xFFFF3C80, v7;
	_ =	sdelay $0x4  }
0x172: {  	v6 =	vshrl.u32 v6, $0x11;
	v7 =	vld.idx.msk [tilespmem:v7+s21+$0x0], vm0;
	_ =	sdelay $0x4  }
0x173: {  	[tilespmem:v6+s23+$0x0] =	vst.idx.msk vm0, v7  }
.LBB2_39:
0x174: {  	s2 =	sshll.u32 s14, $0xF  }
0x175: {  	p5 =	slt.u32 s29, s30;
	s2 =	sor.u32 s11, s2  }
.Ltmp9:
0x176: {  	s2 =	sshrl.u32 s2, $0x3;
	(pc) =	sbr.rel @!p5 .LBB2_4-.Ltmp9, $4  }
0x177: {  	s3 =	sadd.s32 s5, s2  }
0x178: {  	[hbm4b:s3+s15] =	stream.strided.scatter [tilespmem:s22], [sflag:$0x3], $0x1000, s16, s15, $0x38;
	[tilespmem:$0x1F900] =	vst v63  }
0x179: {  	s2 =	sadd.s32 s8, s2  }
0x17a: {  	[hbm4b:s2+s15] =	stream.strided.scatter [tilespmem:s23], [sflag:$0x3], $0x1000, s16, s15, $0x38;
	[tilespmem:$0x1F900] =	vst v63  }
.LBB2_11:
0x17b: {  	s14 =	sshrl.u32 s29, $0x3  }
0x17c: {  	s2 =	sshll.u32 s29, $0x7;
	s3 =	smul.u32 $0xC3800, s14  }
0x17d: {  	s11 =	sand.u32 $0x380, s2  }
0x17e: {  	s2 =	sor.u32 s11, s3  }
0x17f: {  	_ =	swait.ge [sflag:s17], $0xC380;
	s2 =	sshrl.u32 s2, $0x3  }
0x180: {  	[sflag:s17] =	ssyncset.done $0x0;
	s2 =	sadd.s32 s1, s2  }
0x181: {  	p5 =	sle.u32 s29, s6;
	[sflag:s17] =	ssyncadd.s32 $0xFFFF3C80;
	s2 =	sadd.s32 $0xC380, s2  }
0x182: {  	[tilespmem:s21], [sflag:$0x2] =	stream.strided.gather [hbm4b:s2+s15], $0xC380, s16, s15, $0x38;
	[tilespmem:$0x1F900] =	vst v63  }
0x183: {  	s2 =	simm.s32 @!p5 $0x3  }
0x184: {  	_ =	swait.ge @!p5 [sflag:s2], $0x1000  }
.Ltmp10:
0x185: {  	[sflag:s2] =	ssyncset.done @!p5 $0x0;
	(pc) =	sbr.rel @p1 .LBB2_18-.Ltmp10, $4  }
0x186: {  	[sflag:s2] =	ssyncadd.s32 @!p5 $0xFFFFF000  }
0x187: {  	_ =	swait.ge @!p5 [sflag:s2], $0x1000  }
0x188: {  	[sflag:s2] =	ssyncset.done @!p5 $0x0  }
0x189: {  	[sflag:s2] =	ssyncadd.s32 @!p5 $0xFFFFF000  }
0x18a: {  	p6 =	sne.s32 s31, $0x1  }
.Ltmp11:
0x18b: {  	_ = 	snop;
	(pc) =	sbr.rel @!p6 .LBB2_13-.Ltmp11, $3  }
0x18c: {  	_ =	sdelay $0x1  }
0x18d: {  	s2 =	simm.s32 $0x18700  }
0x18e: {  	s18 =	simm.s32 $0x0;
	p5 =	por $0x0, $0x0;
	v6 =	vld [tilespmem:s2+$0x0];
	s2 =	sadd.s32 $0xFFFFFFFF, s31  }
0x18f: {  	_ =	sdelay $0x1  }
0x190: {  	v7 =	vor.u32 s18, v0  }
0x191: {  	vm0 =	vlt.s32 v7, v2  }
0x192: {  	v7 =	vand.u32 $0x1FFFF, v6;
	_ =	sdelay $0x4  }
0x193: {  	v6 =	vshrl.u32 v6, $0x11;
	v7 =	vld.idx.msk [tilespmem:v7+s7+$0x0], vm0  }
0x194: {  	p6 =	sne.s32 s2, $0x1  }
.Ltmp12:
0x195: {  	_ = 	snop;
	(pc) =	sbr.rel @!p6 .LBB2_15-.Ltmp12, $3  }
0x196: {  	_ =	sdelay $0x1  }
0x197: {  	s25 =	simm.s32 $0x18710;
	[tilespmem:v6+s22+$0x0] =	vst.idx.msk vm0, v7  }
0x198: {  	s3 =	sadd.s32 $0xFFFFFFFF, s2;
	p5 =	por $0x1, $0x1;
	s2 =	simm.s32 $0x0;
	v6 =	vld [tilespmem:s25+$0x0]  }
.LBB2_16:
0x199: {  	p6 =	sne.s32 s3, $0x1  }
0x19a: {  	s2 =	sadd.s32 $0x10, s2  }
0x19b: {  	v7 =	vor.u32 s2, v0  }
0x19c: {  	vm0 =	vlt.s32 v7, v2  }
0x19d: {  	v7 =	vand.u32 $0x1FFFF, v6;
	_ =	sdelay $0x4  }
0x19e: {  	v7 =	vld.idx.msk [tilespmem:v7+s7+$0x0], vm0  }
0x19f: {  	v6 =	vshrl.u32 v6, $0x11;
	_ =	sdelay $0x1  }
.Ltmp13:
0x1a0: {  	(pc) =	sbr.rel @p6 .LBB2_16-.Ltmp13, $3  }
0x1a1: {  	_ =	sdelay $0x1  }
0x1a2: {  	s25 =	sadd.s32 $0x10, s25;
	[tilespmem:v6+s22+$0x0] =	vst.idx.msk vm0, v7  }
0x1a3: {  	s3 =	sadd.s32 $0xFFFFFFFF, s3;
	v6 =	vld [tilespmem:s25+$0x0]  }
.LBB2_17:
0x1a4: {  	s2 =	sadd.s32 @p5 $0x10, s2  }
0x1a5: {  	s18 =	smov.u32 @p5 s2  }
0x1a6: {  	v7 =	vor.u32 s18, v0  }
0x1a7: {  	vm0 =	vlt.s32 v7, v2  }
0x1a8: {  	v7 =	vand.u32 $0x1FFFF, v6;
	_ =	sdelay $0x4  }
0x1a9: {  	v6 =	vshrl.u32 v6, $0x11;
	v7 =	vld.idx.msk [tilespmem:v7+s7+$0x0], vm0;
	_ =	sdelay $0x4  }
0x1aa: {  	[tilespmem:v6+s22+$0x0] =	vst.idx.msk vm0, v7  }
.LBB2_18:
.Ltmp14:
0x1ab: {  	(pc) =	sbr.rel @p2 .LBB2_25-.Ltmp14, $1  }
0x1ac: {  	_ =	sdelay $0x3  }
0x1ad: {  	p6 =	sne.s32 s4, $0x1  }
.Ltmp15:
0x1ae: {  	_ = 	snop;
	(pc) =	sbr.rel @!p6 .LBB2_20-.Ltmp15, $3  }
0x1af: {  	_ =	sdelay $0x1  }
0x1b0: {  	s2 =	simm.s32 $0x1A800  }
0x1b1: {  	s18 =	simm.s32 $0x0;
	p5 =	por $0x0, $0x0;
	v6 =	vld [tilespmem:s2+$0x0];
	s2 =	sadd.s32 $0xFFFFFFFF, s4  }
0x1b2: {  	_ =	sdelay $0x1  }
0x1b3: {  	v7 =	vor.u32 s18, v0  }
0x1b4: {  	vm0 =	vlt.s32 v7, v3  }
0x1b5: {  	v7 =	vand.u32 $0x1FFFF, v6;
	_ =	sdelay $0x4  }
0x1b6: {  	v6 =	vshrl.u32 v6, $0x11;
	v7 =	vld.idx.msk [tilespmem:v7+s7+$0x0], vm0  }
0x1b7: {  	p6 =	sne.s32 s2, $0x1  }
.Ltmp16:
0x1b8: {  	_ = 	snop;
	(pc) =	sbr.rel @!p6 .LBB2_22-.Ltmp16, $3  }
0x1b9: {  	_ =	sdelay $0x1  }
0x1ba: {  	s25 =	simm.s32 $0x1A810;
	[tilespmem:v6+s23+$0x0] =	vst.idx.msk vm0, v7  }
0x1bb: {  	s3 =	sadd.s32 $0xFFFFFFFF, s2;
	p5 =	por $0x1, $0x1;
	s2 =	simm.s32 $0x0;
	v6 =	vld [tilespmem:s25+$0x0]  }
.LBB2_23:
0x1bc: {  	p6 =	sne.s32 s3, $0x1  }
0x1bd: {  	s2 =	sadd.s32 $0x10, s2  }
0x1be: {  	v7 =	vor.u32 s2, v0  }
0x1bf: {  	vm0 =	vlt.s32 v7, v3  }
0x1c0: {  	v7 =	vand.u32 $0x1FFFF, v6;
	_ =	sdelay $0x4  }
0x1c1: {  	v7 =	vld.idx.msk [tilespmem:v7+s7+$0x0], vm0  }
0x1c2: {  	v6 =	vshrl.u32 v6, $0x11;
	_ =	sdelay $0x1  }
.Ltmp17:
0x1c3: {  	(pc) =	sbr.rel @p6 .LBB2_23-.Ltmp17, $3  }
0x1c4: {  	_ =	sdelay $0x1  }
0x1c5: {  	s25 =	sadd.s32 $0x10, s25;
	[tilespmem:v6+s23+$0x0] =	vst.idx.msk vm0, v7  }
0x1c6: {  	s3 =	sadd.s32 $0xFFFFFFFF, s3;
	v6 =	vld [tilespmem:s25+$0x0]  }
.LBB2_24:
0x1c7: {  	s2 =	sadd.s32 @p5 $0x10, s2  }
0x1c8: {  	s18 =	smov.u32 @p5 s2  }
0x1c9: {  	v7 =	vor.u32 s18, v0  }
0x1ca: {  	vm0 =	vlt.s32 v7, v3  }
0x1cb: {  	v7 =	vand.u32 $0x1FFFF, v6;
	_ =	sdelay $0x4  }
0x1cc: {  	v6 =	vshrl.u32 v6, $0x11;
	v7 =	vld.idx.msk [tilespmem:v7+s7+$0x0], vm0;
	_ =	sdelay $0x4  }
0x1cd: {  	[tilespmem:v6+s23+$0x0] =	vst.idx.msk vm0, v7  }
.LBB2_25:
0x1ce: {  	s29 =	sadd.s32 $0x1, s29  }
0x1cf: {  	s2 =	smov.u32 s9;
	p5 =	slt.s32 s29, s9  }
0x1d0: {  	s2 =	smov.u32 @p5 s29  }
0x1d1: {  	s3 =	sshrl.u32 s2, $0x3  }
0x1d2: {  	s2 =	sshll.u32 s2, $0x7;
	s3 =	smul.u32 $0xC3800, s3  }
0x1d3: {  	s2 =	sand.u32 $0x380, s2  }
.Ltmp18:
0x1d4: {  	_ =	swait.ge [sflag:s24], $0xC380;
	s2 =	sor.u32 s2, s3;
	(pc) =	sbr.rel @p3 .LBB2_32-.Ltmp18, $4  }
0x1d5: {  	[sflag:s24] =	ssyncset.done $0x0;
	s2 =	sshrl.u32 s2, $0x3  }
0x1d6: {  	s18 =	simm.s32 $0x0;
	[sflag:s24] =	ssyncadd.s32 $0xFFFF3C80;
	s2 =	sadd.s32 s1, s2  }
0x1d7: {  	[tilespmem:s18], [sflag:$0x1] =	stream.strided.gather [hbm4b:s2+s15], $0xC380, s16, s15, $0x38;
	[tilespmem:$0x1F900] =	vst v63  }
0x1d8: {  	s2 =	simm.s32 $0x19780  }
0x1d9: {  	p6 =	sne.s32 s0, $0x1  }
.Ltmp19:
0x1da: {  	_ = 	snop;
	(pc) =	sbr.rel @!p6 .LBB2_27-.Ltmp19, $2  }
0x1db: {  	_ =	sdelay $0x2  }
0x1dc: {  	v6 =	vld [tilespmem:s2+$0x0];
	s3 =	sadd.s32 $0xFFFFFFFF, s0;
	p5 =	por $0x0, $0x0  }
0x1dd: {  	_ =	sdelay $0x2  }
0x1de: {  	v7 =	vor.u32 s18, v0  }
0x1df: {  	vm0 =	vlt.s32 v7, v4;
	v7 =	vand.u32 $0x1FFFF, v6  }
0x1e0: {  	v7 =	vadd.s32 $0xFFFF3C80, v7;
	_ =	sdelay $0x4  }
0x1e1: {  	v6 =	vshrl.u32 v6, $0x11;
	v7 =	vld.idx.msk [tilespmem:v7+s21+$0x0], vm0  }
0x1e2: {  	p6 =	sne.s32 s3, $0x1  }
.Ltmp20:
0x1e3: {  	_ = 	snop;
	(pc) =	sbr.rel @!p6 .LBB2_29-.Ltmp20, $3  }
0x1e4: {  	_ =	sdelay $0x1  }
0x1e5: {  	s2 =	sadd.s32 $0x10, s2;
	[tilespmem:v6+s22+$0x0] =	vst.idx.msk vm0, v7  }
0x1e6: {  	s3 =	sadd.s32 $0xFFFFFFFF, s3;
	p5 =	por $0x1, $0x1;
	s25 =	simm.s32 $0x0;
	v6 =	vld [tilespmem:s2+$0x0]  }
.LBB2_30:
0x1e7: {  	p6 =	sne.s32 s3, $0x1;
	_ =	sdelay $0x1  }
0x1e8: {  	s25 =	sadd.s32 $0x10, s25  }
0x1e9: {  	v7 =	vor.u32 s25, v0  }
0x1ea: {  	vm0 =	vlt.s32 v7, v4;
	v7 =	vand.u32 $0x1FFFF, v6  }
0x1eb: {  	v7 =	vadd.s32 $0xFFFF3C80, v7;
	_ =	sdelay $0x4  }
0x1ec: {  	v7 =	vld.idx.msk [tilespmem:v7+s21+$0x0], vm0  }
0x1ed: {  	v6 =	vshrl.u32 v6, $0x11;
	_ =	sdelay $0x1  }
.Ltmp21:
0x1ee: {  	(pc) =	sbr.rel @p6 .LBB2_30-.Ltmp21, $3  }
0x1ef: {  	_ =	sdelay $0x1  }
0x1f0: {  	s2 =	sadd.s32 $0x10, s2;
	[tilespmem:v6+s22+$0x0] =	vst.idx.msk vm0, v7  }
0x1f1: {  	s3 =	sadd.s32 $0xFFFFFFFF, s3;
	v6 =	vld [tilespmem:s2+$0x0]  }
.LBB2_31:
0x1f2: {  	_ = 	snop  }
0x1f3: {  	s2 =	sadd.s32 @p5 $0x10, s25  }
0x1f4: {  	s18 =	smov.u32 @p5 s2  }
0x1f5: {  	v7 =	vor.u32 s18, v0  }
0x1f6: {  	vm0 =	vlt.s32 v7, v4;
	v7 =	vand.u32 $0x1FFFF, v6  }
0x1f7: {  	v7 =	vadd.s32 $0xFFFF3C80, v7;
	_ =	sdelay $0x4  }
0x1f8: {  	v6 =	vshrl.u32 v6, $0x11;
	v7 =	vld.idx.msk [tilespmem:v7+s21+$0x0], vm0;
	_ =	sdelay $0x4  }
0x1f9: {  	[tilespmem:v6+s22+$0x0] =	vst.idx.msk vm0, v7  }
.LBB2_32:
.Ltmp22:
0x1fa: {  	(pc) =	sbr.rel @p4 .LBB2_39-.Ltmp22, $1  }
0x1fb: {  	_ =	sdelay $0x3  }
0x1fc: {  	p6 =	sne.s32 s12, $0x1  }
.Ltmp23:
0x1fd: {  	_ = 	snop;
	(pc) =	sbr.rel @!p6 .LBB2_34-.Ltmp23, $4  }
0x1fe: {  	_ = 	snop  }
0x1ff: {  	s2 =	simm.s32 $0x1B880  }
0x200: {  	v6 =	vld [tilespmem:s2+$0x0]  }
0x201: {  	s18 =	simm.s32 $0x0;
	s3 =	sadd.s32 $0xFFFFFFFF, s12;
	p5 =	por $0x0, $0x0  }
0x202: {  	_ =	sdelay $0x1  }
0x203: {  	v7 =	vor.u32 s18, v0  }
0x204: {  	vm0 =	vlt.s32 v7, v5;
	v7 =	vand.u32 $0x1FFFF, v6  }
0x205: {  	v7 =	vadd.s32 $0xFFFF3C80, v7;
	_ =	sdelay $0x4  }
0x206: {  	v6 =	vshrl.u32 v6, $0x11;
	v7 =	vld.idx.msk [tilespmem:v7+s21+$0x0], vm0;
	_ =	sdelay $0x1  }
0x207: {  	p6 =	sne.s32 s3, $0x1  }
.Ltmp24:
0x208: {  	_ = 	snop;
	(pc) =	sbr.rel @!p6 .LBB2_36-.Ltmp24, $4  }
0x209: {  	_ = 	snop  }
0x20a: {  	s2 =	simm.s32 $0x1B890;
	[tilespmem:v6+s23+$0x0] =	vst.idx.msk vm0, v7  }
0x20b: {  	v6 =	vld [tilespmem:s2+$0x0]  }
0x20c: {  	s3 =	sadd.s32 $0xFFFFFFFF, s3;
	p5 =	por $0x1, $0x1;
	s25 =	simm.s32 $0x0  }
.LBB2_37:
0x20d: {  	p6 =	sne.s32 s3, $0x1;
	_ =	sdelay $0x1  }
0x20e: {  	s25 =	sadd.s32 $0x10, s25  }
0x20f: {  	v7 =	vor.u32 s25, v0  }
0x210: {  	vm0 =	vlt.s32 v7, v5;
	v7 =	vand.u32 $0x1FFFF, v6  }
0x211: {  	v7 =	vadd.s32 $0xFFFF3C80, v7;
	_ =	sdelay $0x4  }
0x212: {  	v7 =	vld.idx.msk [tilespmem:v7+s21+$0x0], vm0  }
0x213: {  	v6 =	vshrl.u32 v6, $0x11;
	_ =	sdelay $0x1  }
.Ltmp25:
0x214: {  	(pc) =	sbr.rel @p6 .LBB2_37-.Ltmp25, $3  }
0x215: {  	_ =	sdelay $0x1  }
0x216: {  	s2 =	sadd.s32 $0x10, s2;
	[tilespmem:v6+s23+$0x0] =	vst.idx.msk vm0, v7  }
0x217: {  	s3 =	sadd.s32 $0xFFFFFFFF, s3;
	v6 =	vld [tilespmem:s2+$0x0]  }
.Ltmp26:
0x218: {  	_ = 	snop;
	(pc) =	sbr.rel .LBB2_38-.Ltmp26, $1  }
0x219: {  	_ =	sdelay $0x3  }
.LBB2_13:
.Ltmp27:
0x21a: {  	(pc) =	sbr.rel .LBB2_17-.Ltmp27, $2  }
0x21b: {  	_ =	sdelay $0x2  }
0x21c: {  	s2 =	simm.s32 $0x0  }
.LBB2_20:
.Ltmp28:
0x21d: {  	(pc) =	sbr.rel .LBB2_24-.Ltmp28, $2  }
0x21e: {  	_ =	sdelay $0x2  }
0x21f: {  	s2 =	simm.s32 $0x0  }
.LBB2_27:
.Ltmp29:
0x220: {  	(pc) =	sbr.rel .LBB2_31-.Ltmp29, $2  }
0x221: {  	_ =	sdelay $0x2  }
0x222: {  	s25 =	simm.s32 $0x0  }
.LBB2_15:
.Ltmp30:
0x223: {  	(pc) =	sbr.rel .LBB2_17-.Ltmp30, $2  }
0x224: {  	_ =	sdelay $0x2  }
0x225: {  	s2 =	simm.s32 $0x0  }
.LBB2_22:
.Ltmp31:
0x226: {  	(pc) =	sbr.rel .LBB2_24-.Ltmp31, $2  }
0x227: {  	_ =	sdelay $0x2  }
0x228: {  	s2 =	simm.s32 $0x0  }
.LBB2_29:
.Ltmp32:
0x229: {  	(pc) =	sbr.rel .LBB2_31-.Ltmp32, $2  }
0x22a: {  	_ =	sdelay $0x2  }
0x22b: {  	s25 =	simm.s32 $0x0  }
.LBB2_36:
.Ltmp33:
0x22c: {  	(pc) =	sbr.rel .LBB2_38-.Ltmp33, $2  }
0x22d: {  	_ =	sdelay $0x2  }
0x22e: {  	s25 =	simm.s32 $0x0  }
.LBB2_3:
0x22f: {  	_ =	sfence.sel $0x180000  }
0x230: {  	[bflag:$0x0] =	sbarrier.arrive $0xFFFF  }
0x231: {  	_ =	strace $0x9000004D  }
0x232: {  	s0 =	stileid.u32;
	[bflag:$0x2] =	sbarrier.arrive $0xFFFF  }
0x233: {  	p0 =	sne.s32 s0, $0x0;
	s0 =	rddreg [dreg:$0x5]  }
0x234: {  	s0 =	sadd.s32 @!p0 $0x100000, s0  }
0x235: {  	[sflag:s0] =	ssyncadd.tile.s32 @!p0 $0x1;
	_ =	shalt  }
.Lfunc_end2:
_tile_overlayer_lowered:
.L_overlay_start_2:
0x236: {  	(tag) =	ssettag $0x2  }
0x237: {  	s0 =	rddreg [dreg:$0x0];
	s2 =	stileid.u32  }
0x238: {  	s1 =	rddreg [dreg:$0x1];
	p0 =	sne.s32 s2, $0x0  }
0x239: {  	s3 =	rddreg [dreg:$0x2];
	[bflag:$0x3] =	sbarrier.arrive $0xFFFF;
	s2 =	simm.s32 @!p0 $0x1C04  }
0x23a: {  	[timem:s3], [sflag:s2] =	dma.local @!p0 [hbm:s0], s1  }
0x23b: {  	s0 =	simm.s32 @!p0 $0x4  }
0x23c: {  	_ =	swait.ge @!p0 [sflag:s0], s1  }
0x23d: {  	s1 =	ssub.s32 @!p0 $0x0, s1;
	[sflag:s0] =	ssyncset.done @!p0 $0x0  }
0x23e: {  	[sflag:s0] =	ssyncadd.s32 @!p0 s1  }
0x23f: {  	[bflag:$0x3] =	sbarrier.arrive $0xFFFF  }
0x240: {  	_ =	shalt  }

</sc_bundles>
